<compile_context>
chip_gen: v7x
topology: tpu7x:2x2x1
jax: 0.10.2.dev20260603
libtpu: 0.0.44.dev20260713+nightly
codegen_flags: <defaults>
</compile_context>

<pallas_src>
import functools

import jax
import jax.numpy as jnp
from jax import lax
from jax.experimental import pallas as pl
from jax.experimental.pallas import tpu as pltpu
from jax.experimental.pallas import tpu_sc as plsc

N, E, D, D_EDGE = 10000, 320000, 128, 16
LANES = 16

NC, NS = 2, 16
NW = NC * NS
EPW = E // NW
CHUNK = 40
NCHUNK = EPW // CHUNK
N_PAD = 10240
ROWS_PER_TILE = N_PAD // NS
WB = 128

A_GRID = 40
BLK_E = E // A_GRID
BLK_N = 256


def _stage_a_body(x_ref, eattr_ref, wm_ref, we_ref, bm_ref, xm_ref, ea_ref):
    xm_ref[...] = jnp.dot(x_ref[...], wm_ref[...],
                          preferred_element_type=jnp.float32)
    ea_ref[...] = jnp.dot(eattr_ref[...], we_ref[...],
                          preferred_element_type=jnp.float32) + bm_ref[...]


_stage_a = pl.pallas_call(
    _stage_a_body,
    grid=(A_GRID,),
    in_specs=[
        pl.BlockSpec((BLK_N, D), lambda i: (i, 0)),
        pl.BlockSpec((BLK_E, D_EDGE), lambda i: (i, 0)),
        pl.BlockSpec((D, D), lambda i: (0, 0)),
        pl.BlockSpec((D_EDGE, D), lambda i: (0, 0)),
        pl.BlockSpec((1, D), lambda i: (0, 0)),
    ],
    out_specs=[
        pl.BlockSpec((BLK_N, D), lambda i: (i, 0)),
        pl.BlockSpec((BLK_E, D), lambda i: (i, 0)),
    ],
    out_shape=[
        jax.ShapeDtypeStruct((N, D), jnp.float32),
        jax.ShapeDtypeStruct((E, D), jnp.float32),
    ],
)


def _stage_b_build():
    mesh = plsc.VectorSubcoreMesh(core_axis_name="c", subcore_axis_name="s")

    @functools.partial(
        pl.kernel,
        mesh=mesh,
        out_type=jax.ShapeDtypeStruct((NC, N_PAD, D), jnp.float32),
        scratch_types=[
            pltpu.VMEM((2, CHUNK), jnp.int32),
            pltpu.VMEM((2, CHUNK), jnp.int32),
            pltpu.VMEM((2, CHUNK, D), jnp.float32),
            pltpu.VMEM((2, CHUNK, D), jnp.float32),
            pltpu.VMEM_SHARED((N_PAD, D), jnp.float32),
            pltpu.SemaphoreType.DMA,
            pltpu.SemaphoreType.DMA,
            pltpu.SemaphoreType.DMA,
            pltpu.SemaphoreType.DMA,
            pltpu.SemaphoreType.DMA,
        ],
    )
    def stage_b(xm_hbm, ea_hbm, zeros_hbm, src_hbm, dst_hbm, out_hbm,
                src_v, dst_v, rows_v, ea_v, agg_sh,
                sem_g, sem_e, sem_d, sem_s, sem_sc):
        c = lax.axis_index("c")
        s = lax.axis_index("s")
        wid = c * NS + s

        def gather_d(b):
            return pltpu.make_async_copy(xm_hbm.at[src_v.at[b]],
                                         rows_v.at[b], sem_g)

        def src_d(ci, b):
            return pltpu.make_async_copy(src_hbm.at[wid, ci], src_v.at[b],
                                         sem_s)

        def ea_d(ci, b):
            base = wid * EPW + ci * CHUNK
            return pltpu.make_async_copy(ea_hbm.at[pl.ds(base, CHUNK)],
                                         ea_v.at[b], sem_e)

        def dst_d(ci, b):
            return pltpu.make_async_copy(dst_hbm.at[wid, ci], dst_v.at[b],
                                         sem_d)

        def scatter_d(b):
            return pltpu.make_async_copy(ea_v.at[b],
                                         agg_sh.at[dst_v.at[b]], sem_sc)

        pltpu.sync_copy(zeros_hbm.at[pl.ds(s * ROWS_PER_TILE, ROWS_PER_TILE)],
                        agg_sh.at[pl.ds(s * ROWS_PER_TILE, ROWS_PER_TILE)])
        plsc.subcore_barrier()
        src_d(0, 0).start()
        src_d(1, 1).start()
        src_d(0, 0).wait()
        src_d(1, 1).wait()
        gather_d(0).start()
        gather_d(1).start()
        ea_d(0, 0).start()
        dst_d(0, 0).start()

        def outer_body(g, carry):
            for b in range(2):
                ci = 2 * g + b
                o = 1 - b

                @pl.when(ci >= 1)
                def _():
                    scatter_d(o).wait()

                @pl.when(ci + 1 < NCHUNK)
                def _():
                    ea_d(ci + 1, o).start()
                    dst_d(ci + 1, o).start()

                gather_d(b).wait()

                @pl.when(ci + 2 < NCHUNK)
                def _():
                    src_d(ci + 2, b).start()

                ea_d(ci, b).wait()
                dst_d(ci, b).wait()

                @plsc.parallel_loop(0, CHUNK, unroll=4)
                def row_body(i):
                    for j in range(D // LANES):
                        sl = pl.ds(j * LANES, LANES)
                        v = rows_v[b, i, sl] + ea_v[b, i, sl]
                        ea_v[b, i, sl] = jnp.maximum(v, 0.0)
                scatter_d(b).start(add=True)

                @pl.when(ci + 2 < NCHUNK)
                def _():
                    src_d(ci + 2, b).wait()
                    gather_d(b).start()
            return carry

        lax.fori_loop(0, NCHUNK // 2, outer_body, 0)
        scatter_d(1).wait()
        plsc.subcore_barrier()

        for b in range(ROWS_PER_TILE // CHUNK):
            r0 = s * ROWS_PER_TILE + b * CHUNK
            pltpu.sync_copy(agg_sh.at[pl.ds(r0, CHUNK)], ea_v.at[0])
            pltpu.sync_copy(ea_v.at[0], out_hbm.at[c, pl.ds(r0, CHUNK)])

    return stage_b


_stage_b = _stage_b_build()


def _stage_c_body(agg_ref, x_ref, wa_ref, ws_ref, bo_ref, a_ref, g_ref,
                  be_ref, out_ref):
    agg = (agg_ref[0] + agg_ref[1])[:N]
    h = jnp.dot(agg, wa_ref[...], preferred_element_type=jnp.float32)
    h = h + jnp.dot(x_ref[...], ws_ref[...], preferred_element_type=jnp.float32)
    h = h + bo_ref[...]
    slope = a_ref[0, 0]
    h = jnp.where(h >= 0, h, slope * h)
    mean = jnp.mean(h, axis=0, keepdims=True)
    var = jnp.mean((h - mean) ** 2, axis=0, keepdims=True)
    out_ref[...] = (h - mean) / jnp.sqrt(var + 1e-5) * g_ref[...] + be_ref[...]


_stage_c = pl.pallas_call(
    _stage_c_body,
    out_shape=jax.ShapeDtypeStruct((N, D), jnp.float32),
)


def kernel(x, edge_index, edge_attr, W_msg, W_edge, b_msg, W_agg, W_self,
           b_out, a, gamma, beta):
    src = edge_index[0].reshape(NW, NCHUNK, CHUNK)
    dst = edge_index[1].reshape(NW, NCHUNK, CHUNK)
    xm, ea = _stage_a(x, edge_attr, W_msg, W_edge, b_msg.reshape(1, D))
    zeros = jnp.zeros((N_PAD, D), dtype=jnp.float32)
    agg = _stage_b(xm, ea, zeros, src, dst)
    out = _stage_c(agg, x, W_agg, W_self, b_out.reshape(1, D),
                   a.reshape(1, 1), gamma.reshape(1, D), beta.reshape(1, D))
    return out

# --- scband reference (transcript-rebuilt; emitter-appended) ---
"""Pipeline reference for scband-gnblock-19868518711954 (READ-ONLY COPY).

The authoritative reference and input builder live on the scoring server;
editing this copy changes nothing except your own understanding.
"""

import jax, jax.numpy as jnp
import numpy as np

N, E, D_IN, D_HID, D_OUT, D_EDGE = 10000, 320000, 128, 128, 128, 16


def setup_inputs(seed: int = 0) -> dict:
    key = jax.random.key(seed)
    ks = jax.random.split(key, 12)
    x = jax.random.normal(ks[0], (N, D_IN), dtype=jnp.float32)
    edge_index = jax.random.randint(ks[1], (2, E), 0, N, dtype=jnp.int32)
    edge_attr = jax.random.normal(ks[2], (E, D_EDGE), dtype=jnp.float32)
    W_msg = jax.random.normal(ks[3], (D_IN, D_HID), dtype=jnp.float32) * 0.05
    W_edge = jax.random.normal(ks[4], (D_EDGE, D_HID), dtype=jnp.float32) * 0.05
    b_msg = jnp.zeros((D_HID,), dtype=jnp.float32)
    W_agg = jax.random.normal(ks[5], (D_HID, D_OUT), dtype=jnp.float32) * 0.05
    W_self = jax.random.normal(ks[6], (D_IN, D_OUT), dtype=jnp.float32) * 0.05
    b_out = jnp.zeros((D_OUT,), dtype=jnp.float32)
    a = jnp.asarray(0.25, dtype=jnp.float32)  # PReLU slope
    gamma = jnp.ones((D_OUT,), dtype=jnp.float32)
    beta = jnp.zeros((D_OUT,), dtype=jnp.float32)
    return {"x": x, "edge_index": edge_index, "edge_attr": edge_attr,
            "W_msg": W_msg, "W_edge": W_edge, "b_msg": b_msg,
            "W_agg": W_agg, "W_self": W_self, "b_out": b_out,
            "a": a, "gamma": gamma, "beta": beta}


def reference(x, edge_index, edge_attr, W_msg, W_edge, b_msg, W_agg, W_self, b_out, a, gamma, beta):
    src = edge_index[0]
    dst = edge_index[1]
    # GNLayer: edge messages from gathered source features + edge attributes
    msg = jnp.take(x, src, axis=0) @ W_msg + edge_attr @ W_edge + b_msg
    msg = jax.nn.relu(msg)
    # scatter-add aggregation at destination nodes
    agg = jax.ops.segment_sum(msg, dst, num_segments=N)
    h = agg @ W_agg + x @ W_self + b_out
    # PReLU
    h = jnp.where(h >= 0, h, a * h)
    # BatchNorm over the node dimension (training-mode batch statistics)
    mean = jnp.mean(h, axis=0)
    var = jnp.var(h, axis=0)
    out = (h - mean) / jnp.sqrt(var + 1e-5) * gamma + beta
    return out

if __name__ == "__main__":
    import jax
    _d = setup_inputs()
    print(jax.jit(kernel)(*tuple(_d.values())))

</pallas_src>

<mosaic_0001>
#map = affine_map<(d0, d1) -> (0, 0)>
#map1 = affine_map<(d0, d1) -> (0, 0, 0)>
module attributes {stable_mosaic.version = 14 : i64} {
  func.func @stage_b(%arg0: i32, %arg1: i32, %arg2: memref<10000x128xf32, #tpu.memory_space<hbm>>, %arg3: memref<320000x128xf32, #tpu.memory_space<hbm>>, %arg4: memref<10240x128xf32, #tpu.memory_space<hbm>>, %arg5: memref<32x250x40xi32, #tpu.memory_space<hbm>>, %arg6: memref<32x250x40xi32, #tpu.memory_space<hbm>>, %arg7: memref<2x10240x128xf32, #tpu.memory_space<hbm>>, %arg8: memref<2x40xi32, #tpu.memory_space<vmem>>, %arg9: memref<2x40xi32, #tpu.memory_space<vmem>>, %arg10: memref<2x40x128xf32, #tpu.memory_space<vmem>>, %arg11: memref<2x40x128xf32, #tpu.memory_space<vmem>>, %arg12: memref<10240x128xf32, #tpu.memory_space<vmem_shared>>, %arg13: memref<!tpu.dma_semaphore, #tpu.memory_space<semaphore_mem>>, %arg14: memref<!tpu.dma_semaphore, #tpu.memory_space<semaphore_mem>>, %arg15: memref<!tpu.dma_semaphore, #tpu.memory_space<semaphore_mem>>, %arg16: memref<!tpu.dma_semaphore, #tpu.memory_space<semaphore_mem>>, %arg17: memref<!tpu.dma_semaphore, #tpu.memory_space<semaphore_mem>>) attributes {dimension_semantics = [#tpu.dimension_semantics<core_parallel>, #tpu.dimension_semantics<subcore_parallel>], iteration_bounds = array<i64: 2, 16>, scalar_prefetch = 0 : i64, scratch_operands = 10 : i64, tpu.core_type = #tpu.core_type<sc_vector_subcore>, window_params = [{transform_indices = #map}, {transform_indices = #map}, {transform_indices = #map}, {transform_indices = #map1}, {transform_indices = #map1}, {transform_indices = #map1}]} {
    %mul3A = arith.constant 16 : i32
    %mul3A_0 = arith.muli %arg0, %mul3A : i32
    %add3A = arith.addi %mul3A_0, %arg1 : i32
    %mul3A_1 = arith.constant 640 : i32
    %mul3A_2 = arith.muli %arg1, %mul3A_1 : i32
    %mul3A_3 = arith.constant 640 : i32
    %mul3A_4 = arith.muli %arg1, %mul3A_3 : i32
    "tpu.region"() ({
      %run_scoped3A_227 = tpu.sem_alloc : memref<!tpu.dma_semaphore, #tpu.memory_space<semaphore_mem>>
      %dma_start3A_228 = arith.constant 0 : i32
      %dma_start3A_229 = tpu.memref_slice %arg12[%mul3A_4, %dma_start3A_228] : memref<10240x128xf32, #tpu.memory_space<vmem_shared>> -> memref<640x128xf32, #tpu.memory_space<vmem_shared>>
      %dma_start3A_230 = arith.constant 0 : i32
      %dma_start3A_231 = tpu.memref_slice %arg4[%mul3A_2, %dma_start3A_230] : memref<10240x128xf32, #tpu.memory_space<hbm>> -> memref<640x128xf32, #tpu.memory_space<hbm>>
      tpu.enqueue_dma source(%dma_start3A_231 : memref<640x128xf32, #tpu.memory_space<hbm>>) target(%dma_start3A_229 : memref<640x128xf32, #tpu.memory_space<vmem_shared>>) target_semaphore(%run_scoped3A_227 : memref<!tpu.dma_semaphore, #tpu.memory_space<semaphore_mem>>)
      %dma_wait3A_232 = arith.constant 0 : i32
      %dma_wait3A_233 = tpu.memref_slice %arg12[%mul3A_4, %dma_wait3A_232] : memref<10240x128xf32, #tpu.memory_space<vmem_shared>> -> memref<640x128xf32, #tpu.memory_space<vmem_shared>>
      %dma_wait3A_234 = arith.constant 0 : i32
      %dma_wait3A_235 = tpu.memref_slice %arg4[%mul3A_2, %dma_wait3A_234] : memref<10240x128xf32, #tpu.memory_space<hbm>> -> memref<640x128xf32, #tpu.memory_space<hbm>>
      tpu.wait_dma2 semaphore(%run_scoped3A_227 : memref<!tpu.dma_semaphore, #tpu.memory_space<semaphore_mem>>) src(%dma_wait3A_235 : memref<640x128xf32, #tpu.memory_space<hbm>>) dst(%dma_wait3A_233 : memref<640x128xf32, #tpu.memory_space<vmem_shared>>)
      tpu.yield
    }) : () -> ()
    %barrier3A = arith.constant 0 : index
    tpu.barrier barrier_id(%barrier3A)
    %dma_start3A = arith.constant 0 : i32
    %dma_start3A_5 = arith.constant 0 : i32
    %dma_start3A_6 = arith.constant 0 : i32
    %dma_start3A_7 = tpu.memref_slice %arg8[%dma_start3A_5, %dma_start3A_6] : memref<2x40xi32, #tpu.memory_space<vmem>> -> memref<1x40xi32, #tpu.memory_space<vmem>>
    %dma_start3A_8 = tpu.memref_squeeze %dma_start3A_7 : memref<1x40xi32, #tpu.memory_space<vmem>> -> memref<40xi32, #tpu.memory_space<vmem>>
    %dma_start3A_9 = arith.constant 0 : i32
    %dma_start3A_10 = tpu.memref_slice %arg5[%add3A, %dma_start3A, %dma_start3A_9] : memref<32x250x40xi32, #tpu.memory_space<hbm>> -> memref<1x1x40xi32, #tpu.memory_space<hbm>>
    %dma_start3A_11 = tpu.memref_squeeze %dma_start3A_10 : memref<1x1x40xi32, #tpu.memory_space<hbm>> -> memref<40xi32, #tpu.memory_space<hbm>>
    %dma_start3A_12 = arith.constant 0 : i32
    %dma_start3A_13 = tpu.memref_slice %arg8[%dma_start3A_5, %dma_start3A_12] : memref<2x40xi32, #tpu.memory_space<vmem>> -> memref<1x40xi32, #tpu.memory_space<vmem>>
    %dma_start3A_14 = tpu.memref_squeeze %dma_start3A_13 : memref<1x40xi32, #tpu.memory_space<vmem>> -> memref<40xi32, #tpu.memory_space<vmem>>
    %dma_start3A_15 = arith.constant 0 : i32
    %dma_start3A_16 = tpu.memref_slice %arg5[%add3A, %dma_start3A, %dma_start3A_15] : memref<32x250x40xi32, #tpu.memory_space<hbm>> -> memref<1x1x40xi32, #tpu.memory_space<hbm>>
    %dma_start3A_17 = tpu.memref_squeeze %dma_start3A_16 : memref<1x1x40xi32, #tpu.memory_space<hbm>> -> memref<40xi32, #tpu.memory_space<hbm>>
    tpu.enqueue_dma source(%dma_start3A_17 : memref<40xi32, #tpu.memory_space<hbm>>) target(%dma_start3A_14 : memref<40xi32, #tpu.memory_space<vmem>>) target_semaphore(%arg16 : memref<!tpu.dma_semaphore, #tpu.memory_space<semaphore_mem>>)
    %dma_start3A_18 = arith.constant 1 : i32
    %dma_start3A_19 = arith.constant 1 : i32
    %dma_start3A_20 = arith.constant 0 : i32
    %dma_start3A_21 = tpu.memref_slice %arg8[%dma_start3A_19, %dma_start3A_20] : memref<2x40xi32, #tpu.memory_space<vmem>> -> memref<1x40xi32, #tpu.memory_space<vmem>>
    %dma_start3A_22 = tpu.memref_squeeze %dma_start3A_21 : memref<1x40xi32, #tpu.memory_space<vmem>> -> memref<40xi32, #tpu.memory_space<vmem>>
    %dma_start3A_23 = arith.constant 0 : i32
    %dma_start3A_24 = tpu.memref_slice %arg5[%add3A, %dma_start3A_18, %dma_start3A_23] : memref<32x250x40xi32, #tpu.memory_space<hbm>> -> memref<1x1x40xi32, #tpu.memory_space<hbm>>
    %dma_start3A_25 = tpu.memref_squeeze %dma_start3A_24 : memref<1x1x40xi32, #tpu.memory_space<hbm>> -> memref<40xi32, #tpu.memory_space<hbm>>
    %dma_start3A_26 = arith.constant 0 : i32
    %dma_start3A_27 = tpu.memref_slice %arg8[%dma_start3A_19, %dma_start3A_26] : memref<2x40xi32, #tpu.memory_space<vmem>> -> memref<1x40xi32, #tpu.memory_space<vmem>>
    %dma_start3A_28 = tpu.memref_squeeze %dma_start3A_27 : memref<1x40xi32, #tpu.memory_space<vmem>> -> memref<40xi32, #tpu.memory_space<vmem>>
    %dma_start3A_29 = arith.constant 0 : i32
    %dma_start3A_30 = tpu.memref_slice %arg5[%add3A, %dma_start3A_18, %dma_start3A_29] : memref<32x250x40xi32, #tpu.memory_space<hbm>> -> memref<1x1x40xi32, #tpu.memory_space<hbm>>
    %dma_start3A_31 = tpu.memref_squeeze %dma_start3A_30 : memref<1x1x40xi32, #tpu.memory_space<hbm>> -> memref<40xi32, #tpu.memory_space<hbm>>
    tpu.enqueue_dma source(%dma_start3A_31 : memref<40xi32, #tpu.memory_space<hbm>>) target(%dma_start3A_28 : memref<40xi32, #tpu.memory_space<vmem>>) target_semaphore(%arg16 : memref<!tpu.dma_semaphore, #tpu.memory_space<semaphore_mem>>)
    %dma_wait3A = arith.constant 0 : i32
    %dma_wait3A_32 = arith.constant 0 : i32
    %dma_wait3A_33 = arith.constant 0 : i32
    %dma_wait3A_34 = tpu.memref_slice %arg8[%dma_wait3A_32, %dma_wait3A_33] : memref<2x40xi32, #tpu.memory_space<vmem>> -> memref<1x40xi32, #tpu.memory_space<vmem>>
    %dma_wait3A_35 = tpu.memref_squeeze %dma_wait3A_34 : memref<1x40xi32, #tpu.memory_space<vmem>> -> memref<40xi32, #tpu.memory_space<vmem>>
    %dma_wait3A_36 = arith.constant 0 : i32
    %dma_wait3A_37 = tpu.memref_slice %arg5[%add3A, %dma_wait3A, %dma_wait3A_36] : memref<32x250x40xi32, #tpu.memory_space<hbm>> -> memref<1x1x40xi32, #tpu.memory_space<hbm>>
    %dma_wait3A_38 = tpu.memref_squeeze %dma_wait3A_37 : memref<1x1x40xi32, #tpu.memory_space<hbm>> -> memref<40xi32, #tpu.memory_space<hbm>>
    %dma_wait3A_39 = arith.constant 0 : i32
    %dma_wait3A_40 = tpu.memref_slice %arg8[%dma_wait3A_32, %dma_wait3A_39] : memref<2x40xi32, #tpu.memory_space<vmem>> -> memref<1x40xi32, #tpu.memory_space<vmem>>
    %dma_wait3A_41 = tpu.memref_squeeze %dma_wait3A_40 : memref<1x40xi32, #tpu.memory_space<vmem>> -> memref<40xi32, #tpu.memory_space<vmem>>
    %dma_wait3A_42 = arith.constant 0 : i32
    %dma_wait3A_43 = tpu.memref_slice %arg5[%add3A, %dma_wait3A, %dma_wait3A_42] : memref<32x250x40xi32, #tpu.memory_space<hbm>> -> memref<1x1x40xi32, #tpu.memory_space<hbm>>
    %dma_wait3A_44 = tpu.memref_squeeze %dma_wait3A_43 : memref<1x1x40xi32, #tpu.memory_space<hbm>> -> memref<40xi32, #tpu.memory_space<hbm>>
    tpu.wait_dma2 semaphore(%arg16 : memref<!tpu.dma_semaphore, #tpu.memory_space<semaphore_mem>>) src(%dma_wait3A_44 : memref<40xi32, #tpu.memory_space<hbm>>) dst(%dma_wait3A_41 : memref<40xi32, #tpu.memory_space<vmem>>)
    %dma_wait3A_45 = arith.constant 1 : i32
    %dma_wait3A_46 = arith.constant 1 : i32
    %dma_wait3A_47 = arith.constant 0 : i32
    %dma_wait3A_48 = tpu.memref_slice %arg8[%dma_wait3A_46, %dma_wait3A_47] : memref<2x40xi32, #tpu.memory_space<vmem>> -> memref<1x40xi32, #tpu.memory_space<vmem>>
    %dma_wait3A_49 = tpu.memref_squeeze %dma_wait3A_48 : memref<1x40xi32, #tpu.memory_space<vmem>> -> memref<40xi32, #tpu.memory_space<vmem>>
    %dma_wait3A_50 = arith.constant 0 : i32
    %dma_wait3A_51 = tpu.memref_slice %arg5[%add3A, %dma_wait3A_45, %dma_wait3A_50] : memref<32x250x40xi32, #tpu.memory_space<hbm>> -> memref<1x1x40xi32, #tpu.memory_space<hbm>>
    %dma_wait3A_52 = tpu.memref_squeeze %dma_wait3A_51 : memref<1x1x40xi32, #tpu.memory_space<hbm>> -> memref<40xi32, #tpu.memory_space<hbm>>
    %dma_wait3A_53 = arith.constant 0 : i32
    %dma_wait3A_54 = tpu.memref_slice %arg8[%dma_wait3A_46, %dma_wait3A_53] : memref<2x40xi32, #tpu.memory_space<vmem>> -> memref<1x40xi32, #tpu.memory_space<vmem>>
    %dma_wait3A_55 = tpu.memref_squeeze %dma_wait3A_54 : memref<1x40xi32, #tpu.memory_space<vmem>> -> memref<40xi32, #tpu.memory_space<vmem>>
    %dma_wait3A_56 = arith.constant 0 : i32
    %dma_wait3A_57 = tpu.memref_slice %arg5[%add3A, %dma_wait3A_45, %dma_wait3A_56] : memref<32x250x40xi32, #tpu.memory_space<hbm>> -> memref<1x1x40xi32, #tpu.memory_space<hbm>>
    %dma_wait3A_58 = tpu.memref_squeeze %dma_wait3A_57 : memref<1x1x40xi32, #tpu.memory_space<hbm>> -> memref<40xi32, #tpu.memory_space<hbm>>
    tpu.wait_dma2 semaphore(%arg16 : memref<!tpu.dma_semaphore, #tpu.memory_space<semaphore_mem>>) src(%dma_wait3A_58 : memref<40xi32, #tpu.memory_space<hbm>>) dst(%dma_wait3A_55 : memref<40xi32, #tpu.memory_space<vmem>>)
    %dma_start3A_59 = arith.constant 0 : i32
    %dma_start3A_60 = arith.constant 0 : i32
    %dma_start3A_61 = arith.constant 0 : i32
    %dma_start3A_62 = arith.constant 0 : i32
    %dma_start3A_63 = tpu.memref_slice %arg10[%dma_start3A_60, %dma_start3A_61, %dma_start3A_62] : memref<2x40x128xf32, #tpu.memory_space<vmem>> -> memref<1x40x128xf32, #tpu.memory_space<vmem>>
    %dma_start3A_64 = tpu.memref_squeeze %dma_start3A_63 : memref<1x40x128xf32, #tpu.memory_space<vmem>> -> memref<40x128xf32, #tpu.memory_space<vmem>>
    %dma_start3A_65 = arith.constant 0 : i32
    %dma_start3A_66 = tpu.memref_slice %arg8[%dma_start3A_59, %dma_start3A_65] : memref<2x40xi32, #tpu.memory_space<vmem>> -> memref<1x40xi32, #tpu.memory_space<vmem>>
    %dma_start3A_67 = tpu.memref_squeeze %dma_start3A_66 : memref<1x40xi32, #tpu.memory_space<vmem>> -> memref<40xi32, #tpu.memory_space<vmem>>
    %dma_start3A_68 = arith.constant 0 : i32
    %dma_start3A_69 = arith.constant 0 : i32
    %dma_start3A_70 = tpu.memref_slice %arg2[%dma_start3A_68, %dma_start3A_69] : memref<10000x128xf32, #tpu.memory_space<hbm>> -> memref<10000x128xf32, #tpu.memory_space<hbm>>
    tpu.enqueue_indirect_dma source(%dma_start3A_70 : memref<10000x128xf32, #tpu.memory_space<hbm>>) target(%dma_start3A_64 : memref<40x128xf32, #tpu.memory_space<vmem>>) offsets(%dma_start3A_67 : memref<40xi32, #tpu.memory_space<vmem>>) semaphore(%arg13 : memref<!tpu.dma_semaphore, #tpu.memory_space<semaphore_mem>>)
    %dma_start3A_71 = arith.constant 1 : i32
    %dma_start3A_72 = arith.constant 1 : i32
    %dma_start3A_73 = arith.constant 0 : i32
    %dma_start3A_74 = arith.constant 0 : i32
    %dma_start3A_75 = tpu.memref_slice %arg10[%dma_start3A_72, %dma_start3A_73, %dma_start3A_74] : memref<2x40x128xf32, #tpu.memory_space<vmem>> -> memref<1x40x128xf32, #tpu.memory_space<vmem>>
    %dma_start3A_76 = tpu.memref_squeeze %dma_start3A_75 : memref<1x40x128xf32, #tpu.memory_space<vmem>> -> memref<40x128xf32, #tpu.memory_space<vmem>>
    %dma_start3A_77 = arith.constant 0 : i32
    %dma_start3A_78 = tpu.memref_slice %arg8[%dma_start3A_71, %dma_start3A_77] : memref<2x40xi32, #tpu.memory_space<vmem>> -> memref<1x40xi32, #tpu.memory_space<vmem>>
    %dma_start3A_79 = tpu.memref_squeeze %dma_start3A_78 : memref<1x40xi32, #tpu.memory_space<vmem>> -> memref<40xi32, #tpu.memory_space<vmem>>
    %dma_start3A_80 = arith.constant 0 : i32
    %dma_start3A_81 = arith.constant 0 : i32
    %dma_start3A_82 = tpu.memref_slice %arg2[%dma_start3A_80, %dma_start3A_81] : memref<10000x128xf32, #tpu.memory_space<hbm>> -> memref<10000x128xf32, #tpu.memory_space<hbm>>
    tpu.enqueue_indirect_dma source(%dma_start3A_82 : memref<10000x128xf32, #tpu.memory_space<hbm>>) target(%dma_start3A_76 : memref<40x128xf32, #tpu.memory_space<vmem>>) offsets(%dma_start3A_79 : memref<40xi32, #tpu.memory_space<vmem>>) semaphore(%arg13 : memref<!tpu.dma_semaphore, #tpu.memory_space<semaphore_mem>>)
    %mul3A_83 = arith.constant 10000 : i32
    %mul3A_84 = arith.muli %add3A, %mul3A_83 : i32
    %add3A_85 = arith.constant 0 : i32
    %add3A_86 = arith.addi %mul3A_84, %add3A_85 : i32
    %dma_start3A_87 = arith.constant 0 : i32
    %dma_start3A_88 = arith.constant 0 : i32
    %dma_start3A_89 = arith.constant 0 : i32
    %dma_start3A_90 = tpu.memref_slice %arg11[%dma_start3A_87, %dma_start3A_88, %dma_start3A_89] : memref<2x40x128xf32, #tpu.memory_space<vmem>> -> memref<1x40x128xf32, #tpu.memory_space<vmem>>
    %dma_start3A_91 = tpu.memref_squeeze %dma_start3A_90 : memref<1x40x128xf32, #tpu.memory_space<vmem>> -> memref<40x128xf32, #tpu.memory_space<vmem>>
    %dma_start3A_92 = arith.constant 0 : i32
    %dma_start3A_93 = tpu.memref_slice %arg3[%add3A_86, %dma_start3A_92] : memref<320000x128xf32, #tpu.memory_space<hbm>> -> memref<40x128xf32, #tpu.memory_space<hbm>>
    %dma_start3A_94 = arith.constant 0 : i32
    %dma_start3A_95 = arith.constant 0 : i32
    %dma_start3A_96 = tpu.memref_slice %arg11[%dma_start3A_87, %dma_start3A_94, %dma_start3A_95] : memref<2x40x128xf32, #tpu.memory_space<vmem>> -> memref<1x40x128xf32, #tpu.memory_space<vmem>>
    %dma_start3A_97 = tpu.memref_squeeze %dma_start3A_96 : memref<1x40x128xf32, #tpu.memory_space<vmem>> -> memref<40x128xf32, #tpu.memory_space<vmem>>
    %dma_start3A_98 = arith.constant 0 : i32
    %dma_start3A_99 = tpu.memref_slice %arg3[%add3A_86, %dma_start3A_98] : memref<320000x128xf32, #tpu.memory_space<hbm>> -> memref<40x128xf32, #tpu.memory_space<hbm>>
    tpu.enqueue_dma source(%dma_start3A_99 : memref<40x128xf32, #tpu.memory_space<hbm>>) target(%dma_start3A_97 : memref<40x128xf32, #tpu.memory_space<vmem>>) target_semaphore(%arg14 : memref<!tpu.dma_semaphore, #tpu.memory_space<semaphore_mem>>)
    %dma_start3A_100 = arith.constant 0 : i32
    %dma_start3A_101 = arith.constant 0 : i32
    %dma_start3A_102 = arith.constant 0 : i32
    %dma_start3A_103 = tpu.memref_slice %arg9[%dma_start3A_101, %dma_start3A_102] : memref<2x40xi32, #tpu.memory_space<vmem>> -> memref<1x40xi32, #tpu.memory_space<vmem>>
    %dma_start3A_104 = tpu.memref_squeeze %dma_start3A_103 : memref<1x40xi32, #tpu.memory_space<vmem>> -> memref<40xi32, #tpu.memory_space<vmem>>
    %dma_start3A_105 = arith.constant 0 : i32
    %dma_start3A_106 = tpu.memref_slice %arg6[%add3A, %dma_start3A_100, %dma_start3A_105] : memref<32x250x40xi32, #tpu.memory_space<hbm>> -> memref<1x1x40xi32, #tpu.memory_space<hbm>>
    %dma_start3A_107 = tpu.memref_squeeze %dma_start3A_106 : memref<1x1x40xi32, #tpu.memory_space<hbm>> -> memref<40xi32, #tpu.memory_space<hbm>>
    %dma_start3A_108 = arith.constant 0 : i32
    %dma_start3A_109 = tpu.memref_slice %arg9[%dma_start3A_101, %dma_start3A_108] : memref<2x40xi32, #tpu.memory_space<vmem>> -> memref<1x40xi32, #tpu.memory_space<vmem>>
    %dma_start3A_110 = tpu.memref_squeeze %dma_start3A_109 : memref<1x40xi32, #tpu.memory_space<vmem>> -> memref<40xi32, #tpu.memory_space<vmem>>
    %dma_start3A_111 = arith.constant 0 : i32
    %dma_start3A_112 = tpu.memref_slice %arg6[%add3A, %dma_start3A_100, %dma_start3A_111] : memref<32x250x40xi32, #tpu.memory_space<hbm>> -> memref<1x1x40xi32, #tpu.memory_space<hbm>>
    %dma_start3A_113 = tpu.memref_squeeze %dma_start3A_112 : memref<1x1x40xi32, #tpu.memory_space<hbm>> -> memref<40xi32, #tpu.memory_space<hbm>>
    tpu.enqueue_dma source(%dma_start3A_113 : memref<40xi32, #tpu.memory_space<hbm>>) target(%dma_start3A_110 : memref<40xi32, #tpu.memory_space<vmem>>) target_semaphore(%arg15 : memref<!tpu.dma_semaphore, #tpu.memory_space<semaphore_mem>>)
    %scan3A = arith.constant 0 : i32
    %scan3A_114 = arith.constant 0 : i32
    %scan3A_115 = arith.constant 125 : i32
    %scan3A_116 = arith.addi %scan3A_114, %scan3A_115 : i32
    %scan3A_117 = arith.constant 1 : i32
    scf.for %scan3A_227 = %scan3A_114 to %scan3A_116 step %scan3A_117  : i32 {
      %mul3A_228 = arith.constant 2 : i32
      %mul3A_229 = arith.muli %mul3A_228, %scan3A_227 : i32
      %add3A_230 = arith.constant 0 : i32
      %add3A_231 = arith.addi %mul3A_229, %add3A_230 : i32
      %ge3A = arith.constant 1 : i32
      %ge3A_232 = arith.cmpi sge, %add3A_231, %ge3A : i32
      %convert_element_type3A = arith.extui %ge3A_232 : i1 to i32
      %cond3A = arith.constant 0 : i32
      %cond3A_233 = arith.cmpi ne, %convert_element_type3A, %cond3A : i32
      scf.if %cond3A_233 {
        %dma_wait3A_399 = arith.constant 1 : i32
        %dma_wait3A_400 = arith.constant 1 : i32
        %dma_wait3A_401 = arith.constant 0 : i32
        %dma_wait3A_402 = arith.constant 0 : i32
        %dma_wait3A_403 = tpu.memref_slice %arg11[%dma_wait3A_399, %dma_wait3A_401, %dma_wait3A_402] : memref<2x40x128xf32, #tpu.memory_space<vmem>> -> memref<1x40x128xf32, #tpu.memory_space<vmem>>
        %dma_wait3A_404 = tpu.memref_squeeze %dma_wait3A_403 : memref<1x40x128xf32, #tpu.memory_space<vmem>> -> memref<40x128xf32, #tpu.memory_space<vmem>>
        %dma_wait3A_405 = arith.constant 0 : i32
        %dma_wait3A_406 = tpu.memref_slice %arg9[%dma_wait3A_400, %dma_wait3A_405] : memref<2x40xi32, #tpu.memory_space<vmem>> -> memref<1x40xi32, #tpu.memory_space<vmem>>
        %dma_wait3A_407 = tpu.memref_squeeze %dma_wait3A_406 : memref<1x40xi32, #tpu.memory_space<vmem>> -> memref<40xi32, #tpu.memory_space<vmem>>
        %dma_wait3A_408 = arith.constant 0 : i32
        %dma_wait3A_409 = arith.constant 0 : i32
        %dma_wait3A_410 = tpu.memref_slice %arg12[%dma_wait3A_408, %dma_wait3A_409] : memref<10240x128xf32, #tpu.memory_space<vmem_shared>> -> memref<10240x128xf32, #tpu.memory_space<vmem_shared>>
        tpu.wait_indirect_dma semaphore(%arg17 : memref<!tpu.dma_semaphore, #tpu.memory_space<semaphore_mem>>) src(%dma_wait3A_404 : memref<40x128xf32, #tpu.memory_space<vmem>>) dst(%dma_wait3A_410 : memref<10240x128xf32, #tpu.memory_space<vmem_shared>>)
      } else {
      }
      %add3A_234 = arith.constant 1 : i32
      %add3A_235 = arith.addi %add3A_231, %add3A_234 : i32
      %lt3A = arith.constant 250 : i32
      %lt3A_236 = arith.cmpi slt, %add3A_235, %lt3A : i32
      %convert_element_type3A_237 = arith.extui %lt3A_236 : i1 to i32
      %cond3A_238 = arith.constant 0 : i32
      %cond3A_239 = arith.cmpi ne, %convert_element_type3A_237, %cond3A_238 : i32
      scf.if %cond3A_239 {
        %add3A_399 = arith.constant 1 : i32
        %add3A_400 = arith.addi %add3A_231, %add3A_399 : i32
        %mul3A_401 = arith.constant 10000 : i32
        %mul3A_402 = arith.muli %add3A, %mul3A_401 : i32
        %mul3A_403 = arith.constant 40 : i32
        %mul3A_404 = arith.muli %add3A_400, %mul3A_403 : i32
        %add3A_405 = arith.addi %mul3A_402, %mul3A_404 : i32
        %dma_start3A_406 = arith.constant 1 : i32
        %dma_start3A_407 = arith.constant 0 : i32
        %dma_start3A_408 = arith.constant 0 : i32
        %dma_start3A_409 = tpu.memref_slice %arg11[%dma_start3A_406, %dma_start3A_407, %dma_start3A_408] : memref<2x40x128xf32, #tpu.memory_space<vmem>> -> memref<1x40x128xf32, #tpu.memory_space<vmem>>
        %dma_start3A_410 = tpu.memref_squeeze %dma_start3A_409 : memref<1x40x128xf32, #tpu.memory_space<vmem>> -> memref<40x128xf32, #tpu.memory_space<vmem>>
        %dma_start3A_411 = arith.constant 0 : i32
        %dma_start3A_412 = tpu.memref_slice %arg3[%add3A_405, %dma_start3A_411] : memref<320000x128xf32, #tpu.memory_space<hbm>> -> memref<40x128xf32, #tpu.memory_space<hbm>>
        %dma_start3A_413 = arith.constant 0 : i32
        %dma_start3A_414 = arith.constant 0 : i32
        %dma_start3A_415 = tpu.memref_slice %arg11[%dma_start3A_406, %dma_start3A_413, %dma_start3A_414] : memref<2x40x128xf32, #tpu.memory_space<vmem>> -> memref<1x40x128xf32, #tpu.memory_space<vmem>>
        %dma_start3A_416 = tpu.memref_squeeze %dma_start3A_415 : memref<1x40x128xf32, #tpu.memory_space<vmem>> -> memref<40x128xf32, #tpu.memory_space<vmem>>
        %dma_start3A_417 = arith.constant 0 : i32
        %dma_start3A_418 = tpu.memref_slice %arg3[%add3A_405, %dma_start3A_417] : memref<320000x128xf32, #tpu.memory_space<hbm>> -> memref<40x128xf32, #tpu.memory_space<hbm>>
        tpu.enqueue_dma source(%dma_start3A_418 : memref<40x128xf32, #tpu.memory_space<hbm>>) target(%dma_start3A_416 : memref<40x128xf32, #tpu.memory_space<vmem>>) target_semaphore(%arg14 : memref<!tpu.dma_semaphore, #tpu.memory_space<semaphore_mem>>)
        %add3A_419 = arith.constant 1 : i32
        %add3A_420 = arith.addi %add3A_231, %add3A_419 : i32
        %dma_start3A_421 = arith.constant 1 : i32
        %dma_start3A_422 = arith.constant 0 : i32
        %dma_start3A_423 = tpu.memref_slice %arg9[%dma_start3A_421, %dma_start3A_422] : memref<2x40xi32, #tpu.memory_space<vmem>> -> memref<1x40xi32, #tpu.memory_space<vmem>>
        %dma_start3A_424 = tpu.memref_squeeze %dma_start3A_423 : memref<1x40xi32, #tpu.memory_space<vmem>> -> memref<40xi32, #tpu.memory_space<vmem>>
        %dma_start3A_425 = arith.constant 0 : i32
        %dma_start3A_426 = tpu.memref_slice %arg6[%add3A, %add3A_420, %dma_start3A_425] : memref<32x250x40xi32, #tpu.memory_space<hbm>> -> memref<1x1x40xi32, #tpu.memory_space<hbm>>
        %dma_start3A_427 = tpu.memref_squeeze %dma_start3A_426 : memref<1x1x40xi32, #tpu.memory_space<hbm>> -> memref<40xi32, #tpu.memory_space<hbm>>
        %dma_start3A_428 = arith.constant 0 : i32
        %dma_start3A_429 = tpu.memref_slice %arg9[%dma_start3A_421, %dma_start3A_428] : memref<2x40xi32, #tpu.memory_space<vmem>> -> memref<1x40xi32, #tpu.memory_space<vmem>>
        %dma_start3A_430 = tpu.memref_squeeze %dma_start3A_429 : memref<1x40xi32, #tpu.memory_space<vmem>> -> memref<40xi32, #tpu.memory_space<vmem>>
        %dma_start3A_431 = arith.constant 0 : i32
        %dma_start3A_432 = tpu.memref_slice %arg6[%add3A, %add3A_420, %dma_start3A_431] : memref<32x250x40xi32, #tpu.memory_space<hbm>> -> memref<1x1x40xi32, #tpu.memory_space<hbm>>
        %dma_start3A_433 = tpu.memref_squeeze %dma_start3A_432 : memref<1x1x40xi32, #tpu.memory_space<hbm>> -> memref<40xi32, #tpu.memory_space<hbm>>
        tpu.enqueue_dma source(%dma_start3A_433 : memref<40xi32, #tpu.memory_space<hbm>>) target(%dma_start3A_430 : memref<40xi32, #tpu.memory_space<vmem>>) target_semaphore(%arg15 : memref<!tpu.dma_semaphore, #tpu.memory_space<semaphore_mem>>)
      } else {
      }
      %dma_wait3A_240 = arith.constant 0 : i32
      %dma_wait3A_241 = arith.constant 0 : i32
      %dma_wait3A_242 = arith.constant 0 : i32
      %dma_wait3A_243 = arith.constant 0 : i32
      %dma_wait3A_244 = tpu.memref_slice %arg10[%dma_wait3A_241, %dma_wait3A_242, %dma_wait3A_243] : memref<2x40x128xf32, #tpu.memory_space<vmem>> -> memref<1x40x128xf32, #tpu.memory_space<vmem>>
      %dma_wait3A_245 = tpu.memref_squeeze %dma_wait3A_244 : memref<1x40x128xf32, #tpu.memory_space<vmem>> -> memref<40x128xf32, #tpu.memory_space<vmem>>
      %dma_wait3A_246 = arith.constant 0 : i32
      %dma_wait3A_247 = tpu.memref_slice %arg8[%dma_wait3A_240, %dma_wait3A_246] : memref<2x40xi32, #tpu.memory_space<vmem>> -> memref<1x40xi32, #tpu.memory_space<vmem>>
      %dma_wait3A_248 = tpu.memref_squeeze %dma_wait3A_247 : memref<1x40xi32, #tpu.memory_space<vmem>> -> memref<40xi32, #tpu.memory_space<vmem>>
      %dma_wait3A_249 = arith.constant 0 : i32
      %dma_wait3A_250 = arith.constant 0 : i32
      %dma_wait3A_251 = tpu.memref_slice %arg2[%dma_wait3A_249, %dma_wait3A_250] : memref<10000x128xf32, #tpu.memory_space<hbm>> -> memref<10000x128xf32, #tpu.memory_space<hbm>>
      tpu.wait_indirect_dma semaphore(%arg13 : memref<!tpu.dma_semaphore, #tpu.memory_space<semaphore_mem>>) src(%dma_wait3A_251 : memref<10000x128xf32, #tpu.memory_space<hbm>>) dst(%dma_wait3A_245 : memref<40x128xf32, #tpu.memory_space<vmem>>)
      %add3A_252 = arith.constant 2 : i32
      %add3A_253 = arith.addi %add3A_231, %add3A_252 : i32
      %lt3A_254 = arith.constant 250 : i32
      %lt3A_255 = arith.cmpi slt, %add3A_253, %lt3A_254 : i32
      %convert_element_type3A_256 = arith.extui %lt3A_255 : i1 to i32
      %cond3A_257 = arith.constant 0 : i32
      %cond3A_258 = arith.cmpi ne, %convert_element_type3A_256, %cond3A_257 : i32
      scf.if %cond3A_258 {
        %add3A_399 = arith.constant 2 : i32
        %add3A_400 = arith.addi %add3A_231, %add3A_399 : i32
        %dma_start3A_401 = arith.constant 0 : i32
        %dma_start3A_402 = arith.constant 0 : i32
        %dma_start3A_403 = tpu.memref_slice %arg8[%dma_start3A_401, %dma_start3A_402] : memref<2x40xi32, #tpu.memory_space<vmem>> -> memref<1x40xi32, #tpu.memory_space<vmem>>
        %dma_start3A_404 = tpu.memref_squeeze %dma_start3A_403 : memref<1x40xi32, #tpu.memory_space<vmem>> -> memref<40xi32, #tpu.memory_space<vmem>>
        %dma_start3A_405 = arith.constant 0 : i32
        %dma_start3A_406 = tpu.memref_slice %arg5[%add3A, %add3A_400, %dma_start3A_405] : memref<32x250x40xi32, #tpu.memory_space<hbm>> -> memref<1x1x40xi32, #tpu.memory_space<hbm>>
        %dma_start3A_407 = tpu.memref_squeeze %dma_start3A_406 : memref<1x1x40xi32, #tpu.memory_space<hbm>> -> memref<40xi32, #tpu.memory_space<hbm>>
        %dma_start3A_408 = arith.constant 0 : i32
        %dma_start3A_409 = tpu.memref_slice %arg8[%dma_start3A_401, %dma_start3A_408] : memref<2x40xi32, #tpu.memory_space<vmem>> -> memref<1x40xi32, #tpu.memory_space<vmem>>
        %dma_start3A_410 = tpu.memref_squeeze %dma_start3A_409 : memref<1x40xi32, #tpu.memory_space<vmem>> -> memref<40xi32, #tpu.memory_space<vmem>>
        %dma_start3A_411 = arith.constant 0 : i32
        %dma_start3A_412 = tpu.memref_slice %arg5[%add3A, %add3A_400, %dma_start3A_411] : memref<32x250x40xi32, #tpu.memory_space<hbm>> -> memref<1x1x40xi32, #tpu.memory_space<hbm>>
        %dma_start3A_413 = tpu.memref_squeeze %dma_start3A_412 : memref<1x1x40xi32, #tpu.memory_space<hbm>> -> memref<40xi32, #tpu.memory_space<hbm>>
        tpu.enqueue_dma source(%dma_start3A_413 : memref<40xi32, #tpu.memory_space<hbm>>) target(%dma_start3A_410 : memref<40xi32, #tpu.memory_space<vmem>>) target_semaphore(%arg16 : memref<!tpu.dma_semaphore, #tpu.memory_space<semaphore_mem>>)
      } else {
      }
      %mul3A_259 = arith.constant 10000 : i32
      %mul3A_260 = arith.muli %add3A, %mul3A_259 : i32
      %mul3A_261 = arith.constant 40 : i32
      %mul3A_262 = arith.muli %add3A_231, %mul3A_261 : i32
      %add3A_263 = arith.addi %mul3A_260, %mul3A_262 : i32
      %dma_wait3A_264 = arith.constant 0 : i32
      %dma_wait3A_265 = arith.constant 0 : i32
      %dma_wait3A_266 = arith.constant 0 : i32
      %dma_wait3A_267 = tpu.memref_slice %arg11[%dma_wait3A_264, %dma_wait3A_265, %dma_wait3A_266] : memref<2x40x128xf32, #tpu.memory_space<vmem>> -> memref<1x40x128xf32, #tpu.memory_space<vmem>>
      %dma_wait3A_268 = tpu.memref_squeeze %dma_wait3A_267 : memref<1x40x128xf32, #tpu.memory_space<vmem>> -> memref<40x128xf32, #tpu.memory_space<vmem>>
      %dma_wait3A_269 = arith.constant 0 : i32
      %dma_wait3A_270 = tpu.memref_slice %arg3[%add3A_263, %dma_wait3A_269] : memref<320000x128xf32, #tpu.memory_space<hbm>> -> memref<40x128xf32, #tpu.memory_space<hbm>>
      %dma_wait3A_271 = arith.constant 0 : i32
      %dma_wait3A_272 = arith.constant 0 : i32
      %dma_wait3A_273 = tpu.memref_slice %arg11[%dma_wait3A_264, %dma_wait3A_271, %dma_wait3A_272] : memref<2x40x128xf32, #tpu.memory_space<vmem>> -> memref<1x40x128xf32, #tpu.memory_space<vmem>>
      %dma_wait3A_274 = tpu.memref_squeeze %dma_wait3A_273 : memref<1x40x128xf32, #tpu.memory_space<vmem>> -> memref<40x128xf32, #tpu.memory_space<vmem>>
      %dma_wait3A_275 = arith.constant 0 : i32
      %dma_wait3A_276 = tpu.memref_slice %arg3[%add3A_263, %dma_wait3A_275] : memref<320000x128xf32, #tpu.memory_space<hbm>> -> memref<40x128xf32, #tpu.memory_space<hbm>>
      tpu.wait_dma2 semaphore(%arg14 : memref<!tpu.dma_semaphore, #tpu.memory_space<semaphore_mem>>) src(%dma_wait3A_276 : memref<40x128xf32, #tpu.memory_space<hbm>>) dst(%dma_wait3A_274 : memref<40x128xf32, #tpu.memory_space<vmem>>)
      %dma_wait3A_277 = arith.constant 0 : i32
      %dma_wait3A_278 = arith.constant 0 : i32
      %dma_wait3A_279 = tpu.memref_slice %arg9[%dma_wait3A_277, %dma_wait3A_278] : memref<2x40xi32, #tpu.memory_space<vmem>> -> memref<1x40xi32, #tpu.memory_space<vmem>>
      %dma_wait3A_280 = tpu.memref_squeeze %dma_wait3A_279 : memref<1x40xi32, #tpu.memory_space<vmem>> -> memref<40xi32, #tpu.memory_space<vmem>>
      %dma_wait3A_281 = arith.constant 0 : i32
      %dma_wait3A_282 = tpu.memref_slice %arg6[%add3A, %add3A_231, %dma_wait3A_281] : memref<32x250x40xi32, #tpu.memory_space<hbm>> -> memref<1x1x40xi32, #tpu.memory_space<hbm>>
      %dma_wait3A_283 = tpu.memref_squeeze %dma_wait3A_282 : memref<1x1x40xi32, #tpu.memory_space<hbm>> -> memref<40xi32, #tpu.memory_space<hbm>>
      %dma_wait3A_284 = arith.constant 0 : i32
      %dma_wait3A_285 = tpu.memref_slice %arg9[%dma_wait3A_277, %dma_wait3A_284] : memref<2x40xi32, #tpu.memory_space<vmem>> -> memref<1x40xi32, #tpu.memory_space<vmem>>
      %dma_wait3A_286 = tpu.memref_squeeze %dma_wait3A_285 : memref<1x40xi32, #tpu.memory_space<vmem>> -> memref<40xi32, #tpu.memory_space<vmem>>
      %dma_wait3A_287 = arith.constant 0 : i32
      %dma_wait3A_288 = tpu.memref_slice %arg6[%add3A, %add3A_231, %dma_wait3A_287] : memref<32x250x40xi32, #tpu.memory_space<hbm>> -> memref<1x1x40xi32, #tpu.memory_space<hbm>>
      %dma_wait3A_289 = tpu.memref_squeeze %dma_wait3A_288 : memref<1x1x40xi32, #tpu.memory_space<hbm>> -> memref<40xi32, #tpu.memory_space<hbm>>
      tpu.wait_dma2 semaphore(%arg15 : memref<!tpu.dma_semaphore, #tpu.memory_space<semaphore_mem>>) src(%dma_wait3A_289 : memref<40xi32, #tpu.memory_space<hbm>>) dst(%dma_wait3A_286 : memref<40xi32, #tpu.memory_space<vmem>>)
      %parallel_loop3A = arith.constant 0 : i32
      %parallel_loop3A_290 = arith.constant 40 : i32
      %parallel_loop3A_291 = arith.constant 1 : i32
      scf.for %parallel_loop3A_399 = %parallel_loop3A to %parallel_loop3A_290 step %parallel_loop3A_291  : i32 {
        %parallel_loop3A_400 = arith.constant 0 : i32
        %parallel_loop3A_401 = arith.index_cast %parallel_loop3A_400 : i32 to index
        %parallel_loop3A_402 = arith.index_cast %parallel_loop3A_399 : i32 to index
        %parallel_loop3A_403 = arith.constant 0 : index
        %parallel_loop3A_404 = tpu.vector_load %arg10[%parallel_loop3A_401, %parallel_loop3A_402, %parallel_loop3A_403] {strides = array<i32>} : memref<2x40x128xf32, #tpu.memory_space<vmem>>, vector<1x1x16xf32>,
        %parallel_loop3A_405 = vector.shape_cast %parallel_loop3A_404 : vector<1x1x16xf32> to vector<16xf32>
        %parallel_loop3A_406 = arith.constant 0 : i32
        %parallel_loop3A_407 = arith.index_cast %parallel_loop3A_406 : i32 to index
        %parallel_loop3A_408 = arith.index_cast %parallel_loop3A_399 : i32 to index
        %parallel_loop3A_409 = arith.constant 0 : index
        %parallel_loop3A_410 = tpu.vector_load %arg11[%parallel_loop3A_407, %parallel_loop3A_408, %parallel_loop3A_409] {strides = array<i32>} : memref<2x40x128xf32, #tpu.memory_space<vmem>>, vector<1x1x16xf32>,
        %parallel_loop3A_411 = vector.shape_cast %parallel_loop3A_410 : vector<1x1x16xf32> to vector<16xf32>
        %parallel_loop3A_412 = arith.addf %parallel_loop3A_405, %parallel_loop3A_411 : vector<16xf32>
        %parallel_loop3A_413 = arith.constant 0.000000e+00 : f32
        %parallel_loop3A_414 = vector.broadcast %parallel_loop3A_413 : f32 to vector<16xf32>
        %parallel_loop3A_415 = arith.maximumf %parallel_loop3A_412, %parallel_loop3A_414 : vector<16xf32>
        %parallel_loop3A_416 = arith.constant 0 : i32
        %parallel_loop3A_417 = arith.index_cast %parallel_loop3A_416 : i32 to index
        %parallel_loop3A_418 = arith.index_cast %parallel_loop3A_399 : i32 to index
        %parallel_loop3A_419 = arith.constant 0 : index
        %parallel_loop3A_420 = tpu.vector_load %arg11[%parallel_loop3A_417, %parallel_loop3A_418, %parallel_loop3A_419] {strides = array<i32>} : memref<2x40x128xf32, #tpu.memory_space<vmem>>, vector<1x1x16xf32>,
        %parallel_loop3A_421 = vector.shape_cast %parallel_loop3A_420 : vector<1x1x16xf32> to vector<16xf32>
        %parallel_loop3A_422 = vector.shape_cast %parallel_loop3A_415 : vector<16xf32> to vector<1x1x16xf32>
        tpu.vector_store %arg11[%parallel_loop3A_417, %parallel_loop3A_418, %parallel_loop3A_419], %parallel_loop3A_422 {strides = array<i32>} : memref<2x40x128xf32, #tpu.memory_space<vmem>>, vector<1x1x16xf32>,
        %parallel_loop3A_423 = arith.constant 0 : i32
        %parallel_loop3A_424 = arith.index_cast %parallel_loop3A_423 : i32 to index
        %parallel_loop3A_425 = arith.index_cast %parallel_loop3A_399 : i32 to index
        %parallel_loop3A_426 = arith.constant 16 : index
        %parallel_loop3A_427 = tpu.vector_load %arg10[%parallel_loop3A_424, %parallel_loop3A_425, %parallel_loop3A_426] {strides = array<i32>} : memref<2x40x128xf32, #tpu.memory_space<vmem>>, vector<1x1x16xf32>,
        %parallel_loop3A_428 = vector.shape_cast %parallel_loop3A_427 : vector<1x1x16xf32> to vector<16xf32>
        %parallel_loop3A_429 = arith.constant 0 : i32
        %parallel_loop3A_430 = arith.index_cast %parallel_loop3A_429 : i32 to index
        %parallel_loop3A_431 = arith.index_cast %parallel_loop3A_399 : i32 to index
        %parallel_loop3A_432 = arith.constant 16 : index
        %parallel_loop3A_433 = tpu.vector_load %arg11[%parallel_loop3A_430, %parallel_loop3A_431, %parallel_loop3A_432] {strides = array<i32>} : memref<2x40x128xf32, #tpu.memory_space<vmem>>, vector<1x1x16xf32>,
        %parallel_loop3A_434 = vector.shape_cast %parallel_loop3A_433 : vector<1x1x16xf32> to vector<16xf32>
        %parallel_loop3A_435 = arith.addf %parallel_loop3A_428, %parallel_loop3A_434 : vector<16xf32>
        %parallel_loop3A_436 = arith.constant 0.000000e+00 : f32
        %parallel_loop3A_437 = vector.broadcast %parallel_loop3A_436 : f32 to vector<16xf32>
        %parallel_loop3A_438 = arith.maximumf %parallel_loop3A_435, %parallel_loop3A_437 : vector<16xf32>
        %parallel_loop3A_439 = arith.constant 0 : i32
        %parallel_loop3A_440 = arith.index_cast %parallel_loop3A_439 : i32 to index
        %parallel_loop3A_441 = arith.index_cast %parallel_loop3A_399 : i32 to index
        %parallel_loop3A_442 = arith.constant 16 : index
        %parallel_loop3A_443 = tpu.vector_load %arg11[%parallel_loop3A_440, %parallel_loop3A_441, %parallel_loop3A_442] {strides = array<i32>} : memref<2x40x128xf32, #tpu.memory_space<vmem>>, vector<1x1x16xf32>,
        %parallel_loop3A_444 = vector.shape_cast %parallel_loop3A_443 : vector<1x1x16xf32> to vector<16xf32>
        %parallel_loop3A_445 = vector.shape_cast %parallel_loop3A_438 : vector<16xf32> to vector<1x1x16xf32>
        tpu.vector_store %arg11[%parallel_loop3A_440, %parallel_loop3A_441, %parallel_loop3A_442], %parallel_loop3A_445 {strides = array<i32>} : memref<2x40x128xf32, #tpu.memory_space<vmem>>, vector<1x1x16xf32>,
        %parallel_loop3A_446 = arith.constant 0 : i32
        %parallel_loop3A_447 = arith.index_cast %parallel_loop3A_446 : i32 to index
        %parallel_loop3A_448 = arith.index_cast %parallel_loop3A_399 : i32 to index
        %parallel_loop3A_449 = arith.constant 32 : index
        %parallel_loop3A_450 = tpu.vector_load %arg10[%parallel_loop3A_447, %parallel_loop3A_448, %parallel_loop3A_449] {strides = array<i32>} : memref<2x40x128xf32, #tpu.memory_space<vmem>>, vector<1x1x16xf32>,
        %parallel_loop3A_451 = vector.shape_cast %parallel_loop3A_450 : vector<1x1x16xf32> to vector<16xf32>
        %parallel_loop3A_452 = arith.constant 0 : i32
        %parallel_loop3A_453 = arith.index_cast %parallel_loop3A_452 : i32 to index
        %parallel_loop3A_454 = arith.index_cast %parallel_loop3A_399 : i32 to index
        %parallel_loop3A_455 = arith.constant 32 : index
        %parallel_loop3A_456 = tpu.vector_load %arg11[%parallel_loop3A_453, %parallel_loop3A_454, %parallel_loop3A_455] {strides = array<i32>} : memref<2x40x128xf32, #tpu.memory_space<vmem>>, vector<1x1x16xf32>,
        %parallel_loop3A_457 = vector.shape_cast %parallel_loop3A_456 : vector<1x1x16xf32> to vector<16xf32>
        %parallel_loop3A_458 = arith.addf %parallel_loop3A_451, %parallel_loop3A_457 : vector<16xf32>
        %parallel_loop3A_459 = arith.constant 0.000000e+00 : f32
        %parallel_loop3A_460 = vector.broadcast %parallel_loop3A_459 : f32 to vector<16xf32>
        %parallel_loop3A_461 = arith.maximumf %parallel_loop3A_458, %parallel_loop3A_460 : vector<16xf32>
        %parallel_loop3A_462 = arith.constant 0 : i32
        %parallel_loop3A_463 = arith.index_cast %parallel_loop3A_462 : i32 to index
        %parallel_loop3A_464 = arith.index_cast %parallel_loop3A_399 : i32 to index
        %parallel_loop3A_465 = arith.constant 32 : index
        %parallel_loop3A_466 = tpu.vector_load %arg11[%parallel_loop3A_463, %parallel_loop3A_464, %parallel_loop3A_465] {strides = array<i32>} : memref<2x40x128xf32, #tpu.memory_space<vmem>>, vector<1x1x16xf32>,
        %parallel_loop3A_467 = vector.shape_cast %parallel_loop3A_466 : vector<1x1x16xf32> to vector<16xf32>
        %parallel_loop3A_468 = vector.shape_cast %parallel_loop3A_461 : vector<16xf32> to vector<1x1x16xf32>
        tpu.vector_store %arg11[%parallel_loop3A_463, %parallel_loop3A_464, %parallel_loop3A_465], %parallel_loop3A_468 {strides = array<i32>} : memref<2x40x128xf32, #tpu.memory_space<vmem>>, vector<1x1x16xf32>,
        %parallel_loop3A_469 = arith.constant 0 : i32
        %parallel_loop3A_470 = arith.index_cast %parallel_loop3A_469 : i32 to index
        %parallel_loop3A_471 = arith.index_cast %parallel_loop3A_399 : i32 to index
        %parallel_loop3A_472 = arith.constant 48 : index
        %parallel_loop3A_473 = tpu.vector_load %arg10[%parallel_loop3A_470, %parallel_loop3A_471, %parallel_loop3A_472] {strides = array<i32>} : memref<2x40x128xf32, #tpu.memory_space<vmem>>, vector<1x1x16xf32>,
        %parallel_loop3A_474 = vector.shape_cast %parallel_loop3A_473 : vector<1x1x16xf32> to vector<16xf32>
        %parallel_loop3A_475 = arith.constant 0 : i32
        %parallel_loop3A_476 = arith.index_cast %parallel_loop3A_475 : i32 to index
        %parallel_loop3A_477 = arith.index_cast %parallel_loop3A_399 : i32 to index
        %parallel_loop3A_478 = arith.constant 48 : index
        %parallel_loop3A_479 = tpu.vector_load %arg11[%parallel_loop3A_476, %parallel_loop3A_477, %parallel_loop3A_478] {strides = array<i32>} : memref<2x40x128xf32, #tpu.memory_space<vmem>>, vector<1x1x16xf32>,
        %parallel_loop3A_480 = vector.shape_cast %parallel_loop3A_479 : vector<1x1x16xf32> to vector<16xf32>
        %parallel_loop3A_481 = arith.addf %parallel_loop3A_474, %parallel_loop3A_480 : vector<16xf32>
        %parallel_loop3A_482 = arith.constant 0.000000e+00 : f32
        %parallel_loop3A_483 = vector.broadcast %parallel_loop3A_482 : f32 to vector<16xf32>
        %parallel_loop3A_484 = arith.maximumf %parallel_loop3A_481, %parallel_loop3A_483 : vector<16xf32>
        %parallel_loop3A_485 = arith.constant 0 : i32
        %parallel_loop3A_486 = arith.index_cast %parallel_loop3A_485 : i32 to index
        %parallel_loop3A_487 = arith.index_cast %parallel_loop3A_399 : i32 to index
        %parallel_loop3A_488 = arith.constant 48 : index
        %parallel_loop3A_489 = tpu.vector_load %arg11[%parallel_loop3A_486, %parallel_loop3A_487, %parallel_loop3A_488] {strides = array<i32>} : memref<2x40x128xf32, #tpu.memory_space<vmem>>, vector<1x1x16xf32>,
        %parallel_loop3A_490 = vector.shape_cast %parallel_loop3A_489 : vector<1x1x16xf32> to vector<16xf32>
        %parallel_loop3A_491 = vector.shape_cast %parallel_loop3A_484 : vector<16xf32> to vector<1x1x16xf32>
        tpu.vector_store %arg11[%parallel_loop3A_486, %parallel_loop3A_487, %parallel_loop3A_488], %parallel_loop3A_491 {strides = array<i32>} : memref<2x40x128xf32, #tpu.memory_space<vmem>>, vector<1x1x16xf32>,
        %parallel_loop3A_492 = arith.constant 0 : i32
        %parallel_loop3A_493 = arith.index_cast %parallel_loop3A_492 : i32 to index
        %parallel_loop3A_494 = arith.index_cast %parallel_loop3A_399 : i32 to index
        %parallel_loop3A_495 = arith.constant 64 : index
        %parallel_loop3A_496 = tpu.vector_load %arg10[%parallel_loop3A_493, %parallel_loop3A_494, %parallel_loop3A_495] {strides = array<i32>} : memref<2x40x128xf32, #tpu.memory_space<vmem>>, vector<1x1x16xf32>,
        %parallel_loop3A_497 = vector.shape_cast %parallel_loop3A_496 : vector<1x1x16xf32> to vector<16xf32>
        %parallel_loop3A_498 = arith.constant 0 : i32
        %parallel_loop3A_499 = arith.index_cast %parallel_loop3A_498 : i32 to index
        %parallel_loop3A_500 = arith.index_cast %parallel_loop3A_399 : i32 to index
        %parallel_loop3A_501 = arith.constant 64 : index
        %parallel_loop3A_502 = tpu.vector_load %arg11[%parallel_loop3A_499, %parallel_loop3A_500, %parallel_loop3A_501] {strides = array<i32>} : memref<2x40x128xf32, #tpu.memory_space<vmem>>, vector<1x1x16xf32>,
        %parallel_loop3A_503 = vector.shape_cast %parallel_loop3A_502 : vector<1x1x16xf32> to vector<16xf32>
        %parallel_loop3A_504 = arith.addf %parallel_loop3A_497, %parallel_loop3A_503 : vector<16xf32>
        %parallel_loop3A_505 = arith.constant 0.000000e+00 : f32
        %parallel_loop3A_506 = vector.broadcast %parallel_loop3A_505 : f32 to vector<16xf32>
        %parallel_loop3A_507 = arith.maximumf %parallel_loop3A_504, %parallel_loop3A_506 : vector<16xf32>
        %parallel_loop3A_508 = arith.constant 0 : i32
        %parallel_loop3A_509 = arith.index_cast %parallel_loop3A_508 : i32 to index
        %parallel_loop3A_510 = arith.index_cast %parallel_loop3A_399 : i32 to index
        %parallel_loop3A_511 = arith.constant 64 : index
        %parallel_loop3A_512 = tpu.vector_load %arg11[%parallel_loop3A_509, %parallel_loop3A_510, %parallel_loop3A_511] {strides = array<i32>} : memref<2x40x128xf32, #tpu.memory_space<vmem>>, vector<1x1x16xf32>,
        %parallel_loop3A_513 = vector.shape_cast %parallel_loop3A_512 : vector<1x1x16xf32> to vector<16xf32>
        %parallel_loop3A_514 = vector.shape_cast %parallel_loop3A_507 : vector<16xf32> to vector<1x1x16xf32>
        tpu.vector_store %arg11[%parallel_loop3A_509, %parallel_loop3A_510, %parallel_loop3A_511], %parallel_loop3A_514 {strides = array<i32>} : memref<2x40x128xf32, #tpu.memory_space<vmem>>, vector<1x1x16xf32>,
        %parallel_loop3A_515 = arith.constant 0 : i32
        %parallel_loop3A_516 = arith.index_cast %parallel_loop3A_515 : i32 to index
        %parallel_loop3A_517 = arith.index_cast %parallel_loop3A_399 : i32 to index
        %parallel_loop3A_518 = arith.constant 80 : index
        %parallel_loop3A_519 = tpu.vector_load %arg10[%parallel_loop3A_516, %parallel_loop3A_517, %parallel_loop3A_518] {strides = array<i32>} : memref<2x40x128xf32, #tpu.memory_space<vmem>>, vector<1x1x16xf32>,
        %parallel_loop3A_520 = vector.shape_cast %parallel_loop3A_519 : vector<1x1x16xf32> to vector<16xf32>
        %parallel_loop3A_521 = arith.constant 0 : i32
        %parallel_loop3A_522 = arith.index_cast %parallel_loop3A_521 : i32 to index
        %parallel_loop3A_523 = arith.index_cast %parallel_loop3A_399 : i32 to index
        %parallel_loop3A_524 = arith.constant 80 : index
        %parallel_loop3A_525 = tpu.vector_load %arg11[%parallel_loop3A_522, %parallel_loop3A_523, %parallel_loop3A_524] {strides = array<i32>} : memref<2x40x128xf32, #tpu.memory_space<vmem>>, vector<1x1x16xf32>,
        %parallel_loop3A_526 = vector.shape_cast %parallel_loop3A_525 : vector<1x1x16xf32> to vector<16xf32>
        %parallel_loop3A_527 = arith.addf %parallel_loop3A_520, %parallel_loop3A_526 : vector<16xf32>
        %parallel_loop3A_528 = arith.constant 0.000000e+00 : f32
        %parallel_loop3A_529 = vector.broadcast %parallel_loop3A_528 : f32 to vector<16xf32>
        %parallel_loop3A_530 = arith.maximumf %parallel_loop3A_527, %parallel_loop3A_529 : vector<16xf32>
        %parallel_loop3A_531 = arith.constant 0 : i32
        %parallel_loop3A_532 = arith.index_cast %parallel_loop3A_531 : i32 to index
        %parallel_loop3A_533 = arith.index_cast %parallel_loop3A_399 : i32 to index
        %parallel_loop3A_534 = arith.constant 80 : index
        %parallel_loop3A_535 = tpu.vector_load %arg11[%parallel_loop3A_532, %parallel_loop3A_533, %parallel_loop3A_534] {strides = array<i32>} : memref<2x40x128xf32, #tpu.memory_space<vmem>>, vector<1x1x16xf32>,
        %parallel_loop3A_536 = vector.shape_cast %parallel_loop3A_535 : vector<1x1x16xf32> to vector<16xf32>
        %parallel_loop3A_537 = vector.shape_cast %parallel_loop3A_530 : vector<16xf32> to vector<1x1x16xf32>
        tpu.vector_store %arg11[%parallel_loop3A_532, %parallel_loop3A_533, %parallel_loop3A_534], %parallel_loop3A_537 {strides = array<i32>} : memref<2x40x128xf32, #tpu.memory_space<vmem>>, vector<1x1x16xf32>,
        %parallel_loop3A_538 = arith.constant 0 : i32
        %parallel_loop3A_539 = arith.index_cast %parallel_loop3A_538 : i32 to index
        %parallel_loop3A_540 = arith.index_cast %parallel_loop3A_399 : i32 to index
        %parallel_loop3A_541 = arith.constant 96 : index
        %parallel_loop3A_542 = tpu.vector_load %arg10[%parallel_loop3A_539, %parallel_loop3A_540, %parallel_loop3A_541] {strides = array<i32>} : memref<2x40x128xf32, #tpu.memory_space<vmem>>, vector<1x1x16xf32>,
        %parallel_loop3A_543 = vector.shape_cast %parallel_loop3A_542 : vector<1x1x16xf32> to vector<16xf32>
        %parallel_loop3A_544 = arith.constant 0 : i32
        %parallel_loop3A_545 = arith.index_cast %parallel_loop3A_544 : i32 to index
        %parallel_loop3A_546 = arith.index_cast %parallel_loop3A_399 : i32 to index
        %parallel_loop3A_547 = arith.constant 96 : index
        %parallel_loop3A_548 = tpu.vector_load %arg11[%parallel_loop3A_545, %parallel_loop3A_546, %parallel_loop3A_547] {strides = array<i32>} : memref<2x40x128xf32, #tpu.memory_space<vmem>>, vector<1x1x16xf32>,
        %parallel_loop3A_549 = vector.shape_cast %parallel_loop3A_548 : vector<1x1x16xf32> to vector<16xf32>
        %parallel_loop3A_550 = arith.addf %parallel_loop3A_543, %parallel_loop3A_549 : vector<16xf32>
        %parallel_loop3A_551 = arith.constant 0.000000e+00 : f32
        %parallel_loop3A_552 = vector.broadcast %parallel_loop3A_551 : f32 to vector<16xf32>
        %parallel_loop3A_553 = arith.maximumf %parallel_loop3A_550, %parallel_loop3A_552 : vector<16xf32>
        %parallel_loop3A_554 = arith.constant 0 : i32
        %parallel_loop3A_555 = arith.index_cast %parallel_loop3A_554 : i32 to index
        %parallel_loop3A_556 = arith.index_cast %parallel_loop3A_399 : i32 to index
        %parallel_loop3A_557 = arith.constant 96 : index
        %parallel_loop3A_558 = tpu.vector_load %arg11[%parallel_loop3A_555, %parallel_loop3A_556, %parallel_loop3A_557] {strides = array<i32>} : memref<2x40x128xf32, #tpu.memory_space<vmem>>, vector<1x1x16xf32>,
        %parallel_loop3A_559 = vector.shape_cast %parallel_loop3A_558 : vector<1x1x16xf32> to vector<16xf32>
        %parallel_loop3A_560 = vector.shape_cast %parallel_loop3A_553 : vector<16xf32> to vector<1x1x16xf32>
        tpu.vector_store %arg11[%parallel_loop3A_555, %parallel_loop3A_556, %parallel_loop3A_557], %parallel_loop3A_560 {strides = array<i32>} : memref<2x40x128xf32, #tpu.memory_space<vmem>>, vector<1x1x16xf32>,
        %parallel_loop3A_561 = arith.constant 0 : i32
        %parallel_loop3A_562 = arith.index_cast %parallel_loop3A_561 : i32 to index
        %parallel_loop3A_563 = arith.index_cast %parallel_loop3A_399 : i32 to index
        %parallel_loop3A_564 = arith.constant 112 : index
        %parallel_loop3A_565 = tpu.vector_load %arg10[%parallel_loop3A_562, %parallel_loop3A_563, %parallel_loop3A_564] {strides = array<i32>} : memref<2x40x128xf32, #tpu.memory_space<vmem>>, vector<1x1x16xf32>,
        %parallel_loop3A_566 = vector.shape_cast %parallel_loop3A_565 : vector<1x1x16xf32> to vector<16xf32>
        %parallel_loop3A_567 = arith.constant 0 : i32
        %parallel_loop3A_568 = arith.index_cast %parallel_loop3A_567 : i32 to index
        %parallel_loop3A_569 = arith.index_cast %parallel_loop3A_399 : i32 to index
        %parallel_loop3A_570 = arith.constant 112 : index
        %parallel_loop3A_571 = tpu.vector_load %arg11[%parallel_loop3A_568, %parallel_loop3A_569, %parallel_loop3A_570] {strides = array<i32>} : memref<2x40x128xf32, #tpu.memory_space<vmem>>, vector<1x1x16xf32>,
        %parallel_loop3A_572 = vector.shape_cast %parallel_loop3A_571 : vector<1x1x16xf32> to vector<16xf32>
        %parallel_loop3A_573 = arith.addf %parallel_loop3A_566, %parallel_loop3A_572 : vector<16xf32>
        %parallel_loop3A_574 = arith.constant 0.000000e+00 : f32
        %parallel_loop3A_575 = vector.broadcast %parallel_loop3A_574 : f32 to vector<16xf32>
        %parallel_loop3A_576 = arith.maximumf %parallel_loop3A_573, %parallel_loop3A_575 : vector<16xf32>
        %parallel_loop3A_577 = arith.constant 0 : i32
        %parallel_loop3A_578 = arith.index_cast %parallel_loop3A_577 : i32 to index
        %parallel_loop3A_579 = arith.index_cast %parallel_loop3A_399 : i32 to index
        %parallel_loop3A_580 = arith.constant 112 : index
        %parallel_loop3A_581 = tpu.vector_load %arg11[%parallel_loop3A_578, %parallel_loop3A_579, %parallel_loop3A_580] {strides = array<i32>} : memref<2x40x128xf32, #tpu.memory_space<vmem>>, vector<1x1x16xf32>,
        %parallel_loop3A_582 = vector.shape_cast %parallel_loop3A_581 : vector<1x1x16xf32> to vector<16xf32>
        %parallel_loop3A_583 = vector.shape_cast %parallel_loop3A_576 : vector<16xf32> to vector<1x1x16xf32>
        tpu.vector_store %arg11[%parallel_loop3A_578, %parallel_loop3A_579, %parallel_loop3A_580], %parallel_loop3A_583 {strides = array<i32>} : memref<2x40x128xf32, #tpu.memory_space<vmem>>, vector<1x1x16xf32>,
      } {sc.loop_unroll_factor = 4 : i64, sc.parallel_access}
      %dma_start3A_292 = arith.constant 0 : i32
      %dma_start3A_293 = arith.constant 0 : i32
      %dma_start3A_294 = arith.constant 0 : i32
      %dma_start3A_295 = arith.constant 0 : i32
      %dma_start3A_296 = tpu.memref_slice %arg11[%dma_start3A_292, %dma_start3A_294, %dma_start3A_295] : memref<2x40x128xf32, #tpu.memory_space<vmem>> -> memref<1x40x128xf32, #tpu.memory_space<vmem>>
      %dma_start3A_297 = tpu.memref_squeeze %dma_start3A_296 : memref<1x40x128xf32, #tpu.memory_space<vmem>> -> memref<40x128xf32, #tpu.memory_space<vmem>>
      %dma_start3A_298 = arith.constant 0 : i32
      %dma_start3A_299 = tpu.memref_slice %arg9[%dma_start3A_293, %dma_start3A_298] : memref<2x40xi32, #tpu.memory_space<vmem>> -> memref<1x40xi32, #tpu.memory_space<vmem>>
      %dma_start3A_300 = tpu.memref_squeeze %dma_start3A_299 : memref<1x40xi32, #tpu.memory_space<vmem>> -> memref<40xi32, #tpu.memory_space<vmem>>
      %dma_start3A_301 = arith.constant 0 : i32
      %dma_start3A_302 = arith.constant 0 : i32
      %dma_start3A_303 = tpu.memref_slice %arg12[%dma_start3A_301, %dma_start3A_302] : memref<10240x128xf32, #tpu.memory_space<vmem_shared>> -> memref<10240x128xf32, #tpu.memory_space<vmem_shared>>
      tpu.enqueue_indirect_dma source(%dma_start3A_297 : memref<40x128xf32, #tpu.memory_space<vmem>>) target(%dma_start3A_303 : memref<10240x128xf32, #tpu.memory_space<vmem_shared>>) offsets(%dma_start3A_300 : memref<40xi32, #tpu.memory_space<vmem>>) semaphore(%arg17 : memref<!tpu.dma_semaphore, #tpu.memory_space<semaphore_mem>>) {add = true}
      %add3A_304 = arith.constant 2 : i32
      %add3A_305 = arith.addi %add3A_231, %add3A_304 : i32
      %lt3A_306 = arith.constant 250 : i32
      %lt3A_307 = arith.cmpi slt, %add3A_305, %lt3A_306 : i32
      %convert_element_type3A_308 = arith.extui %lt3A_307 : i1 to i32
      %cond3A_309 = arith.constant 0 : i32
      %cond3A_310 = arith.cmpi ne, %convert_element_type3A_308, %cond3A_309 : i32
      scf.if %cond3A_310 {
        %add3A_399 = arith.constant 2 : i32
        %add3A_400 = arith.addi %add3A_231, %add3A_399 : i32
        %dma_wait3A_401 = arith.constant 0 : i32
        %dma_wait3A_402 = arith.constant 0 : i32
        %dma_wait3A_403 = tpu.memref_slice %arg8[%dma_wait3A_401, %dma_wait3A_402] : memref<2x40xi32, #tpu.memory_space<vmem>> -> memref<1x40xi32, #tpu.memory_space<vmem>>
        %dma_wait3A_404 = tpu.memref_squeeze %dma_wait3A_403 : memref<1x40xi32, #tpu.memory_space<vmem>> -> memref<40xi32, #tpu.memory_space<vmem>>
        %dma_wait3A_405 = arith.constant 0 : i32
        %dma_wait3A_406 = tpu.memref_slice %arg5[%add3A, %add3A_400, %dma_wait3A_405] : memref<32x250x40xi32, #tpu.memory_space<hbm>> -> memref<1x1x40xi32, #tpu.memory_space<hbm>>
        %dma_wait3A_407 = tpu.memref_squeeze %dma_wait3A_406 : memref<1x1x40xi32, #tpu.memory_space<hbm>> -> memref<40xi32, #tpu.memory_space<hbm>>
        %dma_wait3A_408 = arith.constant 0 : i32
        %dma_wait3A_409 = tpu.memref_slice %arg8[%dma_wait3A_401, %dma_wait3A_408] : memref<2x40xi32, #tpu.memory_space<vmem>> -> memref<1x40xi32, #tpu.memory_space<vmem>>
        %dma_wait3A_410 = tpu.memref_squeeze %dma_wait3A_409 : memref<1x40xi32, #tpu.memory_space<vmem>> -> memref<40xi32, #tpu.memory_space<vmem>>
        %dma_wait3A_411 = arith.constant 0 : i32
        %dma_wait3A_412 = tpu.memref_slice %arg5[%add3A, %add3A_400, %dma_wait3A_411] : memref<32x250x40xi32, #tpu.memory_space<hbm>> -> memref<1x1x40xi32, #tpu.memory_space<hbm>>
        %dma_wait3A_413 = tpu.memref_squeeze %dma_wait3A_412 : memref<1x1x40xi32, #tpu.memory_space<hbm>> -> memref<40xi32, #tpu.memory_space<hbm>>
        tpu.wait_dma2 semaphore(%arg16 : memref<!tpu.dma_semaphore, #tpu.memory_space<semaphore_mem>>) src(%dma_wait3A_413 : memref<40xi32, #tpu.memory_space<hbm>>) dst(%dma_wait3A_410 : memref<40xi32, #tpu.memory_space<vmem>>)
        %dma_start3A_414 = arith.constant 0 : i32
        %dma_start3A_415 = arith.constant 0 : i32
        %dma_start3A_416 = arith.constant 0 : i32
        %dma_start3A_417 = arith.constant 0 : i32
        %dma_start3A_418 = tpu.memref_slice %arg10[%dma_start3A_415, %dma_start3A_416, %dma_start3A_417] : memref<2x40x128xf32, #tpu.memory_space<vmem>> -> memref<1x40x128xf32, #tpu.memory_space<vmem>>
        %dma_start3A_419 = tpu.memref_squeeze %dma_start3A_418 : memref<1x40x128xf32, #tpu.memory_space<vmem>> -> memref<40x128xf32, #tpu.memory_space<vmem>>
        %dma_start3A_420 = arith.constant 0 : i32
        %dma_start3A_421 = tpu.memref_slice %arg8[%dma_start3A_414, %dma_start3A_420] : memref<2x40xi32, #tpu.memory_space<vmem>> -> memref<1x40xi32, #tpu.memory_space<vmem>>
        %dma_start3A_422 = tpu.memref_squeeze %dma_start3A_421 : memref<1x40xi32, #tpu.memory_space<vmem>> -> memref<40xi32, #tpu.memory_space<vmem>>
        %dma_start3A_423 = arith.constant 0 : i32
        %dma_start3A_424 = arith.constant 0 : i32
        %dma_start3A_425 = tpu.memref_slice %arg2[%dma_start3A_423, %dma_start3A_424] : memref<10000x128xf32, #tpu.memory_space<hbm>> -> memref<10000x128xf32, #tpu.memory_space<hbm>>
        tpu.enqueue_indirect_dma source(%dma_start3A_425 : memref<10000x128xf32, #tpu.memory_space<hbm>>) target(%dma_start3A_419 : memref<40x128xf32, #tpu.memory_space<vmem>>) offsets(%dma_start3A_422 : memref<40xi32, #tpu.memory_space<vmem>>) semaphore(%arg13 : memref<!tpu.dma_semaphore, #tpu.memory_space<semaphore_mem>>)
      } else {
      }
      %mul3A_311 = arith.constant 2 : i32
      %mul3A_312 = arith.muli %mul3A_311, %scan3A_227 : i32
      %add3A_313 = arith.constant 1 : i32
      %add3A_314 = arith.addi %mul3A_312, %add3A_313 : i32
      %ge3A_315 = arith.constant 1 : i32
      %ge3A_316 = arith.cmpi sge, %add3A_314, %ge3A_315 : i32
      %convert_element_type3A_317 = arith.extui %ge3A_316 : i1 to i32
      %cond3A_318 = arith.constant 0 : i32
      %cond3A_319 = arith.cmpi ne, %convert_element_type3A_317, %cond3A_318 : i32
      scf.if %cond3A_319 {
        %dma_wait3A_399 = arith.constant 0 : i32
        %dma_wait3A_400 = arith.constant 0 : i32
        %dma_wait3A_401 = arith.constant 0 : i32
        %dma_wait3A_402 = arith.constant 0 : i32
        %dma_wait3A_403 = tpu.memref_slice %arg11[%dma_wait3A_399, %dma_wait3A_401, %dma_wait3A_402] : memref<2x40x128xf32, #tpu.memory_space<vmem>> -> memref<1x40x128xf32, #tpu.memory_space<vmem>>
        %dma_wait3A_404 = tpu.memref_squeeze %dma_wait3A_403 : memref<1x40x128xf32, #tpu.memory_space<vmem>> -> memref<40x128xf32, #tpu.memory_space<vmem>>
        %dma_wait3A_405 = arith.constant 0 : i32
        %dma_wait3A_406 = tpu.memref_slice %arg9[%dma_wait3A_400, %dma_wait3A_405] : memref<2x40xi32, #tpu.memory_space<vmem>> -> memref<1x40xi32, #tpu.memory_space<vmem>>
        %dma_wait3A_407 = tpu.memref_squeeze %dma_wait3A_406 : memref<1x40xi32, #tpu.memory_space<vmem>> -> memref<40xi32, #tpu.memory_space<vmem>>
        %dma_wait3A_408 = arith.constant 0 : i32
        %dma_wait3A_409 = arith.constant 0 : i32
        %dma_wait3A_410 = tpu.memref_slice %arg12[%dma_wait3A_408, %dma_wait3A_409] : memref<10240x128xf32, #tpu.memory_space<vmem_shared>> -> memref<10240x128xf32, #tpu.memory_space<vmem_shared>>
        tpu.wait_indirect_dma semaphore(%arg17 : memref<!tpu.dma_semaphore, #tpu.memory_space<semaphore_mem>>) src(%dma_wait3A_404 : memref<40x128xf32, #tpu.memory_space<vmem>>) dst(%dma_wait3A_410 : memref<10240x128xf32, #tpu.memory_space<vmem_shared>>)
      } else {
      }
      %add3A_320 = arith.constant 1 : i32
      %add3A_321 = arith.addi %add3A_314, %add3A_320 : i32
      %lt3A_322 = arith.constant 250 : i32
      %lt3A_323 = arith.cmpi slt, %add3A_321, %lt3A_322 : i32
      %convert_element_type3A_324 = arith.extui %lt3A_323 : i1 to i32
      %cond3A_325 = arith.constant 0 : i32
      %cond3A_326 = arith.cmpi ne, %convert_element_type3A_324, %cond3A_325 : i32
      scf.if %cond3A_326 {
        %add3A_399 = arith.constant 1 : i32
        %add3A_400 = arith.addi %add3A_314, %add3A_399 : i32
        %mul3A_401 = arith.constant 10000 : i32
        %mul3A_402 = arith.muli %add3A, %mul3A_401 : i32
        %mul3A_403 = arith.constant 40 : i32
        %mul3A_404 = arith.muli %add3A_400, %mul3A_403 : i32
        %add3A_405 = arith.addi %mul3A_402, %mul3A_404 : i32
        %dma_start3A_406 = arith.constant 0 : i32
        %dma_start3A_407 = arith.constant 0 : i32
        %dma_start3A_408 = arith.constant 0 : i32
        %dma_start3A_409 = tpu.memref_slice %arg11[%dma_start3A_406, %dma_start3A_407, %dma_start3A_408] : memref<2x40x128xf32, #tpu.memory_space<vmem>> -> memref<1x40x128xf32, #tpu.memory_space<vmem>>
        %dma_start3A_410 = tpu.memref_squeeze %dma_start3A_409 : memref<1x40x128xf32, #tpu.memory_space<vmem>> -> memref<40x128xf32, #tpu.memory_space<vmem>>
        %dma_start3A_411 = arith.constant 0 : i32
        %dma_start3A_412 = tpu.memref_slice %arg3[%add3A_405, %dma_start3A_411] : memref<320000x128xf32, #tpu.memory_space<hbm>> -> memref<40x128xf32, #tpu.memory_space<hbm>>
        %dma_start3A_413 = arith.constant 0 : i32
        %dma_start3A_414 = arith.constant 0 : i32
        %dma_start3A_415 = tpu.memref_slice %arg11[%dma_start3A_406, %dma_start3A_413, %dma_start3A_414] : memref<2x40x128xf32, #tpu.memory_space<vmem>> -> memref<1x40x128xf32, #tpu.memory_space<vmem>>
        %dma_start3A_416 = tpu.memref_squeeze %dma_start3A_415 : memref<1x40x128xf32, #tpu.memory_space<vmem>> -> memref<40x128xf32, #tpu.memory_space<vmem>>
        %dma_start3A_417 = arith.constant 0 : i32
        %dma_start3A_418 = tpu.memref_slice %arg3[%add3A_405, %dma_start3A_417] : memref<320000x128xf32, #tpu.memory_space<hbm>> -> memref<40x128xf32, #tpu.memory_space<hbm>>
        tpu.enqueue_dma source(%dma_start3A_418 : memref<40x128xf32, #tpu.memory_space<hbm>>) target(%dma_start3A_416 : memref<40x128xf32, #tpu.memory_space<vmem>>) target_semaphore(%arg14 : memref<!tpu.dma_semaphore, #tpu.memory_space<semaphore_mem>>)
        %add3A_419 = arith.constant 1 : i32
        %add3A_420 = arith.addi %add3A_314, %add3A_419 : i32
        %dma_start3A_421 = arith.constant 0 : i32
        %dma_start3A_422 = arith.constant 0 : i32
        %dma_start3A_423 = tpu.memref_slice %arg9[%dma_start3A_421, %dma_start3A_422] : memref<2x40xi32, #tpu.memory_space<vmem>> -> memref<1x40xi32, #tpu.memory_space<vmem>>
        %dma_start3A_424 = tpu.memref_squeeze %dma_start3A_423 : memref<1x40xi32, #tpu.memory_space<vmem>> -> memref<40xi32, #tpu.memory_space<vmem>>
        %dma_start3A_425 = arith.constant 0 : i32
        %dma_start3A_426 = tpu.memref_slice %arg6[%add3A, %add3A_420, %dma_start3A_425] : memref<32x250x40xi32, #tpu.memory_space<hbm>> -> memref<1x1x40xi32, #tpu.memory_space<hbm>>
        %dma_start3A_427 = tpu.memref_squeeze %dma_start3A_426 : memref<1x1x40xi32, #tpu.memory_space<hbm>> -> memref<40xi32, #tpu.memory_space<hbm>>
        %dma_start3A_428 = arith.constant 0 : i32
        %dma_start3A_429 = tpu.memref_slice %arg9[%dma_start3A_421, %dma_start3A_428] : memref<2x40xi32, #tpu.memory_space<vmem>> -> memref<1x40xi32, #tpu.memory_space<vmem>>
        %dma_start3A_430 = tpu.memref_squeeze %dma_start3A_429 : memref<1x40xi32, #tpu.memory_space<vmem>> -> memref<40xi32, #tpu.memory_space<vmem>>
        %dma_start3A_431 = arith.constant 0 : i32
        %dma_start3A_432 = tpu.memref_slice %arg6[%add3A, %add3A_420, %dma_start3A_431] : memref<32x250x40xi32, #tpu.memory_space<hbm>> -> memref<1x1x40xi32, #tpu.memory_space<hbm>>
        %dma_start3A_433 = tpu.memref_squeeze %dma_start3A_432 : memref<1x1x40xi32, #tpu.memory_space<hbm>> -> memref<40xi32, #tpu.memory_space<hbm>>
        tpu.enqueue_dma source(%dma_start3A_433 : memref<40xi32, #tpu.memory_space<hbm>>) target(%dma_start3A_430 : memref<40xi32, #tpu.memory_space<vmem>>) target_semaphore(%arg15 : memref<!tpu.dma_semaphore, #tpu.memory_space<semaphore_mem>>)
      } else {
      }
      %dma_wait3A_327 = arith.constant 1 : i32
      %dma_wait3A_328 = arith.constant 1 : i32
      %dma_wait3A_329 = arith.constant 0 : i32
      %dma_wait3A_330 = arith.constant 0 : i32
      %dma_wait3A_331 = tpu.memref_slice %arg10[%dma_wait3A_328, %dma_wait3A_329, %dma_wait3A_330] : memref<2x40x128xf32, #tpu.memory_space<vmem>> -> memref<1x40x128xf32, #tpu.memory_space<vmem>>
      %dma_wait3A_332 = tpu.memref_squeeze %dma_wait3A_331 : memref<1x40x128xf32, #tpu.memory_space<vmem>> -> memref<40x128xf32, #tpu.memory_space<vmem>>
      %dma_wait3A_333 = arith.constant 0 : i32
      %dma_wait3A_334 = tpu.memref_slice %arg8[%dma_wait3A_327, %dma_wait3A_333] : memref<2x40xi32, #tpu.memory_space<vmem>> -> memref<1x40xi32, #tpu.memory_space<vmem>>
      %dma_wait3A_335 = tpu.memref_squeeze %dma_wait3A_334 : memref<1x40xi32, #tpu.memory_space<vmem>> -> memref<40xi32, #tpu.memory_space<vmem>>
      %dma_wait3A_336 = arith.constant 0 : i32
      %dma_wait3A_337 = arith.constant 0 : i32
      %dma_wait3A_338 = tpu.memref_slice %arg2[%dma_wait3A_336, %dma_wait3A_337] : memref<10000x128xf32, #tpu.memory_space<hbm>> -> memref<10000x128xf32, #tpu.memory_space<hbm>>
      tpu.wait_indirect_dma semaphore(%arg13 : memref<!tpu.dma_semaphore, #tpu.memory_space<semaphore_mem>>) src(%dma_wait3A_338 : memref<10000x128xf32, #tpu.memory_space<hbm>>) dst(%dma_wait3A_332 : memref<40x128xf32, #tpu.memory_space<vmem>>)
      %add3A_339 = arith.constant 2 : i32
      %add3A_340 = arith.addi %add3A_314, %add3A_339 : i32
      %lt3A_341 = arith.constant 250 : i32
      %lt3A_342 = arith.cmpi slt, %add3A_340, %lt3A_341 : i32
      %convert_element_type3A_343 = arith.extui %lt3A_342 : i1 to i32
      %cond3A_344 = arith.constant 0 : i32
      %cond3A_345 = arith.cmpi ne, %convert_element_type3A_343, %cond3A_344 : i32
      scf.if %cond3A_345 {
        %add3A_399 = arith.constant 2 : i32
        %add3A_400 = arith.addi %add3A_314, %add3A_399 : i32
        %dma_start3A_401 = arith.constant 1 : i32
        %dma_start3A_402 = arith.constant 0 : i32
        %dma_start3A_403 = tpu.memref_slice %arg8[%dma_start3A_401, %dma_start3A_402] : memref<2x40xi32, #tpu.memory_space<vmem>> -> memref<1x40xi32, #tpu.memory_space<vmem>>
        %dma_start3A_404 = tpu.memref_squeeze %dma_start3A_403 : memref<1x40xi32, #tpu.memory_space<vmem>> -> memref<40xi32, #tpu.memory_space<vmem>>
        %dma_start3A_405 = arith.constant 0 : i32
        %dma_start3A_406 = tpu.memref_slice %arg5[%add3A, %add3A_400, %dma_start3A_405] : memref<32x250x40xi32, #tpu.memory_space<hbm>> -> memref<1x1x40xi32, #tpu.memory_space<hbm>>
        %dma_start3A_407 = tpu.memref_squeeze %dma_start3A_406 : memref<1x1x40xi32, #tpu.memory_space<hbm>> -> memref<40xi32, #tpu.memory_space<hbm>>
        %dma_start3A_408 = arith.constant 0 : i32
        %dma_start3A_409 = tpu.memref_slice %arg8[%dma_start3A_401, %dma_start3A_408] : memref<2x40xi32, #tpu.memory_space<vmem>> -> memref<1x40xi32, #tpu.memory_space<vmem>>
        %dma_start3A_410 = tpu.memref_squeeze %dma_start3A_409 : memref<1x40xi32, #tpu.memory_space<vmem>> -> memref<40xi32, #tpu.memory_space<vmem>>
        %dma_start3A_411 = arith.constant 0 : i32
        %dma_start3A_412 = tpu.memref_slice %arg5[%add3A, %add3A_400, %dma_start3A_411] : memref<32x250x40xi32, #tpu.memory_space<hbm>> -> memref<1x1x40xi32, #tpu.memory_space<hbm>>
        %dma_start3A_413 = tpu.memref_squeeze %dma_start3A_412 : memref<1x1x40xi32, #tpu.memory_space<hbm>> -> memref<40xi32, #tpu.memory_space<hbm>>
        tpu.enqueue_dma source(%dma_start3A_413 : memref<40xi32, #tpu.memory_space<hbm>>) target(%dma_start3A_410 : memref<40xi32, #tpu.memory_space<vmem>>) target_semaphore(%arg16 : memref<!tpu.dma_semaphore, #tpu.memory_space<semaphore_mem>>)
      } else {
      }
      %mul3A_346 = arith.constant 10000 : i32
      %mul3A_347 = arith.muli %add3A, %mul3A_346 : i32
      %mul3A_348 = arith.constant 40 : i32
      %mul3A_349 = arith.muli %add3A_314, %mul3A_348 : i32
      %add3A_350 = arith.addi %mul3A_347, %mul3A_349 : i32
      %dma_wait3A_351 = arith.constant 1 : i32
      %dma_wait3A_352 = arith.constant 0 : i32
      %dma_wait3A_353 = arith.constant 0 : i32
      %dma_wait3A_354 = tpu.memref_slice %arg11[%dma_wait3A_351, %dma_wait3A_352, %dma_wait3A_353] : memref<2x40x128xf32, #tpu.memory_space<vmem>> -> memref<1x40x128xf32, #tpu.memory_space<vmem>>
      %dma_wait3A_355 = tpu.memref_squeeze %dma_wait3A_354 : memref<1x40x128xf32, #tpu.memory_space<vmem>> -> memref<40x128xf32, #tpu.memory_space<vmem>>
      %dma_wait3A_356 = arith.constant 0 : i32
      %dma_wait3A_357 = tpu.memref_slice %arg3[%add3A_350, %dma_wait3A_356] : memref<320000x128xf32, #tpu.memory_space<hbm>> -> memref<40x128xf32, #tpu.memory_space<hbm>>
      %dma_wait3A_358 = arith.constant 0 : i32
      %dma_wait3A_359 = arith.constant 0 : i32
      %dma_wait3A_360 = tpu.memref_slice %arg11[%dma_wait3A_351, %dma_wait3A_358, %dma_wait3A_359] : memref<2x40x128xf32, #tpu.memory_space<vmem>> -> memref<1x40x128xf32, #tpu.memory_space<vmem>>
      %dma_wait3A_361 = tpu.memref_squeeze %dma_wait3A_360 : memref<1x40x128xf32, #tpu.memory_space<vmem>> -> memref<40x128xf32, #tpu.memory_space<vmem>>
      %dma_wait3A_362 = arith.constant 0 : i32
      %dma_wait3A_363 = tpu.memref_slice %arg3[%add3A_350, %dma_wait3A_362] : memref<320000x128xf32, #tpu.memory_space<hbm>> -> memref<40x128xf32, #tpu.memory_space<hbm>>
      tpu.wait_dma2 semaphore(%arg14 : memref<!tpu.dma_semaphore, #tpu.memory_space<semaphore_mem>>) src(%dma_wait3A_363 : memref<40x128xf32, #tpu.memory_space<hbm>>) dst(%dma_wait3A_361 : memref<40x128xf32, #tpu.memory_space<vmem>>)
      %dma_wait3A_364 = arith.constant 1 : i32
      %dma_wait3A_365 = arith.constant 0 : i32
      %dma_wait3A_366 = tpu.memref_slice %arg9[%dma_wait3A_364, %dma_wait3A_365] : memref<2x40xi32, #tpu.memory_space<vmem>> -> memref<1x40xi32, #tpu.memory_space<vmem>>
      %dma_wait3A_367 = tpu.memref_squeeze %dma_wait3A_366 : memref<1x40xi32, #tpu.memory_space<vmem>> -> memref<40xi32, #tpu.memory_space<vmem>>
      %dma_wait3A_368 = arith.constant 0 : i32
      %dma_wait3A_369 = tpu.memref_slice %arg6[%add3A, %add3A_314, %dma_wait3A_368] : memref<32x250x40xi32, #tpu.memory_space<hbm>> -> memref<1x1x40xi32, #tpu.memory_space<hbm>>
      %dma_wait3A_370 = tpu.memref_squeeze %dma_wait3A_369 : memref<1x1x40xi32, #tpu.memory_space<hbm>> -> memref<40xi32, #tpu.memory_space<hbm>>
      %dma_wait3A_371 = arith.constant 0 : i32
      %dma_wait3A_372 = tpu.memref_slice %arg9[%dma_wait3A_364, %dma_wait3A_371] : memref<2x40xi32, #tpu.memory_space<vmem>> -> memref<1x40xi32, #tpu.memory_space<vmem>>
      %dma_wait3A_373 = tpu.memref_squeeze %dma_wait3A_372 : memref<1x40xi32, #tpu.memory_space<vmem>> -> memref<40xi32, #tpu.memory_space<vmem>>
      %dma_wait3A_374 = arith.constant 0 : i32
      %dma_wait3A_375 = tpu.memref_slice %arg6[%add3A, %add3A_314, %dma_wait3A_374] : memref<32x250x40xi32, #tpu.memory_space<hbm>> -> memref<1x1x40xi32, #tpu.memory_space<hbm>>
      %dma_wait3A_376 = tpu.memref_squeeze %dma_wait3A_375 : memref<1x1x40xi32, #tpu.memory_space<hbm>> -> memref<40xi32, #tpu.memory_space<hbm>>
      tpu.wait_dma2 semaphore(%arg15 : memref<!tpu.dma_semaphore, #tpu.memory_space<semaphore_mem>>) src(%dma_wait3A_376 : memref<40xi32, #tpu.memory_space<hbm>>) dst(%dma_wait3A_373 : memref<40xi32, #tpu.memory_space<vmem>>)
      %parallel_loop3A_377 = arith.constant 0 : i32
      %parallel_loop3A_378 = arith.constant 40 : i32
      %parallel_loop3A_379 = arith.constant 1 : i32
      scf.for %parallel_loop3A_399 = %parallel_loop3A_377 to %parallel_loop3A_378 step %parallel_loop3A_379  : i32 {
        %parallel_loop3A_400 = arith.constant 1 : i32
        %parallel_loop3A_401 = arith.index_cast %parallel_loop3A_400 : i32 to index
        %parallel_loop3A_402 = arith.index_cast %parallel_loop3A_399 : i32 to index
        %parallel_loop3A_403 = arith.constant 0 : index
        %parallel_loop3A_404 = tpu.vector_load %arg10[%parallel_loop3A_401, %parallel_loop3A_402, %parallel_loop3A_403] {strides = array<i32>} : memref<2x40x128xf32, #tpu.memory_space<vmem>>, vector<1x1x16xf32>,
        %parallel_loop3A_405 = vector.shape_cast %parallel_loop3A_404 : vector<1x1x16xf32> to vector<16xf32>
        %parallel_loop3A_406 = arith.constant 1 : i32
        %parallel_loop3A_407 = arith.index_cast %parallel_loop3A_406 : i32 to index
        %parallel_loop3A_408 = arith.index_cast %parallel_loop3A_399 : i32 to index
        %parallel_loop3A_409 = arith.constant 0 : index
        %parallel_loop3A_410 = tpu.vector_load %arg11[%parallel_loop3A_407, %parallel_loop3A_408, %parallel_loop3A_409] {strides = array<i32>} : memref<2x40x128xf32, #tpu.memory_space<vmem>>, vector<1x1x16xf32>,
        %parallel_loop3A_411 = vector.shape_cast %parallel_loop3A_410 : vector<1x1x16xf32> to vector<16xf32>
        %parallel_loop3A_412 = arith.addf %parallel_loop3A_405, %parallel_loop3A_411 : vector<16xf32>
        %parallel_loop3A_413 = arith.constant 0.000000e+00 : f32
        %parallel_loop3A_414 = vector.broadcast %parallel_loop3A_413 : f32 to vector<16xf32>
        %parallel_loop3A_415 = arith.maximumf %parallel_loop3A_412, %parallel_loop3A_414 : vector<16xf32>
        %parallel_loop3A_416 = arith.constant 1 : i32
        %parallel_loop3A_417 = arith.index_cast %parallel_loop3A_416 : i32 to index
        %parallel_loop3A_418 = arith.index_cast %parallel_loop3A_399 : i32 to index
        %parallel_loop3A_419 = arith.constant 0 : index
        %parallel_loop3A_420 = tpu.vector_load %arg11[%parallel_loop3A_417, %parallel_loop3A_418, %parallel_loop3A_419] {strides = array<i32>} : memref<2x40x128xf32, #tpu.memory_space<vmem>>, vector<1x1x16xf32>,
        %parallel_loop3A_421 = vector.shape_cast %parallel_loop3A_420 : vector<1x1x16xf32> to vector<16xf32>
        %parallel_loop3A_422 = vector.shape_cast %parallel_loop3A_415 : vector<16xf32> to vector<1x1x16xf32>
        tpu.vector_store %arg11[%parallel_loop3A_417, %parallel_loop3A_418, %parallel_loop3A_419], %parallel_loop3A_422 {strides = array<i32>} : memref<2x40x128xf32, #tpu.memory_space<vmem>>, vector<1x1x16xf32>,
        %parallel_loop3A_423 = arith.constant 1 : i32
        %parallel_loop3A_424 = arith.index_cast %parallel_loop3A_423 : i32 to index
        %parallel_loop3A_425 = arith.index_cast %parallel_loop3A_399 : i32 to index
        %parallel_loop3A_426 = arith.constant 16 : index
        %parallel_loop3A_427 = tpu.vector_load %arg10[%parallel_loop3A_424, %parallel_loop3A_425, %parallel_loop3A_426] {strides = array<i32>} : memref<2x40x128xf32, #tpu.memory_space<vmem>>, vector<1x1x16xf32>,
        %parallel_loop3A_428 = vector.shape_cast %parallel_loop3A_427 : vector<1x1x16xf32> to vector<16xf32>
        %parallel_loop3A_429 = arith.constant 1 : i32
        %parallel_loop3A_430 = arith.index_cast %parallel_loop3A_429 : i32 to index
        %parallel_loop3A_431 = arith.index_cast %parallel_loop3A_399 : i32 to index
        %parallel_loop3A_432 = arith.constant 16 : index
        %parallel_loop3A_433 = tpu.vector_load %arg11[%parallel_loop3A_430, %parallel_loop3A_431, %parallel_loop3A_432] {strides = array<i32>} : memref<2x40x128xf32, #tpu.memory_space<vmem>>, vector<1x1x16xf32>,
        %parallel_loop3A_434 = vector.shape_cast %parallel_loop3A_433 : vector<1x1x16xf32> to vector<16xf32>
        %parallel_loop3A_435 = arith.addf %parallel_loop3A_428, %parallel_loop3A_434 : vector<16xf32>
        %parallel_loop3A_436 = arith.constant 0.000000e+00 : f32
        %parallel_loop3A_437 = vector.broadcast %parallel_loop3A_436 : f32 to vector<16xf32>
        %parallel_loop3A_438 = arith.maximumf %parallel_loop3A_435, %parallel_loop3A_437 : vector<16xf32>
        %parallel_loop3A_439 = arith.constant 1 : i32
        %parallel_loop3A_440 = arith.index_cast %parallel_loop3A_439 : i32 to index
        %parallel_loop3A_441 = arith.index_cast %parallel_loop3A_399 : i32 to index
        %parallel_loop3A_442 = arith.constant 16 : index
        %parallel_loop3A_443 = tpu.vector_load %arg11[%parallel_loop3A_440, %parallel_loop3A_441, %parallel_loop3A_442] {strides = array<i32>} : memref<2x40x128xf32, #tpu.memory_space<vmem>>, vector<1x1x16xf32>,
        %parallel_loop3A_444 = vector.shape_cast %parallel_loop3A_443 : vector<1x1x16xf32> to vector<16xf32>
        %parallel_loop3A_445 = vector.shape_cast %parallel_loop3A_438 : vector<16xf32> to vector<1x1x16xf32>
        tpu.vector_store %arg11[%parallel_loop3A_440, %parallel_loop3A_441, %parallel_loop3A_442], %parallel_loop3A_445 {strides = array<i32>} : memref<2x40x128xf32, #tpu.memory_space<vmem>>, vector<1x1x16xf32>,
        %parallel_loop3A_446 = arith.constant 1 : i32
        %parallel_loop3A_447 = arith.index_cast %parallel_loop3A_446 : i32 to index
        %parallel_loop3A_448 = arith.index_cast %parallel_loop3A_399 : i32 to index
        %parallel_loop3A_449 = arith.constant 32 : index
        %parallel_loop3A_450 = tpu.vector_load %arg10[%parallel_loop3A_447, %parallel_loop3A_448, %parallel_loop3A_449] {strides = array<i32>} : memref<2x40x128xf32, #tpu.memory_space<vmem>>, vector<1x1x16xf32>,
        %parallel_loop3A_451 = vector.shape_cast %parallel_loop3A_450 : vector<1x1x16xf32> to vector<16xf32>
        %parallel_loop3A_452 = arith.constant 1 : i32
        %parallel_loop3A_453 = arith.index_cast %parallel_loop3A_452 : i32 to index
        %parallel_loop3A_454 = arith.index_cast %parallel_loop3A_399 : i32 to index
        %parallel_loop3A_455 = arith.constant 32 : index
        %parallel_loop3A_456 = tpu.vector_load %arg11[%parallel_loop3A_453, %parallel_loop3A_454, %parallel_loop3A_455] {strides = array<i32>} : memref<2x40x128xf32, #tpu.memory_space<vmem>>, vector<1x1x16xf32>,
        %parallel_loop3A_457 = vector.shape_cast %parallel_loop3A_456 : vector<1x1x16xf32> to vector<16xf32>
        %parallel_loop3A_458 = arith.addf %parallel_loop3A_451, %parallel_loop3A_457 : vector<16xf32>
        %parallel_loop3A_459 = arith.constant 0.000000e+00 : f32
        %parallel_loop3A_460 = vector.broadcast %parallel_loop3A_459 : f32 to vector<16xf32>
        %parallel_loop3A_461 = arith.maximumf %parallel_loop3A_458, %parallel_loop3A_460 : vector<16xf32>
        %parallel_loop3A_462 = arith.constant 1 : i32
        %parallel_loop3A_463 = arith.index_cast %parallel_loop3A_462 : i32 to index
        %parallel_loop3A_464 = arith.index_cast %parallel_loop3A_399 : i32 to index
        %parallel_loop3A_465 = arith.constant 32 : index
        %parallel_loop3A_466 = tpu.vector_load %arg11[%parallel_loop3A_463, %parallel_loop3A_464, %parallel_loop3A_465] {strides = array<i32>} : memref<2x40x128xf32, #tpu.memory_space<vmem>>, vector<1x1x16xf32>,
        %parallel_loop3A_467 = vector.shape_cast %parallel_loop3A_466 : vector<1x1x16xf32> to vector<16xf32>
        %parallel_loop3A_468 = vector.shape_cast %parallel_loop3A_461 : vector<16xf32> to vector<1x1x16xf32>
        tpu.vector_store %arg11[%parallel_loop3A_463, %parallel_loop3A_464, %parallel_loop3A_465], %parallel_loop3A_468 {strides = array<i32>} : memref<2x40x128xf32, #tpu.memory_space<vmem>>, vector<1x1x16xf32>,
        %parallel_loop3A_469 = arith.constant 1 : i32
        %parallel_loop3A_470 = arith.index_cast %parallel_loop3A_469 : i32 to index
        %parallel_loop3A_471 = arith.index_cast %parallel_loop3A_399 : i32 to index
        %parallel_loop3A_472 = arith.constant 48 : index
        %parallel_loop3A_473 = tpu.vector_load %arg10[%parallel_loop3A_470, %parallel_loop3A_471, %parallel_loop3A_472] {strides = array<i32>} : memref<2x40x128xf32, #tpu.memory_space<vmem>>, vector<1x1x16xf32>,
        %parallel_loop3A_474 = vector.shape_cast %parallel_loop3A_473 : vector<1x1x16xf32> to vector<16xf32>
        %parallel_loop3A_475 = arith.constant 1 : i32
        %parallel_loop3A_476 = arith.index_cast %parallel_loop3A_475 : i32 to index
        %parallel_loop3A_477 = arith.index_cast %parallel_loop3A_399 : i32 to index
        %parallel_loop3A_478 = arith.constant 48 : index
        %parallel_loop3A_479 = tpu.vector_load %arg11[%parallel_loop3A_476, %parallel_loop3A_477, %parallel_loop3A_478] {strides = array<i32>} : memref<2x40x128xf32, #tpu.memory_space<vmem>>, vector<1x1x16xf32>,
        %parallel_loop3A_480 = vector.shape_cast %parallel_loop3A_479 : vector<1x1x16xf32> to vector<16xf32>
        %parallel_loop3A_481 = arith.addf %parallel_loop3A_474, %parallel_loop3A_480 : vector<16xf32>
        %parallel_loop3A_482 = arith.constant 0.000000e+00 : f32
        %parallel_loop3A_483 = vector.broadcast %parallel_loop3A_482 : f32 to vector<16xf32>
        %parallel_loop3A_484 = arith.maximumf %parallel_loop3A_481, %parallel_loop3A_483 : vector<16xf32>
        %parallel_loop3A_485 = arith.constant 1 : i32
        %parallel_loop3A_486 = arith.index_cast %parallel_loop3A_485 : i32 to index
        %parallel_loop3A_487 = arith.index_cast %parallel_loop3A_399 : i32 to index
        %parallel_loop3A_488 = arith.constant 48 : index
        %parallel_loop3A_489 = tpu.vector_load %arg11[%parallel_loop3A_486, %parallel_loop3A_487, %parallel_loop3A_488] {strides = array<i32>} : memref<2x40x128xf32, #tpu.memory_space<vmem>>, vector<1x1x16xf32>,
        %parallel_loop3A_490 = vector.shape_cast %parallel_loop3A_489 : vector<1x1x16xf32> to vector<16xf32>
        %parallel_loop3A_491 = vector.shape_cast %parallel_loop3A_484 : vector<16xf32> to vector<1x1x16xf32>
        tpu.vector_store %arg11[%parallel_loop3A_486, %parallel_loop3A_487, %parallel_loop3A_488], %parallel_loop3A_491 {strides = array<i32>} : memref<2x40x128xf32, #tpu.memory_space<vmem>>, vector<1x1x16xf32>,
        %parallel_loop3A_492 = arith.constant 1 : i32
        %parallel_loop3A_493 = arith.index_cast %parallel_loop3A_492 : i32 to index
        %parallel_loop3A_494 = arith.index_cast %parallel_loop3A_399 : i32 to index
        %parallel_loop3A_495 = arith.constant 64 : index
        %parallel_loop3A_496 = tpu.vector_load %arg10[%parallel_loop3A_493, %parallel_loop3A_494, %parallel_loop3A_495] {strides = array<i32>} : memref<2x40x128xf32, #tpu.memory_space<vmem>>, vector<1x1x16xf32>,
        %parallel_loop3A_497 = vector.shape_cast %parallel_loop3A_496 : vector<1x1x16xf32> to vector<16xf32>
        %parallel_loop3A_498 = arith.constant 1 : i32
        %parallel_loop3A_499 = arith.index_cast %parallel_loop3A_498 : i32 to index
        %parallel_loop3A_500 = arith.index_cast %parallel_loop3A_399 : i32 to index
        %parallel_loop3A_501 = arith.constant 64 : index
        %parallel_loop3A_502 = tpu.vector_load %arg11[%parallel_loop3A_499, %parallel_loop3A_500, %parallel_loop3A_501] {strides = array<i32>} : memref<2x40x128xf32, #tpu.memory_space<vmem>>, vector<1x1x16xf32>,
        %parallel_loop3A_503 = vector.shape_cast %parallel_loop3A_502 : vector<1x1x16xf32> to vector<16xf32>
        %parallel_loop3A_504 = arith.addf %parallel_loop3A_497, %parallel_loop3A_503 : vector<16xf32>
        %parallel_loop3A_505 = arith.constant 0.000000e+00 : f32
        %parallel_loop3A_506 = vector.broadcast %parallel_loop3A_505 : f32 to vector<16xf32>
        %parallel_loop3A_507 = arith.maximumf %parallel_loop3A_504, %parallel_loop3A_506 : vector<16xf32>
        %parallel_loop3A_508 = arith.constant 1 : i32
        %parallel_loop3A_509 = arith.index_cast %parallel_loop3A_508 : i32 to index
        %parallel_loop3A_510 = arith.index_cast %parallel_loop3A_399 : i32 to index
        %parallel_loop3A_511 = arith.constant 64 : index
        %parallel_loop3A_512 = tpu.vector_load %arg11[%parallel_loop3A_509, %parallel_loop3A_510, %parallel_loop3A_511] {strides = array<i32>} : memref<2x40x128xf32, #tpu.memory_space<vmem>>, vector<1x1x16xf32>,
        %parallel_loop3A_513 = vector.shape_cast %parallel_loop3A_512 : vector<1x1x16xf32> to vector<16xf32>
        %parallel_loop3A_514 = vector.shape_cast %parallel_loop3A_507 : vector<16xf32> to vector<1x1x16xf32>
        tpu.vector_store %arg11[%parallel_loop3A_509, %parallel_loop3A_510, %parallel_loop3A_511], %parallel_loop3A_514 {strides = array<i32>} : memref<2x40x128xf32, #tpu.memory_space<vmem>>, vector<1x1x16xf32>,
        %parallel_loop3A_515 = arith.constant 1 : i32
        %parallel_loop3A_516 = arith.index_cast %parallel_loop3A_515 : i32 to index
        %parallel_loop3A_517 = arith.index_cast %parallel_loop3A_399 : i32 to index
        %parallel_loop3A_518 = arith.constant 80 : index
        %parallel_loop3A_519 = tpu.vector_load %arg10[%parallel_loop3A_516, %parallel_loop3A_517, %parallel_loop3A_518] {strides = array<i32>} : memref<2x40x128xf32, #tpu.memory_space<vmem>>, vector<1x1x16xf32>,
        %parallel_loop3A_520 = vector.shape_cast %parallel_loop3A_519 : vector<1x1x16xf32> to vector<16xf32>
        %parallel_loop3A_521 = arith.constant 1 : i32
        %parallel_loop3A_522 = arith.index_cast %parallel_loop3A_521 : i32 to index
        %parallel_loop3A_523 = arith.index_cast %parallel_loop3A_399 : i32 to index
        %parallel_loop3A_524 = arith.constant 80 : index
        %parallel_loop3A_525 = tpu.vector_load %arg11[%parallel_loop3A_522, %parallel_loop3A_523, %parallel_loop3A_524] {strides = array<i32>} : memref<2x40x128xf32, #tpu.memory_space<vmem>>, vector<1x1x16xf32>,
        %parallel_loop3A_526 = vector.shape_cast %parallel_loop3A_525 : vector<1x1x16xf32> to vector<16xf32>
        %parallel_loop3A_527 = arith.addf %parallel_loop3A_520, %parallel_loop3A_526 : vector<16xf32>
        %parallel_loop3A_528 = arith.constant 0.000000e+00 : f32
        %parallel_loop3A_529 = vector.broadcast %parallel_loop3A_528 : f32 to vector<16xf32>
        %parallel_loop3A_530 = arith.maximumf %parallel_loop3A_527, %parallel_loop3A_529 : vector<16xf32>
        %parallel_loop3A_531 = arith.constant 1 : i32
        %parallel_loop3A_532 = arith.index_cast %parallel_loop3A_531 : i32 to index
        %parallel_loop3A_533 = arith.index_cast %parallel_loop3A_399 : i32 to index
        %parallel_loop3A_534 = arith.constant 80 : index
        %parallel_loop3A_535 = tpu.vector_load %arg11[%parallel_loop3A_532, %parallel_loop3A_533, %parallel_loop3A_534] {strides = array<i32>} : memref<2x40x128xf32, #tpu.memory_space<vmem>>, vector<1x1x16xf32>,
        %parallel_loop3A_536 = vector.shape_cast %parallel_loop3A_535 : vector<1x1x16xf32> to vector<16xf32>
        %parallel_loop3A_537 = vector.shape_cast %parallel_loop3A_530 : vector<16xf32> to vector<1x1x16xf32>
        tpu.vector_store %arg11[%parallel_loop3A_532, %parallel_loop3A_533, %parallel_loop3A_534], %parallel_loop3A_537 {strides = array<i32>} : memref<2x40x128xf32, #tpu.memory_space<vmem>>, vector<1x1x16xf32>,
        %parallel_loop3A_538 = arith.constant 1 : i32
        %parallel_loop3A_539 = arith.index_cast %parallel_loop3A_538 : i32 to index
        %parallel_loop3A_540 = arith.index_cast %parallel_loop3A_399 : i32 to index
        %parallel_loop3A_541 = arith.constant 96 : index
        %parallel_loop3A_542 = tpu.vector_load %arg10[%parallel_loop3A_539, %parallel_loop3A_540, %parallel_loop3A_541] {strides = array<i32>} : memref<2x40x128xf32, #tpu.memory_space<vmem>>, vector<1x1x16xf32>,
        %parallel_loop3A_543 = vector.shape_cast %parallel_loop3A_542 : vector<1x1x16xf32> to vector<16xf32>
        %parallel_loop3A_544 = arith.constant 1 : i32
        %parallel_loop3A_545 = arith.index_cast %parallel_loop3A_544 : i32 to index
        %parallel_loop3A_546 = arith.index_cast %parallel_loop3A_399 : i32 to index
        %parallel_loop3A_547 = arith.constant 96 : index
        %parallel_loop3A_548 = tpu.vector_load %arg11[%parallel_loop3A_545, %parallel_loop3A_546, %parallel_loop3A_547] {strides = array<i32>} : memref<2x40x128xf32, #tpu.memory_space<vmem>>, vector<1x1x16xf32>,
        %parallel_loop3A_549 = vector.shape_cast %parallel_loop3A_548 : vector<1x1x16xf32> to vector<16xf32>
        %parallel_loop3A_550 = arith.addf %parallel_loop3A_543, %parallel_loop3A_549 : vector<16xf32>
        %parallel_loop3A_551 = arith.constant 0.000000e+00 : f32
        %parallel_loop3A_552 = vector.broadcast %parallel_loop3A_551 : f32 to vector<16xf32>
        %parallel_loop3A_553 = arith.maximumf %parallel_loop3A_550, %parallel_loop3A_552 : vector<16xf32>
        %parallel_loop3A_554 = arith.constant 1 : i32
        %parallel_loop3A_555 = arith.index_cast %parallel_loop3A_554 : i32 to index
        %parallel_loop3A_556 = arith.index_cast %parallel_loop3A_399 : i32 to index
        %parallel_loop3A_557 = arith.constant 96 : index
        %parallel_loop3A_558 = tpu.vector_load %arg11[%parallel_loop3A_555, %parallel_loop3A_556, %parallel_loop3A_557] {strides = array<i32>} : memref<2x40x128xf32, #tpu.memory_space<vmem>>, vector<1x1x16xf32>,
        %parallel_loop3A_559 = vector.shape_cast %parallel_loop3A_558 : vector<1x1x16xf32> to vector<16xf32>
        %parallel_loop3A_560 = vector.shape_cast %parallel_loop3A_553 : vector<16xf32> to vector<1x1x16xf32>
        tpu.vector_store %arg11[%parallel_loop3A_555, %parallel_loop3A_556, %parallel_loop3A_557], %parallel_loop3A_560 {strides = array<i32>} : memref<2x40x128xf32, #tpu.memory_space<vmem>>, vector<1x1x16xf32>,
        %parallel_loop3A_561 = arith.constant 1 : i32
        %parallel_loop3A_562 = arith.index_cast %parallel_loop3A_561 : i32 to index
        %parallel_loop3A_563 = arith.index_cast %parallel_loop3A_399 : i32 to index
        %parallel_loop3A_564 = arith.constant 112 : index
        %parallel_loop3A_565 = tpu.vector_load %arg10[%parallel_loop3A_562, %parallel_loop3A_563, %parallel_loop3A_564] {strides = array<i32>} : memref<2x40x128xf32, #tpu.memory_space<vmem>>, vector<1x1x16xf32>,
        %parallel_loop3A_566 = vector.shape_cast %parallel_loop3A_565 : vector<1x1x16xf32> to vector<16xf32>
        %parallel_loop3A_567 = arith.constant 1 : i32
        %parallel_loop3A_568 = arith.index_cast %parallel_loop3A_567 : i32 to index
        %parallel_loop3A_569 = arith.index_cast %parallel_loop3A_399 : i32 to index
        %parallel_loop3A_570 = arith.constant 112 : index
        %parallel_loop3A_571 = tpu.vector_load %arg11[%parallel_loop3A_568, %parallel_loop3A_569, %parallel_loop3A_570] {strides = array<i32>} : memref<2x40x128xf32, #tpu.memory_space<vmem>>, vector<1x1x16xf32>,
        %parallel_loop3A_572 = vector.shape_cast %parallel_loop3A_571 : vector<1x1x16xf32> to vector<16xf32>
        %parallel_loop3A_573 = arith.addf %parallel_loop3A_566, %parallel_loop3A_572 : vector<16xf32>
        %parallel_loop3A_574 = arith.constant 0.000000e+00 : f32
        %parallel_loop3A_575 = vector.broadcast %parallel_loop3A_574 : f32 to vector<16xf32>
        %parallel_loop3A_576 = arith.maximumf %parallel_loop3A_573, %parallel_loop3A_575 : vector<16xf32>
        %parallel_loop3A_577 = arith.constant 1 : i32
        %parallel_loop3A_578 = arith.index_cast %parallel_loop3A_577 : i32 to index
        %parallel_loop3A_579 = arith.index_cast %parallel_loop3A_399 : i32 to index
        %parallel_loop3A_580 = arith.constant 112 : index
        %parallel_loop3A_581 = tpu.vector_load %arg11[%parallel_loop3A_578, %parallel_loop3A_579, %parallel_loop3A_580] {strides = array<i32>} : memref<2x40x128xf32, #tpu.memory_space<vmem>>, vector<1x1x16xf32>,
        %parallel_loop3A_582 = vector.shape_cast %parallel_loop3A_581 : vector<1x1x16xf32> to vector<16xf32>
        %parallel_loop3A_583 = vector.shape_cast %parallel_loop3A_576 : vector<16xf32> to vector<1x1x16xf32>
        tpu.vector_store %arg11[%parallel_loop3A_578, %parallel_loop3A_579, %parallel_loop3A_580], %parallel_loop3A_583 {strides = array<i32>} : memref<2x40x128xf32, #tpu.memory_space<vmem>>, vector<1x1x16xf32>,
      } {sc.loop_unroll_factor = 4 : i64, sc.parallel_access}
      %dma_start3A_380 = arith.constant 1 : i32
      %dma_start3A_381 = arith.constant 1 : i32
      %dma_start3A_382 = arith.constant 0 : i32
      %dma_start3A_383 = arith.constant 0 : i32
      %dma_start3A_384 = tpu.memref_slice %arg11[%dma_start3A_380, %dma_start3A_382, %dma_start3A_383] : memref<2x40x128xf32, #tpu.memory_space<vmem>> -> memref<1x40x128xf32, #tpu.memory_space<vmem>>
      %dma_start3A_385 = tpu.memref_squeeze %dma_start3A_384 : memref<1x40x128xf32, #tpu.memory_space<vmem>> -> memref<40x128xf32, #tpu.memory_space<vmem>>
      %dma_start3A_386 = arith.constant 0 : i32
      %dma_start3A_387 = tpu.memref_slice %arg9[%dma_start3A_381, %dma_start3A_386] : memref<2x40xi32, #tpu.memory_space<vmem>> -> memref<1x40xi32, #tpu.memory_space<vmem>>
      %dma_start3A_388 = tpu.memref_squeeze %dma_start3A_387 : memref<1x40xi32, #tpu.memory_space<vmem>> -> memref<40xi32, #tpu.memory_space<vmem>>
      %dma_start3A_389 = arith.constant 0 : i32
      %dma_start3A_390 = arith.constant 0 : i32
      %dma_start3A_391 = tpu.memref_slice %arg12[%dma_start3A_389, %dma_start3A_390] : memref<10240x128xf32, #tpu.memory_space<vmem_shared>> -> memref<10240x128xf32, #tpu.memory_space<vmem_shared>>
      tpu.enqueue_indirect_dma source(%dma_start3A_385 : memref<40x128xf32, #tpu.memory_space<vmem>>) target(%dma_start3A_391 : memref<10240x128xf32, #tpu.memory_space<vmem_shared>>) offsets(%dma_start3A_388 : memref<40xi32, #tpu.memory_space<vmem>>) semaphore(%arg17 : memref<!tpu.dma_semaphore, #tpu.memory_space<semaphore_mem>>) {add = true}
      %add3A_392 = arith.constant 2 : i32
      %add3A_393 = arith.addi %add3A_314, %add3A_392 : i32
      %lt3A_394 = arith.constant 250 : i32
      %lt3A_395 = arith.cmpi slt, %add3A_393, %lt3A_394 : i32
      %convert_element_type3A_396 = arith.extui %lt3A_395 : i1 to i32
      %cond3A_397 = arith.constant 0 : i32
      %cond3A_398 = arith.cmpi ne, %convert_element_type3A_396, %cond3A_397 : i32
      scf.if %cond3A_398 {
        %add3A_399 = arith.constant 2 : i32
        %add3A_400 = arith.addi %add3A_314, %add3A_399 : i32
        %dma_wait3A_401 = arith.constant 1 : i32
        %dma_wait3A_402 = arith.constant 0 : i32
        %dma_wait3A_403 = tpu.memref_slice %arg8[%dma_wait3A_401, %dma_wait3A_402] : memref<2x40xi32, #tpu.memory_space<vmem>> -> memref<1x40xi32, #tpu.memory_space<vmem>>
        %dma_wait3A_404 = tpu.memref_squeeze %dma_wait3A_403 : memref<1x40xi32, #tpu.memory_space<vmem>> -> memref<40xi32, #tpu.memory_space<vmem>>
        %dma_wait3A_405 = arith.constant 0 : i32
        %dma_wait3A_406 = tpu.memref_slice %arg5[%add3A, %add3A_400, %dma_wait3A_405] : memref<32x250x40xi32, #tpu.memory_space<hbm>> -> memref<1x1x40xi32, #tpu.memory_space<hbm>>
        %dma_wait3A_407 = tpu.memref_squeeze %dma_wait3A_406 : memref<1x1x40xi32, #tpu.memory_space<hbm>> -> memref<40xi32, #tpu.memory_space<hbm>>
        %dma_wait3A_408 = arith.constant 0 : i32
        %dma_wait3A_409 = tpu.memref_slice %arg8[%dma_wait3A_401, %dma_wait3A_408] : memref<2x40xi32, #tpu.memory_space<vmem>> -> memref<1x40xi32, #tpu.memory_space<vmem>>
        %dma_wait3A_410 = tpu.memref_squeeze %dma_wait3A_409 : memref<1x40xi32, #tpu.memory_space<vmem>> -> memref<40xi32, #tpu.memory_space<vmem>>
        %dma_wait3A_411 = arith.constant 0 : i32
        %dma_wait3A_412 = tpu.memref_slice %arg5[%add3A, %add3A_400, %dma_wait3A_411] : memref<32x250x40xi32, #tpu.memory_space<hbm>> -> memref<1x1x40xi32, #tpu.memory_space<hbm>>
        %dma_wait3A_413 = tpu.memref_squeeze %dma_wait3A_412 : memref<1x1x40xi32, #tpu.memory_space<hbm>> -> memref<40xi32, #tpu.memory_space<hbm>>
        tpu.wait_dma2 semaphore(%arg16 : memref<!tpu.dma_semaphore, #tpu.memory_space<semaphore_mem>>) src(%dma_wait3A_413 : memref<40xi32, #tpu.memory_space<hbm>>) dst(%dma_wait3A_410 : memref<40xi32, #tpu.memory_space<vmem>>)
        %dma_start3A_414 = arith.constant 1 : i32
        %dma_start3A_415 = arith.constant 1 : i32
        %dma_start3A_416 = arith.constant 0 : i32
        %dma_start3A_417 = arith.constant 0 : i32
        %dma_start3A_418 = tpu.memref_slice %arg10[%dma_start3A_415, %dma_start3A_416, %dma_start3A_417] : memref<2x40x128xf32, #tpu.memory_space<vmem>> -> memref<1x40x128xf32, #tpu.memory_space<vmem>>
        %dma_start3A_419 = tpu.memref_squeeze %dma_start3A_418 : memref<1x40x128xf32, #tpu.memory_space<vmem>> -> memref<40x128xf32, #tpu.memory_space<vmem>>
        %dma_start3A_420 = arith.constant 0 : i32
        %dma_start3A_421 = tpu.memref_slice %arg8[%dma_start3A_414, %dma_start3A_420] : memref<2x40xi32, #tpu.memory_space<vmem>> -> memref<1x40xi32, #tpu.memory_space<vmem>>
        %dma_start3A_422 = tpu.memref_squeeze %dma_start3A_421 : memref<1x40xi32, #tpu.memory_space<vmem>> -> memref<40xi32, #tpu.memory_space<vmem>>
        %dma_start3A_423 = arith.constant 0 : i32
        %dma_start3A_424 = arith.constant 0 : i32
        %dma_start3A_425 = tpu.memref_slice %arg2[%dma_start3A_423, %dma_start3A_424] : memref<10000x128xf32, #tpu.memory_space<hbm>> -> memref<10000x128xf32, #tpu.memory_space<hbm>>
        tpu.enqueue_indirect_dma source(%dma_start3A_425 : memref<10000x128xf32, #tpu.memory_space<hbm>>) target(%dma_start3A_419 : memref<40x128xf32, #tpu.memory_space<vmem>>) offsets(%dma_start3A_422 : memref<40xi32, #tpu.memory_space<vmem>>) semaphore(%arg13 : memref<!tpu.dma_semaphore, #tpu.memory_space<semaphore_mem>>)
      } else {
      }
    }
    %scan3A_118 = arith.constant 125 : i32
    %dma_wait3A_119 = arith.constant 1 : i32
    %dma_wait3A_120 = arith.constant 1 : i32
    %dma_wait3A_121 = arith.constant 0 : i32
    %dma_wait3A_122 = arith.constant 0 : i32
    %dma_wait3A_123 = tpu.memref_slice %arg11[%dma_wait3A_119, %dma_wait3A_121, %dma_wait3A_122] : memref<2x40x128xf32, #tpu.memory_space<vmem>> -> memref<1x40x128xf32, #tpu.memory_space<vmem>>
    %dma_wait3A_124 = tpu.memref_squeeze %dma_wait3A_123 : memref<1x40x128xf32, #tpu.memory_space<vmem>> -> memref<40x128xf32, #tpu.memory_space<vmem>>
    %dma_wait3A_125 = arith.constant 0 : i32
    %dma_wait3A_126 = tpu.memref_slice %arg9[%dma_wait3A_120, %dma_wait3A_125] : memref<2x40xi32, #tpu.memory_space<vmem>> -> memref<1x40xi32, #tpu.memory_space<vmem>>
    %dma_wait3A_127 = tpu.memref_squeeze %dma_wait3A_126 : memref<1x40xi32, #tpu.memory_space<vmem>> -> memref<40xi32, #tpu.memory_space<vmem>>
    %dma_wait3A_128 = arith.constant 0 : i32
    %dma_wait3A_129 = arith.constant 0 : i32
    %dma_wait3A_130 = tpu.memref_slice %arg12[%dma_wait3A_128, %dma_wait3A_129] : memref<10240x128xf32, #tpu.memory_space<vmem_shared>> -> memref<10240x128xf32, #tpu.memory_space<vmem_shared>>
    tpu.wait_indirect_dma semaphore(%arg17 : memref<!tpu.dma_semaphore, #tpu.memory_space<semaphore_mem>>) src(%dma_wait3A_124 : memref<40x128xf32, #tpu.memory_space<vmem>>) dst(%dma_wait3A_130 : memref<10240x128xf32, #tpu.memory_space<vmem_shared>>)
    %barrier3A_131 = arith.constant 0 : index
    tpu.barrier barrier_id(%barrier3A_131)
    %mul3A_132 = arith.constant 640 : i32
    %mul3A_133 = arith.muli %arg1, %mul3A_132 : i32
    %add3A_134 = arith.constant 0 : i32
    %add3A_135 = arith.addi %mul3A_133, %add3A_134 : i32
    %run_scoped3A = arith.constant 0 : i32
    "tpu.region"() ({
      %run_scoped3A_227 = tpu.sem_alloc : memref<!tpu.dma_semaphore, #tpu.memory_space<semaphore_mem>>
      %dma_start3A_228 = arith.constant 0 : i32
      %dma_start3A_229 = arith.constant 0 : i32
      %dma_start3A_230 = tpu.memref_slice %arg11[%run_scoped3A, %dma_start3A_228, %dma_start3A_229] : memref<2x40x128xf32, #tpu.memory_space<vmem>> -> memref<1x40x128xf32, #tpu.memory_space<vmem>>
      %dma_start3A_231 = tpu.memref_squeeze %dma_start3A_230 : memref<1x40x128xf32, #tpu.memory_space<vmem>> -> memref<40x128xf32, #tpu.memory_space<vmem>>
      %dma_start3A_232 = arith.constant 0 : i32
      %dma_start3A_233 = tpu.memref_slice %arg12[%add3A_135, %dma_start3A_232] : memref<10240x128xf32, #tpu.memory_space<vmem_shared>> -> memref<40x128xf32, #tpu.memory_space<vmem_shared>>
      %dma_start3A_234 = arith.constant 0 : i32
      %dma_start3A_235 = arith.constant 0 : i32
      %dma_start3A_236 = tpu.memref_slice %arg11[%run_scoped3A, %dma_start3A_234, %dma_start3A_235] : memref<2x40x128xf32, #tpu.memory_space<vmem>> -> memref<1x40x128xf32, #tpu.memory_space<vmem>>
      %dma_start3A_237 = tpu.memref_squeeze %dma_start3A_236 : memref<1x40x128xf32, #tpu.memory_space<vmem>> -> memref<40x128xf32, #tpu.memory_space<vmem>>
      %dma_start3A_238 = arith.constant 0 : i32
      %dma_start3A_239 = tpu.memref_slice %arg12[%add3A_135, %dma_start3A_238] : memref<10240x128xf32, #tpu.memory_space<vmem_shared>> -> memref<40x128xf32, #tpu.memory_space<vmem_shared>>
      tpu.enqueue_dma source(%dma_start3A_239 : memref<40x128xf32, #tpu.memory_space<vmem_shared>>) target(%dma_start3A_237 : memref<40x128xf32, #tpu.memory_space<vmem>>) target_semaphore(%run_scoped3A_227 : memref<!tpu.dma_semaphore, #tpu.memory_space<semaphore_mem>>)
      %dma_wait3A_240 = arith.constant 0 : i32
      %dma_wait3A_241 = arith.constant 0 : i32
      %dma_wait3A_242 = tpu.memref_slice %arg11[%run_scoped3A, %dma_wait3A_240, %dma_wait3A_241] : memref<2x40x128xf32, #tpu.memory_space<vmem>> -> memref<1x40x128xf32, #tpu.memory_space<vmem>>
      %dma_wait3A_243 = tpu.memref_squeeze %dma_wait3A_242 : memref<1x40x128xf32, #tpu.memory_space<vmem>> -> memref<40x128xf32, #tpu.memory_space<vmem>>
      %dma_wait3A_244 = arith.constant 0 : i32
      %dma_wait3A_245 = tpu.memref_slice %arg12[%add3A_135, %dma_wait3A_244] : memref<10240x128xf32, #tpu.memory_space<vmem_shared>> -> memref<40x128xf32, #tpu.memory_space<vmem_shared>>
      %dma_wait3A_246 = arith.constant 0 : i32
      %dma_wait3A_247 = arith.constant 0 : i32
      %dma_wait3A_248 = tpu.memref_slice %arg11[%run_scoped3A, %dma_wait3A_246, %dma_wait3A_247] : memref<2x40x128xf32, #tpu.memory_space<vmem>> -> memref<1x40x128xf32, #tpu.memory_space<vmem>>
      %dma_wait3A_249 = tpu.memref_squeeze %dma_wait3A_248 : memref<1x40x128xf32, #tpu.memory_space<vmem>> -> memref<40x128xf32, #tpu.memory_space<vmem>>
      %dma_wait3A_250 = arith.constant 0 : i32
      %dma_wait3A_251 = tpu.memref_slice %arg12[%add3A_135, %dma_wait3A_250] : memref<10240x128xf32, #tpu.memory_space<vmem_shared>> -> memref<40x128xf32, #tpu.memory_space<vmem_shared>>
      tpu.wait_dma2 semaphore(%run_scoped3A_227 : memref<!tpu.dma_semaphore, #tpu.memory_space<semaphore_mem>>) src(%dma_wait3A_251 : memref<40x128xf32, #tpu.memory_space<vmem_shared>>) dst(%dma_wait3A_249 : memref<40x128xf32, #tpu.memory_space<vmem>>)
      tpu.yield
    }) : () -> ()
    %run_scoped3A_136 = arith.constant 0 : i32
    "tpu.region"() ({
      %run_scoped3A_227 = tpu.sem_alloc : memref<!tpu.dma_semaphore, #tpu.memory_space<semaphore_mem>>
      %dma_start3A_228 = arith.constant 0 : i32
      %dma_start3A_229 = arith.constant 0 : i32
      %dma_start3A_230 = tpu.memref_slice %arg11[%run_scoped3A_136, %dma_start3A_228, %dma_start3A_229] : memref<2x40x128xf32, #tpu.memory_space<vmem>> -> memref<1x40x128xf32, #tpu.memory_space<vmem>>
      %dma_start3A_231 = tpu.memref_squeeze %dma_start3A_230 : memref<1x40x128xf32, #tpu.memory_space<vmem>> -> memref<40x128xf32, #tpu.memory_space<vmem>>
      %dma_start3A_232 = arith.constant 0 : i32
      %dma_start3A_233 = tpu.memref_slice %arg7[%arg0, %add3A_135, %dma_start3A_232] : memref<2x10240x128xf32, #tpu.memory_space<hbm>> -> memref<1x40x128xf32, #tpu.memory_space<hbm>>
      %dma_start3A_234 = tpu.memref_squeeze %dma_start3A_233 : memref<1x40x128xf32, #tpu.memory_space<hbm>> -> memref<40x128xf32, #tpu.memory_space<hbm>>
      %dma_start3A_235 = arith.constant 0 : i32
      %dma_start3A_236 = tpu.memref_slice %arg7[%arg0, %add3A_135, %dma_start3A_235] : memref<2x10240x128xf32, #tpu.memory_space<hbm>> -> memref<1x40x128xf32, #tpu.memory_space<hbm>>
      %dma_start3A_237 = tpu.memref_squeeze %dma_start3A_236 : memref<1x40x128xf32, #tpu.memory_space<hbm>> -> memref<40x128xf32, #tpu.memory_space<hbm>>
      %dma_start3A_238 = arith.constant 0 : i32
      %dma_start3A_239 = arith.constant 0 : i32
      %dma_start3A_240 = tpu.memref_slice %arg11[%run_scoped3A_136, %dma_start3A_238, %dma_start3A_239] : memref<2x40x128xf32, #tpu.memory_space<vmem>> -> memref<1x40x128xf32, #tpu.memory_space<vmem>>
      %dma_start3A_241 = tpu.memref_squeeze %dma_start3A_240 : memref<1x40x128xf32, #tpu.memory_space<vmem>> -> memref<40x128xf32, #tpu.memory_space<vmem>>
      tpu.enqueue_dma source(%dma_start3A_241 : memref<40x128xf32, #tpu.memory_space<vmem>>) target(%dma_start3A_237 : memref<40x128xf32, #tpu.memory_space<hbm>>) target_semaphore(%run_scoped3A_227 : memref<!tpu.dma_semaphore, #tpu.memory_space<semaphore_mem>>)
      %dma_wait3A_242 = arith.constant 0 : i32
      %dma_wait3A_243 = arith.constant 0 : i32
      %dma_wait3A_244 = tpu.memref_slice %arg11[%run_scoped3A_136, %dma_wait3A_242, %dma_wait3A_243] : memref<2x40x128xf32, #tpu.memory_space<vmem>> -> memref<1x40x128xf32, #tpu.memory_space<vmem>>
      %dma_wait3A_245 = tpu.memref_squeeze %dma_wait3A_244 : memref<1x40x128xf32, #tpu.memory_space<vmem>> -> memref<40x128xf32, #tpu.memory_space<vmem>>
      %dma_wait3A_246 = arith.constant 0 : i32
      %dma_wait3A_247 = tpu.memref_slice %arg7[%arg0, %add3A_135, %dma_wait3A_246] : memref<2x10240x128xf32, #tpu.memory_space<hbm>> -> memref<1x40x128xf32, #tpu.memory_space<hbm>>
      %dma_wait3A_248 = tpu.memref_squeeze %dma_wait3A_247 : memref<1x40x128xf32, #tpu.memory_space<hbm>> -> memref<40x128xf32, #tpu.memory_space<hbm>>
      %dma_wait3A_249 = arith.constant 0 : i32
      %dma_wait3A_250 = tpu.memref_slice %arg7[%arg0, %add3A_135, %dma_wait3A_249] : memref<2x10240x128xf32, #tpu.memory_space<hbm>> -> memref<1x40x128xf32, #tpu.memory_space<hbm>>
      %dma_wait3A_251 = tpu.memref_squeeze %dma_wait3A_250 : memref<1x40x128xf32, #tpu.memory_space<hbm>> -> memref<40x128xf32, #tpu.memory_space<hbm>>
      %dma_wait3A_252 = arith.constant 0 : i32
      %dma_wait3A_253 = arith.constant 0 : i32
      %dma_wait3A_254 = tpu.memref_slice %arg11[%run_scoped3A_136, %dma_wait3A_252, %dma_wait3A_253] : memref<2x40x128xf32, #tpu.memory_space<vmem>> -> memref<1x40x128xf32, #tpu.memory_space<vmem>>
      %dma_wait3A_255 = tpu.memref_squeeze %dma_wait3A_254 : memref<1x40x128xf32, #tpu.memory_space<vmem>> -> memref<40x128xf32, #tpu.memory_space<vmem>>
      tpu.wait_dma2 semaphore(%run_scoped3A_227 : memref<!tpu.dma_semaphore, #tpu.memory_space<semaphore_mem>>) src(%dma_wait3A_255 : memref<40x128xf32, #tpu.memory_space<vmem>>) dst(%dma_wait3A_251 : memref<40x128xf32, #tpu.memory_space<hbm>>)
      tpu.yield
    }) : () -> ()
    %mul3A_137 = arith.constant 640 : i32
    %mul3A_138 = arith.muli %arg1, %mul3A_137 : i32
    %add3A_139 = arith.constant 40 : i32
    %add3A_140 = arith.addi %mul3A_138, %add3A_139 : i32
    %run_scoped3A_141 = arith.constant 0 : i32
    "tpu.region"() ({
      %run_scoped3A_227 = tpu.sem_alloc : memref<!tpu.dma_semaphore, #tpu.memory_space<semaphore_mem>>
      %dma_start3A_228 = arith.constant 0 : i32
      %dma_start3A_229 = arith.constant 0 : i32
      %dma_start3A_230 = tpu.memref_slice %arg11[%run_scoped3A_141, %dma_start3A_228, %dma_start3A_229] : memref<2x40x128xf32, #tpu.memory_space<vmem>> -> memref<1x40x128xf32, #tpu.memory_space<vmem>>
      %dma_start3A_231 = tpu.memref_squeeze %dma_start3A_230 : memref<1x40x128xf32, #tpu.memory_space<vmem>> -> memref<40x128xf32, #tpu.memory_space<vmem>>
      %dma_start3A_232 = arith.constant 0 : i32
      %dma_start3A_233 = tpu.memref_slice %arg12[%add3A_140, %dma_start3A_232] : memref<10240x128xf32, #tpu.memory_space<vmem_shared>> -> memref<40x128xf32, #tpu.memory_space<vmem_shared>>
      %dma_start3A_234 = arith.constant 0 : i32
      %dma_start3A_235 = arith.constant 0 : i32
      %dma_start3A_236 = tpu.memref_slice %arg11[%run_scoped3A_141, %dma_start3A_234, %dma_start3A_235] : memref<2x40x128xf32, #tpu.memory_space<vmem>> -> memref<1x40x128xf32, #tpu.memory_space<vmem>>
      %dma_start3A_237 = tpu.memref_squeeze %dma_start3A_236 : memref<1x40x128xf32, #tpu.memory_space<vmem>> -> memref<40x128xf32, #tpu.memory_space<vmem>>
      %dma_start3A_238 = arith.constant 0 : i32
      %dma_start3A_239 = tpu.memref_slice %arg12[%add3A_140, %dma_start3A_238] : memref<10240x128xf32, #tpu.memory_space<vmem_shared>> -> memref<40x128xf32, #tpu.memory_space<vmem_shared>>
      tpu.enqueue_dma source(%dma_start3A_239 : memref<40x128xf32, #tpu.memory_space<vmem_shared>>) target(%dma_start3A_237 : memref<40x128xf32, #tpu.memory_space<vmem>>) target_semaphore(%run_scoped3A_227 : memref<!tpu.dma_semaphore, #tpu.memory_space<semaphore_mem>>)
      %dma_wait3A_240 = arith.constant 0 : i32
      %dma_wait3A_241 = arith.constant 0 : i32
      %dma_wait3A_242 = tpu.memref_slice %arg11[%run_scoped3A_141, %dma_wait3A_240, %dma_wait3A_241] : memref<2x40x128xf32, #tpu.memory_space<vmem>> -> memref<1x40x128xf32, #tpu.memory_space<vmem>>
      %dma_wait3A_243 = tpu.memref_squeeze %dma_wait3A_242 : memref<1x40x128xf32, #tpu.memory_space<vmem>> -> memref<40x128xf32, #tpu.memory_space<vmem>>
      %dma_wait3A_244 = arith.constant 0 : i32
      %dma_wait3A_245 = tpu.memref_slice %arg12[%add3A_140, %dma_wait3A_244] : memref<10240x128xf32, #tpu.memory_space<vmem_shared>> -> memref<40x128xf32, #tpu.memory_space<vmem_shared>>
      %dma_wait3A_246 = arith.constant 0 : i32
      %dma_wait3A_247 = arith.constant 0 : i32
      %dma_wait3A_248 = tpu.memref_slice %arg11[%run_scoped3A_141, %dma_wait3A_246, %dma_wait3A_247] : memref<2x40x128xf32, #tpu.memory_space<vmem>> -> memref<1x40x128xf32, #tpu.memory_space<vmem>>
      %dma_wait3A_249 = tpu.memref_squeeze %dma_wait3A_248 : memref<1x40x128xf32, #tpu.memory_space<vmem>> -> memref<40x128xf32, #tpu.memory_space<vmem>>
      %dma_wait3A_250 = arith.constant 0 : i32
      %dma_wait3A_251 = tpu.memref_slice %arg12[%add3A_140, %dma_wait3A_250] : memref<10240x128xf32, #tpu.memory_space<vmem_shared>> -> memref<40x128xf32, #tpu.memory_space<vmem_shared>>
      tpu.wait_dma2 semaphore(%run_scoped3A_227 : memref<!tpu.dma_semaphore, #tpu.memory_space<semaphore_mem>>) src(%dma_wait3A_251 : memref<40x128xf32, #tpu.memory_space<vmem_shared>>) dst(%dma_wait3A_249 : memref<40x128xf32, #tpu.memory_space<vmem>>)
      tpu.yield
    }) : () -> ()
    %run_scoped3A_142 = arith.constant 0 : i32
    "tpu.region"() ({
      %run_scoped3A_227 = tpu.sem_alloc : memref<!tpu.dma_semaphore, #tpu.memory_space<semaphore_mem>>
      %dma_start3A_228 = arith.constant 0 : i32
      %dma_start3A_229 = arith.constant 0 : i32
      %dma_start3A_230 = tpu.memref_slice %arg11[%run_scoped3A_142, %dma_start3A_228, %dma_start3A_229] : memref<2x40x128xf32, #tpu.memory_space<vmem>> -> memref<1x40x128xf32, #tpu.memory_space<vmem>>
      %dma_start3A_231 = tpu.memref_squeeze %dma_start3A_230 : memref<1x40x128xf32, #tpu.memory_space<vmem>> -> memref<40x128xf32, #tpu.memory_space<vmem>>
      %dma_start3A_232 = arith.constant 0 : i32
      %dma_start3A_233 = tpu.memref_slice %arg7[%arg0, %add3A_140, %dma_start3A_232] : memref<2x10240x128xf32, #tpu.memory_space<hbm>> -> memref<1x40x128xf32, #tpu.memory_space<hbm>>
      %dma_start3A_234 = tpu.memref_squeeze %dma_start3A_233 : memref<1x40x128xf32, #tpu.memory_space<hbm>> -> memref<40x128xf32, #tpu.memory_space<hbm>>
      %dma_start3A_235 = arith.constant 0 : i32
      %dma_start3A_236 = tpu.memref_slice %arg7[%arg0, %add3A_140, %dma_start3A_235] : memref<2x10240x128xf32, #tpu.memory_space<hbm>> -> memref<1x40x128xf32, #tpu.memory_space<hbm>>
      %dma_start3A_237 = tpu.memref_squeeze %dma_start3A_236 : memref<1x40x128xf32, #tpu.memory_space<hbm>> -> memref<40x128xf32, #tpu.memory_space<hbm>>
      %dma_start3A_238 = arith.constant 0 : i32
      %dma_start3A_239 = arith.constant 0 : i32
      %dma_start3A_240 = tpu.memref_slice %arg11[%run_scoped3A_142, %dma_start3A_238, %dma_start3A_239] : memref<2x40x128xf32, #tpu.memory_space<vmem>> -> memref<1x40x128xf32, #tpu.memory_space<vmem>>
      %dma_start3A_241 = tpu.memref_squeeze %dma_start3A_240 : memref<1x40x128xf32, #tpu.memory_space<vmem>> -> memref<40x128xf32, #tpu.memory_space<vmem>>
      tpu.enqueue_dma source(%dma_start3A_241 : memref<40x128xf32, #tpu.memory_space<vmem>>) target(%dma_start3A_237 : memref<40x128xf32, #tpu.memory_space<hbm>>) target_semaphore(%run_scoped3A_227 : memref<!tpu.dma_semaphore, #tpu.memory_space<semaphore_mem>>)
      %dma_wait3A_242 = arith.constant 0 : i32
      %dma_wait3A_243 = arith.constant 0 : i32
      %dma_wait3A_244 = tpu.memref_slice %arg11[%run_scoped3A_142, %dma_wait3A_242, %dma_wait3A_243] : memref<2x40x128xf32, #tpu.memory_space<vmem>> -> memref<1x40x128xf32, #tpu.memory_space<vmem>>
      %dma_wait3A_245 = tpu.memref_squeeze %dma_wait3A_244 : memref<1x40x128xf32, #tpu.memory_space<vmem>> -> memref<40x128xf32, #tpu.memory_space<vmem>>
      %dma_wait3A_246 = arith.constant 0 : i32
      %dma_wait3A_247 = tpu.memref_slice %arg7[%arg0, %add3A_140, %dma_wait3A_246] : memref<2x10240x128xf32, #tpu.memory_space<hbm>> -> memref<1x40x128xf32, #tpu.memory_space<hbm>>
      %dma_wait3A_248 = tpu.memref_squeeze %dma_wait3A_247 : memref<1x40x128xf32, #tpu.memory_space<hbm>> -> memref<40x128xf32, #tpu.memory_space<hbm>>
      %dma_wait3A_249 = arith.constant 0 : i32
      %dma_wait3A_250 = tpu.memref_slice %arg7[%arg0, %add3A_140, %dma_wait3A_249] : memref<2x10240x128xf32, #tpu.memory_space<hbm>> -> memref<1x40x128xf32, #tpu.memory_space<hbm>>
      %dma_wait3A_251 = tpu.memref_squeeze %dma_wait3A_250 : memref<1x40x128xf32, #tpu.memory_space<hbm>> -> memref<40x128xf32, #tpu.memory_space<hbm>>
      %dma_wait3A_252 = arith.constant 0 : i32
      %dma_wait3A_253 = arith.constant 0 : i32
      %dma_wait3A_254 = tpu.memref_slice %arg11[%run_scoped3A_142, %dma_wait3A_252, %dma_wait3A_253] : memref<2x40x128xf32, #tpu.memory_space<vmem>> -> memref<1x40x128xf32, #tpu.memory_space<vmem>>
      %dma_wait3A_255 = tpu.memref_squeeze %dma_wait3A_254 : memref<1x40x128xf32, #tpu.memory_space<vmem>> -> memref<40x128xf32, #tpu.memory_space<vmem>>
      tpu.wait_dma2 semaphore(%run_scoped3A_227 : memref<!tpu.dma_semaphore, #tpu.memory_space<semaphore_mem>>) src(%dma_wait3A_255 : memref<40x128xf32, #tpu.memory_space<vmem>>) dst(%dma_wait3A_251 : memref<40x128xf32, #tpu.memory_space<hbm>>)
      tpu.yield
    }) : () -> ()
    %mul3A_143 = arith.constant 640 : i32
    %mul3A_144 = arith.muli %arg1, %mul3A_143 : i32
    %add3A_145 = arith.constant 80 : i32
    %add3A_146 = arith.addi %mul3A_144, %add3A_145 : i32
    %run_scoped3A_147 = arith.constant 0 : i32
    "tpu.region"() ({
      %run_scoped3A_227 = tpu.sem_alloc : memref<!tpu.dma_semaphore, #tpu.memory_space<semaphore_mem>>
      %dma_start3A_228 = arith.constant 0 : i32
      %dma_start3A_229 = arith.constant 0 : i32
      %dma_start3A_230 = tpu.memref_slice %arg11[%run_scoped3A_147, %dma_start3A_228, %dma_start3A_229] : memref<2x40x128xf32, #tpu.memory_space<vmem>> -> memref<1x40x128xf32, #tpu.memory_space<vmem>>
      %dma_start3A_231 = tpu.memref_squeeze %dma_start3A_230 : memref<1x40x128xf32, #tpu.memory_space<vmem>> -> memref<40x128xf32, #tpu.memory_space<vmem>>
      %dma_start3A_232 = arith.constant 0 : i32
      %dma_start3A_233 = tpu.memref_slice %arg12[%add3A_146, %dma_start3A_232] : memref<10240x128xf32, #tpu.memory_space<vmem_shared>> -> memref<40x128xf32, #tpu.memory_space<vmem_shared>>
      %dma_start3A_234 = arith.constant 0 : i32
      %dma_start3A_235 = arith.constant 0 : i32
      %dma_start3A_236 = tpu.memref_slice %arg11[%run_scoped3A_147, %dma_start3A_234, %dma_start3A_235] : memref<2x40x128xf32, #tpu.memory_space<vmem>> -> memref<1x40x128xf32, #tpu.memory_space<vmem>>
      %dma_start3A_237 = tpu.memref_squeeze %dma_start3A_236 : memref<1x40x128xf32, #tpu.memory_space<vmem>> -> memref<40x128xf32, #tpu.memory_space<vmem>>
      %dma_start3A_238 = arith.constant 0 : i32
      %dma_start3A_239 = tpu.memref_slice %arg12[%add3A_146, %dma_start3A_238] : memref<10240x128xf32, #tpu.memory_space<vmem_shared>> -> memref<40x128xf32, #tpu.memory_space<vmem_shared>>
      tpu.enqueue_dma source(%dma_start3A_239 : memref<40x128xf32, #tpu.memory_space<vmem_shared>>) target(%dma_start3A_237 : memref<40x128xf32, #tpu.memory_space<vmem>>) target_semaphore(%run_scoped3A_227 : memref<!tpu.dma_semaphore, #tpu.memory_space<semaphore_mem>>)
      %dma_wait3A_240 = arith.constant 0 : i32
      %dma_wait3A_241 = arith.constant 0 : i32
      %dma_wait3A_242 = tpu.memref_slice %arg11[%run_scoped3A_147, %dma_wait3A_240, %dma_wait3A_241] : memref<2x40x128xf32, #tpu.memory_space<vmem>> -> memref<1x40x128xf32, #tpu.memory_space<vmem>>
      %dma_wait3A_243 = tpu.memref_squeeze %dma_wait3A_242 : memref<1x40x128xf32, #tpu.memory_space<vmem>> -> memref<40x128xf32, #tpu.memory_space<vmem>>
      %dma_wait3A_244 = arith.constant 0 : i32
      %dma_wait3A_245 = tpu.memref_slice %arg12[%add3A_146, %dma_wait3A_244] : memref<10240x128xf32, #tpu.memory_space<vmem_shared>> -> memref<40x128xf32, #tpu.memory_space<vmem_shared>>
      %dma_wait3A_246 = arith.constant 0 : i32
      %dma_wait3A_247 = arith.constant 0 : i32
      %dma_wait3A_248 = tpu.memref_slice %arg11[%run_scoped3A_147, %dma_wait3A_246, %dma_wait3A_247] : memref<2x40x128xf32, #tpu.memory_space<vmem>> -> memref<1x40x128xf32, #tpu.memory_space<vmem>>
      %dma_wait3A_249 = tpu.memref_squeeze %dma_wait3A_248 : memref<1x40x128xf32, #tpu.memory_space<vmem>> -> memref<40x128xf32, #tpu.memory_space<vmem>>
      %dma_wait3A_250 = arith.constant 0 : i32
      %dma_wait3A_251 = tpu.memref_slice %arg12[%add3A_146, %dma_wait3A_250] : memref<10240x128xf32, #tpu.memory_space<vmem_shared>> -> memref<40x128xf32, #tpu.memory_space<vmem_shared>>
      tpu.wait_dma2 semaphore(%run_scoped3A_227 : memref<!tpu.dma_semaphore, #tpu.memory_space<semaphore_mem>>) src(%dma_wait3A_251 : memref<40x128xf32, #tpu.memory_space<vmem_shared>>) dst(%dma_wait3A_249 : memref<40x128xf32, #tpu.memory_space<vmem>>)
      tpu.yield
    }) : () -> ()
    %run_scoped3A_148 = arith.constant 0 : i32
    "tpu.region"() ({
      %run_scoped3A_227 = tpu.sem_alloc : memref<!tpu.dma_semaphore, #tpu.memory_space<semaphore_mem>>
      %dma_start3A_228 = arith.constant 0 : i32
      %dma_start3A_229 = arith.constant 0 : i32
      %dma_start3A_230 = tpu.memref_slice %arg11[%run_scoped3A_148, %dma_start3A_228, %dma_start3A_229] : memref<2x40x128xf32, #tpu.memory_space<vmem>> -> memref<1x40x128xf32, #tpu.memory_space<vmem>>
      %dma_start3A_231 = tpu.memref_squeeze %dma_start3A_230 : memref<1x40x128xf32, #tpu.memory_space<vmem>> -> memref<40x128xf32, #tpu.memory_space<vmem>>
      %dma_start3A_232 = arith.constant 0 : i32
      %dma_start3A_233 = tpu.memref_slice %arg7[%arg0, %add3A_146, %dma_start3A_232] : memref<2x10240x128xf32, #tpu.memory_space<hbm>> -> memref<1x40x128xf32, #tpu.memory_space<hbm>>
      %dma_start3A_234 = tpu.memref_squeeze %dma_start3A_233 : memref<1x40x128xf32, #tpu.memory_space<hbm>> -> memref<40x128xf32, #tpu.memory_space<hbm>>
      %dma_start3A_235 = arith.constant 0 : i32
      %dma_start3A_236 = tpu.memref_slice %arg7[%arg0, %add3A_146, %dma_start3A_235] : memref<2x10240x128xf32, #tpu.memory_space<hbm>> -> memref<1x40x128xf32, #tpu.memory_space<hbm>>
      %dma_start3A_237 = tpu.memref_squeeze %dma_start3A_236 : memref<1x40x128xf32, #tpu.memory_space<hbm>> -> memref<40x128xf32, #tpu.memory_space<hbm>>
      %dma_start3A_238 = arith.constant 0 : i32
      %dma_start3A_239 = arith.constant 0 : i32
      %dma_start3A_240 = tpu.memref_slice %arg11[%run_scoped3A_148, %dma_start3A_238, %dma_start3A_239] : memref<2x40x128xf32, #tpu.memory_space<vmem>> -> memref<1x40x128xf32, #tpu.memory_space<vmem>>
      %dma_start3A_241 = tpu.memref_squeeze %dma_start3A_240 : memref<1x40x128xf32, #tpu.memory_space<vmem>> -> memref<40x128xf32, #tpu.memory_space<vmem>>
      tpu.enqueue_dma source(%dma_start3A_241 : memref<40x128xf32, #tpu.memory_space<vmem>>) target(%dma_start3A_237 : memref<40x128xf32, #tpu.memory_space<hbm>>) target_semaphore(%run_scoped3A_227 : memref<!tpu.dma_semaphore, #tpu.memory_space<semaphore_mem>>)
      %dma_wait3A_242 = arith.constant 0 : i32
      %dma_wait3A_243 = arith.constant 0 : i32
      %dma_wait3A_244 = tpu.memref_slice %arg11[%run_scoped3A_148, %dma_wait3A_242, %dma_wait3A_243] : memref<2x40x128xf32, #tpu.memory_space<vmem>> -> memref<1x40x128xf32, #tpu.memory_space<vmem>>
      %dma_wait3A_245 = tpu.memref_squeeze %dma_wait3A_244 : memref<1x40x128xf32, #tpu.memory_space<vmem>> -> memref<40x128xf32, #tpu.memory_space<vmem>>
      %dma_wait3A_246 = arith.constant 0 : i32
      %dma_wait3A_247 = tpu.memref_slice %arg7[%arg0, %add3A_146, %dma_wait3A_246] : memref<2x10240x128xf32, #tpu.memory_space<hbm>> -> memref<1x40x128xf32, #tpu.memory_space<hbm>>
      %dma_wait3A_248 = tpu.memref_squeeze %dma_wait3A_247 : memref<1x40x128xf32, #tpu.memory_space<hbm>> -> memref<40x128xf32, #tpu.memory_space<hbm>>
      %dma_wait3A_249 = arith.constant 0 : i32
      %dma_wait3A_250 = tpu.memref_slice %arg7[%arg0, %add3A_146, %dma_wait3A_249] : memref<2x10240x128xf32, #tpu.memory_space<hbm>> -> memref<1x40x128xf32, #tpu.memory_space<hbm>>
      %dma_wait3A_251 = tpu.memref_squeeze %dma_wait3A_250 : memref<1x40x128xf32, #tpu.memory_space<hbm>> -> memref<40x128xf32, #tpu.memory_space<hbm>>
      %dma_wait3A_252 = arith.constant 0 : i32
      %dma_wait3A_253 = arith.constant 0 : i32
      %dma_wait3A_254 = tpu.memref_slice %arg11[%run_scoped3A_148, %dma_wait3A_252, %dma_wait3A_253] : memref<2x40x128xf32, #tpu.memory_space<vmem>> -> memref<1x40x128xf32, #tpu.memory_space<vmem>>
      %dma_wait3A_255 = tpu.memref_squeeze %dma_wait3A_254 : memref<1x40x128xf32, #tpu.memory_space<vmem>> -> memref<40x128xf32, #tpu.memory_space<vmem>>
      tpu.wait_dma2 semaphore(%run_scoped3A_227 : memref<!tpu.dma_semaphore, #tpu.memory_space<semaphore_mem>>) src(%dma_wait3A_255 : memref<40x128xf32, #tpu.memory_space<vmem>>) dst(%dma_wait3A_251 : memref<40x128xf32, #tpu.memory_space<hbm>>)
      tpu.yield
    }) : () -> ()
    %mul3A_149 = arith.constant 640 : i32
    %mul3A_150 = arith.muli %arg1, %mul3A_149 : i32
    %add3A_151 = arith.constant 120 : i32
    %add3A_152 = arith.addi %mul3A_150, %add3A_151 : i32
    %run_scoped3A_153 = arith.constant 0 : i32
    "tpu.region"() ({
      %run_scoped3A_227 = tpu.sem_alloc : memref<!tpu.dma_semaphore, #tpu.memory_space<semaphore_mem>>
      %dma_start3A_228 = arith.constant 0 : i32
      %dma_start3A_229 = arith.constant 0 : i32
      %dma_start3A_230 = tpu.memref_slice %arg11[%run_scoped3A_153, %dma_start3A_228, %dma_start3A_229] : memref<2x40x128xf32, #tpu.memory_space<vmem>> -> memref<1x40x128xf32, #tpu.memory_space<vmem>>
      %dma_start3A_231 = tpu.memref_squeeze %dma_start3A_230 : memref<1x40x128xf32, #tpu.memory_space<vmem>> -> memref<40x128xf32, #tpu.memory_space<vmem>>
      %dma_start3A_232 = arith.constant 0 : i32
      %dma_start3A_233 = tpu.memref_slice %arg12[%add3A_152, %dma_start3A_232] : memref<10240x128xf32, #tpu.memory_space<vmem_shared>> -> memref<40x128xf32, #tpu.memory_space<vmem_shared>>
      %dma_start3A_234 = arith.constant 0 : i32
      %dma_start3A_235 = arith.constant 0 : i32
      %dma_start3A_236 = tpu.memref_slice %arg11[%run_scoped3A_153, %dma_start3A_234, %dma_start3A_235] : memref<2x40x128xf32, #tpu.memory_space<vmem>> -> memref<1x40x128xf32, #tpu.memory_space<vmem>>
      %dma_start3A_237 = tpu.memref_squeeze %dma_start3A_236 : memref<1x40x128xf32, #tpu.memory_space<vmem>> -> memref<40x128xf32, #tpu.memory_space<vmem>>
      %dma_start3A_238 = arith.constant 0 : i32
      %dma_start3A_239 = tpu.memref_slice %arg12[%add3A_152, %dma_start3A_238] : memref<10240x128xf32, #tpu.memory_space<vmem_shared>> -> memref<40x128xf32, #tpu.memory_space<vmem_shared>>
      tpu.enqueue_dma source(%dma_start3A_239 : memref<40x128xf32, #tpu.memory_space<vmem_shared>>) target(%dma_start3A_237 : memref<40x128xf32, #tpu.memory_space<vmem>>) target_semaphore(%run_scoped3A_227 : memref<!tpu.dma_semaphore, #tpu.memory_space<semaphore_mem>>)
      %dma_wait3A_240 = arith.constant 0 : i32
      %dma_wait3A_241 = arith.constant 0 : i32
      %dma_wait3A_242 = tpu.memref_slice %arg11[%run_scoped3A_153, %dma_wait3A_240, %dma_wait3A_241] : memref<2x40x128xf32, #tpu.memory_space<vmem>> -> memref<1x40x128xf32, #tpu.memory_space<vmem>>
      %dma_wait3A_243 = tpu.memref_squeeze %dma_wait3A_242 : memref<1x40x128xf32, #tpu.memory_space<vmem>> -> memref<40x128xf32, #tpu.memory_space<vmem>>
      %dma_wait3A_244 = arith.constant 0 : i32
      %dma_wait3A_245 = tpu.memref_slice %arg12[%add3A_152, %dma_wait3A_244] : memref<10240x128xf32, #tpu.memory_space<vmem_shared>> -> memref<40x128xf32, #tpu.memory_space<vmem_shared>>
      %dma_wait3A_246 = arith.constant 0 : i32
      %dma_wait3A_247 = arith.constant 0 : i32
      %dma_wait3A_248 = tpu.memref_slice %arg11[%run_scoped3A_153, %dma_wait3A_246, %dma_wait3A_247] : memref<2x40x128xf32, #tpu.memory_space<vmem>> -> memref<1x40x128xf32, #tpu.memory_space<vmem>>
      %dma_wait3A_249 = tpu.memref_squeeze %dma_wait3A_248 : memref<1x40x128xf32, #tpu.memory_space<vmem>> -> memref<40x128xf32, #tpu.memory_space<vmem>>
      %dma_wait3A_250 = arith.constant 0 : i32
      %dma_wait3A_251 = tpu.memref_slice %arg12[%add3A_152, %dma_wait3A_250] : memref<10240x128xf32, #tpu.memory_space<vmem_shared>> -> memref<40x128xf32, #tpu.memory_space<vmem_shared>>
      tpu.wait_dma2 semaphore(%run_scoped3A_227 : memref<!tpu.dma_semaphore, #tpu.memory_space<semaphore_mem>>) src(%dma_wait3A_251 : memref<40x128xf32, #tpu.memory_space<vmem_shared>>) dst(%dma_wait3A_249 : memref<40x128xf32, #tpu.memory_space<vmem>>)
      tpu.yield
    }) : () -> ()
    %run_scoped3A_154 = arith.constant 0 : i32
    "tpu.region"() ({
      %run_scoped3A_227 = tpu.sem_alloc : memref<!tpu.dma_semaphore, #tpu.memory_space<semaphore_mem>>
      %dma_start3A_228 = arith.constant 0 : i32
      %dma_start3A_229 = arith.constant 0 : i32
      %dma_start3A_230 = tpu.memref_slice %arg11[%run_scoped3A_154, %dma_start3A_228, %dma_start3A_229] : memref<2x40x128xf32, #tpu.memory_space<vmem>> -> memref<1x40x128xf32, #tpu.memory_space<vmem>>
      %dma_start3A_231 = tpu.memref_squeeze %dma_start3A_230 : memref<1x40x128xf32, #tpu.memory_space<vmem>> -> memref<40x128xf32, #tpu.memory_space<vmem>>
      %dma_start3A_232 = arith.constant 0 : i32
      %dma_start3A_233 = tpu.memref_slice %arg7[%arg0, %add3A_152, %dma_start3A_232] : memref<2x10240x128xf32, #tpu.memory_space<hbm>> -> memref<1x40x128xf32, #tpu.memory_space<hbm>>
      %dma_start3A_234 = tpu.memref_squeeze %dma_start3A_233 : memref<1x40x128xf32, #tpu.memory_space<hbm>> -> memref<40x128xf32, #tpu.memory_space<hbm>>
      %dma_start3A_235 = arith.constant 0 : i32
      %dma_start3A_236 = tpu.memref_slice %arg7[%arg0, %add3A_152, %dma_start3A_235] : memref<2x10240x128xf32, #tpu.memory_space<hbm>> -> memref<1x40x128xf32, #tpu.memory_space<hbm>>
      %dma_start3A_237 = tpu.memref_squeeze %dma_start3A_236 : memref<1x40x128xf32, #tpu.memory_space<hbm>> -> memref<40x128xf32, #tpu.memory_space<hbm>>
      %dma_start3A_238 = arith.constant 0 : i32
      %dma_start3A_239 = arith.constant 0 : i32
      %dma_start3A_240 = tpu.memref_slice %arg11[%run_scoped3A_154, %dma_start3A_238, %dma_start3A_239] : memref<2x40x128xf32, #tpu.memory_space<vmem>> -> memref<1x40x128xf32, #tpu.memory_space<vmem>>
      %dma_start3A_241 = tpu.memref_squeeze %dma_start3A_240 : memref<1x40x128xf32, #tpu.memory_space<vmem>> -> memref<40x128xf32, #tpu.memory_space<vmem>>
      tpu.enqueue_dma source(%dma_start3A_241 : memref<40x128xf32, #tpu.memory_space<vmem>>) target(%dma_start3A_237 : memref<40x128xf32, #tpu.memory_space<hbm>>) target_semaphore(%run_scoped3A_227 : memref<!tpu.dma_semaphore, #tpu.memory_space<semaphore_mem>>)
      %dma_wait3A_242 = arith.constant 0 : i32
      %dma_wait3A_243 = arith.constant 0 : i32
      %dma_wait3A_244 = tpu.memref_slice %arg11[%run_scoped3A_154, %dma_wait3A_242, %dma_wait3A_243] : memref<2x40x128xf32, #tpu.memory_space<vmem>> -> memref<1x40x128xf32, #tpu.memory_space<vmem>>
      %dma_wait3A_245 = tpu.memref_squeeze %dma_wait3A_244 : memref<1x40x128xf32, #tpu.memory_space<vmem>> -> memref<40x128xf32, #tpu.memory_space<vmem>>
      %dma_wait3A_246 = arith.constant 0 : i32
      %dma_wait3A_247 = tpu.memref_slice %arg7[%arg0, %add3A_152, %dma_wait3A_246] : memref<2x10240x128xf32, #tpu.memory_space<hbm>> -> memref<1x40x128xf32, #tpu.memory_space<hbm>>
      %dma_wait3A_248 = tpu.memref_squeeze %dma_wait3A_247 : memref<1x40x128xf32, #tpu.memory_space<hbm>> -> memref<40x128xf32, #tpu.memory_space<hbm>>
      %dma_wait3A_249 = arith.constant 0 : i32
      %dma_wait3A_250 = tpu.memref_slice %arg7[%arg0, %add3A_152, %dma_wait3A_249] : memref<2x10240x128xf32, #tpu.memory_space<hbm>> -> memref<1x40x128xf32, #tpu.memory_space<hbm>>
      %dma_wait3A_251 = tpu.memref_squeeze %dma_wait3A_250 : memref<1x40x128xf32, #tpu.memory_space<hbm>> -> memref<40x128xf32, #tpu.memory_space<hbm>>
      %dma_wait3A_252 = arith.constant 0 : i32
      %dma_wait3A_253 = arith.constant 0 : i32
      %dma_wait3A_254 = tpu.memref_slice %arg11[%run_scoped3A_154, %dma_wait3A_252, %dma_wait3A_253] : memref<2x40x128xf32, #tpu.memory_space<vmem>> -> memref<1x40x128xf32, #tpu.memory_space<vmem>>
      %dma_wait3A_255 = tpu.memref_squeeze %dma_wait3A_254 : memref<1x40x128xf32, #tpu.memory_space<vmem>> -> memref<40x128xf32, #tpu.memory_space<vmem>>
      tpu.wait_dma2 semaphore(%run_scoped3A_227 : memref<!tpu.dma_semaphore, #tpu.memory_space<semaphore_mem>>) src(%dma_wait3A_255 : memref<40x128xf32, #tpu.memory_space<vmem>>) dst(%dma_wait3A_251 : memref<40x128xf32, #tpu.memory_space<hbm>>)
      tpu.yield
    }) : () -> ()
    %mul3A_155 = arith.constant 640 : i32
    %mul3A_156 = arith.muli %arg1, %mul3A_155 : i32
    %add3A_157 = arith.constant 160 : i32
    %add3A_158 = arith.addi %mul3A_156, %add3A_157 : i32
    %run_scoped3A_159 = arith.constant 0 : i32
    "tpu.region"() ({
      %run_scoped3A_227 = tpu.sem_alloc : memref<!tpu.dma_semaphore, #tpu.memory_space<semaphore_mem>>
      %dma_start3A_228 = arith.constant 0 : i32
      %dma_start3A_229 = arith.constant 0 : i32
      %dma_start3A_230 = tpu.memref_slice %arg11[%run_scoped3A_159, %dma_start3A_228, %dma_start3A_229] : memref<2x40x128xf32, #tpu.memory_space<vmem>> -> memref<1x40x128xf32, #tpu.memory_space<vmem>>
      %dma_start3A_231 = tpu.memref_squeeze %dma_start3A_230 : memref<1x40x128xf32, #tpu.memory_space<vmem>> -> memref<40x128xf32, #tpu.memory_space<vmem>>
      %dma_start3A_232 = arith.constant 0 : i32
      %dma_start3A_233 = tpu.memref_slice %arg12[%add3A_158, %dma_start3A_232] : memref<10240x128xf32, #tpu.memory_space<vmem_shared>> -> memref<40x128xf32, #tpu.memory_space<vmem_shared>>
      %dma_start3A_234 = arith.constant 0 : i32
      %dma_start3A_235 = arith.constant 0 : i32
      %dma_start3A_236 = tpu.memref_slice %arg11[%run_scoped3A_159, %dma_start3A_234, %dma_start3A_235] : memref<2x40x128xf32, #tpu.memory_space<vmem>> -> memref<1x40x128xf32, #tpu.memory_space<vmem>>
      %dma_start3A_237 = tpu.memref_squeeze %dma_start3A_236 : memref<1x40x128xf32, #tpu.memory_space<vmem>> -> memref<40x128xf32, #tpu.memory_space<vmem>>
      %dma_start3A_238 = arith.constant 0 : i32
      %dma_start3A_239 = tpu.memref_slice %arg12[%add3A_158, %dma_start3A_238] : memref<10240x128xf32, #tpu.memory_space<vmem_shared>> -> memref<40x128xf32, #tpu.memory_space<vmem_shared>>
      tpu.enqueue_dma source(%dma_start3A_239 : memref<40x128xf32, #tpu.memory_space<vmem_shared>>) target(%dma_start3A_237 : memref<40x128xf32, #tpu.memory_space<vmem>>) target_semaphore(%run_scoped3A_227 : memref<!tpu.dma_semaphore, #tpu.memory_space<semaphore_mem>>)
      %dma_wait3A_240 = arith.constant 0 : i32
      %dma_wait3A_241 = arith.constant 0 : i32
      %dma_wait3A_242 = tpu.memref_slice %arg11[%run_scoped3A_159, %dma_wait3A_240, %dma_wait3A_241] : memref<2x40x128xf32, #tpu.memory_space<vmem>> -> memref<1x40x128xf32, #tpu.memory_space<vmem>>
      %dma_wait3A_243 = tpu.memref_squeeze %dma_wait3A_242 : memref<1x40x128xf32, #tpu.memory_space<vmem>> -> memref<40x128xf32, #tpu.memory_space<vmem>>
      %dma_wait3A_244 = arith.constant 0 : i32
      %dma_wait3A_245 = tpu.memref_slice %arg12[%add3A_158, %dma_wait3A_244] : memref<10240x128xf32, #tpu.memory_space<vmem_shared>> -> memref<40x128xf32, #tpu.memory_space<vmem_shared>>
      %dma_wait3A_246 = arith.constant 0 : i32
      %dma_wait3A_247 = arith.constant 0 : i32
      %dma_wait3A_248 = tpu.memref_slice %arg11[%run_scoped3A_159, %dma_wait3A_246, %dma_wait3A_247] : memref<2x40x128xf32, #tpu.memory_space<vmem>> -> memref<1x40x128xf32, #tpu.memory_space<vmem>>
      %dma_wait3A_249 = tpu.memref_squeeze %dma_wait3A_248 : memref<1x40x128xf32, #tpu.memory_space<vmem>> -> memref<40x128xf32, #tpu.memory_space<vmem>>
      %dma_wait3A_250 = arith.constant 0 : i32
      %dma_wait3A_251 = tpu.memref_slice %arg12[%add3A_158, %dma_wait3A_250] : memref<10240x128xf32, #tpu.memory_space<vmem_shared>> -> memref<40x128xf32, #tpu.memory_space<vmem_shared>>
      tpu.wait_dma2 semaphore(%run_scoped3A_227 : memref<!tpu.dma_semaphore, #tpu.memory_space<semaphore_mem>>) src(%dma_wait3A_251 : memref<40x128xf32, #tpu.memory_space<vmem_shared>>) dst(%dma_wait3A_249 : memref<40x128xf32, #tpu.memory_space<vmem>>)
      tpu.yield
    }) : () -> ()
    %run_scoped3A_160 = arith.constant 0 : i32
    "tpu.region"() ({
      %run_scoped3A_227 = tpu.sem_alloc : memref<!tpu.dma_semaphore, #tpu.memory_space<semaphore_mem>>
      %dma_start3A_228 = arith.constant 0 : i32
      %dma_start3A_229 = arith.constant 0 : i32
      %dma_start3A_230 = tpu.memref_slice %arg11[%run_scoped3A_160, %dma_start3A_228, %dma_start3A_229] : memref<2x40x128xf32, #tpu.memory_space<vmem>> -> memref<1x40x128xf32, #tpu.memory_space<vmem>>
      %dma_start3A_231 = tpu.memref_squeeze %dma_start3A_230 : memref<1x40x128xf32, #tpu.memory_space<vmem>> -> memref<40x128xf32, #tpu.memory_space<vmem>>
      %dma_start3A_232 = arith.constant 0 : i32
      %dma_start3A_233 = tpu.memref_slice %arg7[%arg0, %add3A_158, %dma_start3A_232] : memref<2x10240x128xf32, #tpu.memory_space<hbm>> -> memref<1x40x128xf32, #tpu.memory_space<hbm>>
      %dma_start3A_234 = tpu.memref_squeeze %dma_start3A_233 : memref<1x40x128xf32, #tpu.memory_space<hbm>> -> memref<40x128xf32, #tpu.memory_space<hbm>>
      %dma_start3A_235 = arith.constant 0 : i32
      %dma_start3A_236 = tpu.memref_slice %arg7[%arg0, %add3A_158, %dma_start3A_235] : memref<2x10240x128xf32, #tpu.memory_space<hbm>> -> memref<1x40x128xf32, #tpu.memory_space<hbm>>
      %dma_start3A_237 = tpu.memref_squeeze %dma_start3A_236 : memref<1x40x128xf32, #tpu.memory_space<hbm>> -> memref<40x128xf32, #tpu.memory_space<hbm>>
      %dma_start3A_238 = arith.constant 0 : i32
      %dma_start3A_239 = arith.constant 0 : i32
      %dma_start3A_240 = tpu.memref_slice %arg11[%run_scoped3A_160, %dma_start3A_238, %dma_start3A_239] : memref<2x40x128xf32, #tpu.memory_space<vmem>> -> memref<1x40x128xf32, #tpu.memory_space<vmem>>
      %dma_start3A_241 = tpu.memref_squeeze %dma_start3A_240 : memref<1x40x128xf32, #tpu.memory_space<vmem>> -> memref<40x128xf32, #tpu.memory_space<vmem>>
      tpu.enqueue_dma source(%dma_start3A_241 : memref<40x128xf32, #tpu.memory_space<vmem>>) target(%dma_start3A_237 : memref<40x128xf32, #tpu.memory_space<hbm>>) target_semaphore(%run_scoped3A_227 : memref<!tpu.dma_semaphore, #tpu.memory_space<semaphore_mem>>)
      %dma_wait3A_242 = arith.constant 0 : i32
      %dma_wait3A_243 = arith.constant 0 : i32
      %dma_wait3A_244 = tpu.memref_slice %arg11[%run_scoped3A_160, %dma_wait3A_242, %dma_wait3A_243] : memref<2x40x128xf32, #tpu.memory_space<vmem>> -> memref<1x40x128xf32, #tpu.memory_space<vmem>>
      %dma_wait3A_245 = tpu.memref_squeeze %dma_wait3A_244 : memref<1x40x128xf32, #tpu.memory_space<vmem>> -> memref<40x128xf32, #tpu.memory_space<vmem>>
      %dma_wait3A_246 = arith.constant 0 : i32
      %dma_wait3A_247 = tpu.memref_slice %arg7[%arg0, %add3A_158, %dma_wait3A_246] : memref<2x10240x128xf32, #tpu.memory_space<hbm>> -> memref<1x40x128xf32, #tpu.memory_space<hbm>>
      %dma_wait3A_248 = tpu.memref_squeeze %dma_wait3A_247 : memref<1x40x128xf32, #tpu.memory_space<hbm>> -> memref<40x128xf32, #tpu.memory_space<hbm>>
      %dma_wait3A_249 = arith.constant 0 : i32
      %dma_wait3A_250 = tpu.memref_slice %arg7[%arg0, %add3A_158, %dma_wait3A_249] : memref<2x10240x128xf32, #tpu.memory_space<hbm>> -> memref<1x40x128xf32, #tpu.memory_space<hbm>>
      %dma_wait3A_251 = tpu.memref_squeeze %dma_wait3A_250 : memref<1x40x128xf32, #tpu.memory_space<hbm>> -> memref<40x128xf32, #tpu.memory_space<hbm>>
      %dma_wait3A_252 = arith.constant 0 : i32
      %dma_wait3A_253 = arith.constant 0 : i32
      %dma_wait3A_254 = tpu.memref_slice %arg11[%run_scoped3A_160, %dma_wait3A_252, %dma_wait3A_253] : memref<2x40x128xf32, #tpu.memory_space<vmem>> -> memref<1x40x128xf32, #tpu.memory_space<vmem>>
      %dma_wait3A_255 = tpu.memref_squeeze %dma_wait3A_254 : memref<1x40x128xf32, #tpu.memory_space<vmem>> -> memref<40x128xf32, #tpu.memory_space<vmem>>
      tpu.wait_dma2 semaphore(%run_scoped3A_227 : memref<!tpu.dma_semaphore, #tpu.memory_space<semaphore_mem>>) src(%dma_wait3A_255 : memref<40x128xf32, #tpu.memory_space<vmem>>) dst(%dma_wait3A_251 : memref<40x128xf32, #tpu.memory_space<hbm>>)
      tpu.yield
    }) : () -> ()
    %mul3A_161 = arith.constant 640 : i32
    %mul3A_162 = arith.muli %arg1, %mul3A_161 : i32
    %add3A_163 = arith.constant 200 : i32
    %add3A_164 = arith.addi %mul3A_162, %add3A_163 : i32
    %run_scoped3A_165 = arith.constant 0 : i32
    "tpu.region"() ({
      %run_scoped3A_227 = tpu.sem_alloc : memref<!tpu.dma_semaphore, #tpu.memory_space<semaphore_mem>>
      %dma_start3A_228 = arith.constant 0 : i32
      %dma_start3A_229 = arith.constant 0 : i32
      %dma_start3A_230 = tpu.memref_slice %arg11[%run_scoped3A_165, %dma_start3A_228, %dma_start3A_229] : memref<2x40x128xf32, #tpu.memory_space<vmem>> -> memref<1x40x128xf32, #tpu.memory_space<vmem>>
      %dma_start3A_231 = tpu.memref_squeeze %dma_start3A_230 : memref<1x40x128xf32, #tpu.memory_space<vmem>> -> memref<40x128xf32, #tpu.memory_space<vmem>>
      %dma_start3A_232 = arith.constant 0 : i32
      %dma_start3A_233 = tpu.memref_slice %arg12[%add3A_164, %dma_start3A_232] : memref<10240x128xf32, #tpu.memory_space<vmem_shared>> -> memref<40x128xf32, #tpu.memory_space<vmem_shared>>
      %dma_start3A_234 = arith.constant 0 : i32
      %dma_start3A_235 = arith.constant 0 : i32
      %dma_start3A_236 = tpu.memref_slice %arg11[%run_scoped3A_165, %dma_start3A_234, %dma_start3A_235] : memref<2x40x128xf32, #tpu.memory_space<vmem>> -> memref<1x40x128xf32, #tpu.memory_space<vmem>>
      %dma_start3A_237 = tpu.memref_squeeze %dma_start3A_236 : memref<1x40x128xf32, #tpu.memory_space<vmem>> -> memref<40x128xf32, #tpu.memory_space<vmem>>
      %dma_start3A_238 = arith.constant 0 : i32
      %dma_start3A_239 = tpu.memref_slice %arg12[%add3A_164, %dma_start3A_238] : memref<10240x128xf32, #tpu.memory_space<vmem_shared>> -> memref<40x128xf32, #tpu.memory_space<vmem_shared>>
      tpu.enqueue_dma source(%dma_start3A_239 : memref<40x128xf32, #tpu.memory_space<vmem_shared>>) target(%dma_start3A_237 : memref<40x128xf32, #tpu.memory_space<vmem>>) target_semaphore(%run_scoped3A_227 : memref<!tpu.dma_semaphore, #tpu.memory_space<semaphore_mem>>)
      %dma_wait3A_240 = arith.constant 0 : i32
      %dma_wait3A_241 = arith.constant 0 : i32
      %dma_wait3A_242 = tpu.memref_slice %arg11[%run_scoped3A_165, %dma_wait3A_240, %dma_wait3A_241] : memref<2x40x128xf32, #tpu.memory_space<vmem>> -> memref<1x40x128xf32, #tpu.memory_space<vmem>>
      %dma_wait3A_243 = tpu.memref_squeeze %dma_wait3A_242 : memref<1x40x128xf32, #tpu.memory_space<vmem>> -> memref<40x128xf32, #tpu.memory_space<vmem>>
      %dma_wait3A_244 = arith.constant 0 : i32
      %dma_wait3A_245 = tpu.memref_slice %arg12[%add3A_164, %dma_wait3A_244] : memref<10240x128xf32, #tpu.memory_space<vmem_shared>> -> memref<40x128xf32, #tpu.memory_space<vmem_shared>>
      %dma_wait3A_246 = arith.constant 0 : i32
      %dma_wait3A_247 = arith.constant 0 : i32
      %dma_wait3A_248 = tpu.memref_slice %arg11[%run_scoped3A_165, %dma_wait3A_246, %dma_wait3A_247] : memref<2x40x128xf32, #tpu.memory_space<vmem>> -> memref<1x40x128xf32, #tpu.memory_space<vmem>>
      %dma_wait3A_249 = tpu.memref_squeeze %dma_wait3A_248 : memref<1x40x128xf32, #tpu.memory_space<vmem>> -> memref<40x128xf32, #tpu.memory_space<vmem>>
      %dma_wait3A_250 = arith.constant 0 : i32
      %dma_wait3A_251 = tpu.memref_slice %arg12[%add3A_164, %dma_wait3A_250] : memref<10240x128xf32, #tpu.memory_space<vmem_shared>> -> memref<40x128xf32, #tpu.memory_space<vmem_shared>>
      tpu.wait_dma2 semaphore(%run_scoped3A_227 : memref<!tpu.dma_semaphore, #tpu.memory_space<semaphore_mem>>) src(%dma_wait3A_251 : memref<40x128xf32, #tpu.memory_space<vmem_shared>>) dst(%dma_wait3A_249 : memref<40x128xf32, #tpu.memory_space<vmem>>)
      tpu.yield
    }) : () -> ()
    %run_scoped3A_166 = arith.constant 0 : i32
    "tpu.region"() ({
      %run_scoped3A_227 = tpu.sem_alloc : memref<!tpu.dma_semaphore, #tpu.memory_space<semaphore_mem>>
      %dma_start3A_228 = arith.constant 0 : i32
      %dma_start3A_229 = arith.constant 0 : i32
      %dma_start3A_230 = tpu.memref_slice %arg11[%run_scoped3A_166, %dma_start3A_228, %dma_start3A_229] : memref<2x40x128xf32, #tpu.memory_space<vmem>> -> memref<1x40x128xf32, #tpu.memory_space<vmem>>
      %dma_start3A_231 = tpu.memref_squeeze %dma_start3A_230 : memref<1x40x128xf32, #tpu.memory_space<vmem>> -> memref<40x128xf32, #tpu.memory_space<vmem>>
      %dma_start3A_232 = arith.constant 0 : i32
      %dma_start3A_233 = tpu.memref_slice %arg7[%arg0, %add3A_164, %dma_start3A_232] : memref<2x10240x128xf32, #tpu.memory_space<hbm>> -> memref<1x40x128xf32, #tpu.memory_space<hbm>>
      %dma_start3A_234 = tpu.memref_squeeze %dma_start3A_233 : memref<1x40x128xf32, #tpu.memory_space<hbm>> -> memref<40x128xf32, #tpu.memory_space<hbm>>
      %dma_start3A_235 = arith.constant 0 : i32
      %dma_start3A_236 = tpu.memref_slice %arg7[%arg0, %add3A_164, %dma_start3A_235] : memref<2x10240x128xf32, #tpu.memory_space<hbm>> -> memref<1x40x128xf32, #tpu.memory_space<hbm>>
      %dma_start3A_237 = tpu.memref_squeeze %dma_start3A_236 : memref<1x40x128xf32, #tpu.memory_space<hbm>> -> memref<40x128xf32, #tpu.memory_space<hbm>>
      %dma_start3A_238 = arith.constant 0 : i32
      %dma_start3A_239 = arith.constant 0 : i32
      %dma_start3A_240 = tpu.memref_slice %arg11[%run_scoped3A_166, %dma_start3A_238, %dma_start3A_239] : memref<2x40x128xf32, #tpu.memory_space<vmem>> -> memref<1x40x128xf32, #tpu.memory_space<vmem>>
      %dma_start3A_241 = tpu.memref_squeeze %dma_start3A_240 : memref<1x40x128xf32, #tpu.memory_space<vmem>> -> memref<40x128xf32, #tpu.memory_space<vmem>>
      tpu.enqueue_dma source(%dma_start3A_241 : memref<40x128xf32, #tpu.memory_space<vmem>>) target(%dma_start3A_237 : memref<40x128xf32, #tpu.memory_space<hbm>>) target_semaphore(%run_scoped3A_227 : memref<!tpu.dma_semaphore, #tpu.memory_space<semaphore_mem>>)
      %dma_wait3A_242 = arith.constant 0 : i32
      %dma_wait3A_243 = arith.constant 0 : i32
      %dma_wait3A_244 = tpu.memref_slice %arg11[%run_scoped3A_166, %dma_wait3A_242, %dma_wait3A_243] : memref<2x40x128xf32, #tpu.memory_space<vmem>> -> memref<1x40x128xf32, #tpu.memory_space<vmem>>
      %dma_wait3A_245 = tpu.memref_squeeze %dma_wait3A_244 : memref<1x40x128xf32, #tpu.memory_space<vmem>> -> memref<40x128xf32, #tpu.memory_space<vmem>>
      %dma_wait3A_246 = arith.constant 0 : i32
      %dma_wait3A_247 = tpu.memref_slice %arg7[%arg0, %add3A_164, %dma_wait3A_246] : memref<2x10240x128xf32, #tpu.memory_space<hbm>> -> memref<1x40x128xf32, #tpu.memory_space<hbm>>
      %dma_wait3A_248 = tpu.memref_squeeze %dma_wait3A_247 : memref<1x40x128xf32, #tpu.memory_space<hbm>> -> memref<40x128xf32, #tpu.memory_space<hbm>>
      %dma_wait3A_249 = arith.constant 0 : i32
      %dma_wait3A_250 = tpu.memref_slice %arg7[%arg0, %add3A_164, %dma_wait3A_249] : memref<2x10240x128xf32, #tpu.memory_space<hbm>> -> memref<1x40x128xf32, #tpu.memory_space<hbm>>
      %dma_wait3A_251 = tpu.memref_squeeze %dma_wait3A_250 : memref<1x40x128xf32, #tpu.memory_space<hbm>> -> memref<40x128xf32, #tpu.memory_space<hbm>>
      %dma_wait3A_252 = arith.constant 0 : i32
      %dma_wait3A_253 = arith.constant 0 : i32
      %dma_wait3A_254 = tpu.memref_slice %arg11[%run_scoped3A_166, %dma_wait3A_252, %dma_wait3A_253] : memref<2x40x128xf32, #tpu.memory_space<vmem>> -> memref<1x40x128xf32, #tpu.memory_space<vmem>>
      %dma_wait3A_255 = tpu.memref_squeeze %dma_wait3A_254 : memref<1x40x128xf32, #tpu.memory_space<vmem>> -> memref<40x128xf32, #tpu.memory_space<vmem>>
      tpu.wait_dma2 semaphore(%run_scoped3A_227 : memref<!tpu.dma_semaphore, #tpu.memory_space<semaphore_mem>>) src(%dma_wait3A_255 : memref<40x128xf32, #tpu.memory_space<vmem>>) dst(%dma_wait3A_251 : memref<40x128xf32, #tpu.memory_space<hbm>>)
      tpu.yield
    }) : () -> ()
    %mul3A_167 = arith.constant 640 : i32
    %mul3A_168 = arith.muli %arg1, %mul3A_167 : i32
    %add3A_169 = arith.constant 240 : i32
    %add3A_170 = arith.addi %mul3A_168, %add3A_169 : i32
    %run_scoped3A_171 = arith.constant 0 : i32
    "tpu.region"() ({
      %run_scoped3A_227 = tpu.sem_alloc : memref<!tpu.dma_semaphore, #tpu.memory_space<semaphore_mem>>
      %dma_start3A_228 = arith.constant 0 : i32
      %dma_start3A_229 = arith.constant 0 : i32
      %dma_start3A_230 = tpu.memref_slice %arg11[%run_scoped3A_171, %dma_start3A_228, %dma_start3A_229] : memref<2x40x128xf32, #tpu.memory_space<vmem>> -> memref<1x40x128xf32, #tpu.memory_space<vmem>>
      %dma_start3A_231 = tpu.memref_squeeze %dma_start3A_230 : memref<1x40x128xf32, #tpu.memory_space<vmem>> -> memref<40x128xf32, #tpu.memory_space<vmem>>
      %dma_start3A_232 = arith.constant 0 : i32
      %dma_start3A_233 = tpu.memref_slice %arg12[%add3A_170, %dma_start3A_232] : memref<10240x128xf32, #tpu.memory_space<vmem_shared>> -> memref<40x128xf32, #tpu.memory_space<vmem_shared>>
      %dma_start3A_234 = arith.constant 0 : i32
      %dma_start3A_235 = arith.constant 0 : i32
      %dma_start3A_236 = tpu.memref_slice %arg11[%run_scoped3A_171, %dma_start3A_234, %dma_start3A_235] : memref<2x40x128xf32, #tpu.memory_space<vmem>> -> memref<1x40x128xf32, #tpu.memory_space<vmem>>
      %dma_start3A_237 = tpu.memref_squeeze %dma_start3A_236 : memref<1x40x128xf32, #tpu.memory_space<vmem>> -> memref<40x128xf32, #tpu.memory_space<vmem>>
      %dma_start3A_238 = arith.constant 0 : i32
      %dma_start3A_239 = tpu.memref_slice %arg12[%add3A_170, %dma_start3A_238] : memref<10240x128xf32, #tpu.memory_space<vmem_shared>> -> memref<40x128xf32, #tpu.memory_space<vmem_shared>>
      tpu.enqueue_dma source(%dma_start3A_239 : memref<40x128xf32, #tpu.memory_space<vmem_shared>>) target(%dma_start3A_237 : memref<40x128xf32, #tpu.memory_space<vmem>>) target_semaphore(%run_scoped3A_227 : memref<!tpu.dma_semaphore, #tpu.memory_space<semaphore_mem>>)
      %dma_wait3A_240 = arith.constant 0 : i32
      %dma_wait3A_241 = arith.constant 0 : i32
      %dma_wait3A_242 = tpu.memref_slice %arg11[%run_scoped3A_171, %dma_wait3A_240, %dma_wait3A_241] : memref<2x40x128xf32, #tpu.memory_space<vmem>> -> memref<1x40x128xf32, #tpu.memory_space<vmem>>
      %dma_wait3A_243 = tpu.memref_squeeze %dma_wait3A_242 : memref<1x40x128xf32, #tpu.memory_space<vmem>> -> memref<40x128xf32, #tpu.memory_space<vmem>>
      %dma_wait3A_244 = arith.constant 0 : i32
      %dma_wait3A_245 = tpu.memref_slice %arg12[%add3A_170, %dma_wait3A_244] : memref<10240x128xf32, #tpu.memory_space<vmem_shared>> -> memref<40x128xf32, #tpu.memory_space<vmem_shared>>
      %dma_wait3A_246 = arith.constant 0 : i32
      %dma_wait3A_247 = arith.constant 0 : i32
      %dma_wait3A_248 = tpu.memref_slice %arg11[%run_scoped3A_171, %dma_wait3A_246, %dma_wait3A_247] : memref<2x40x128xf32, #tpu.memory_space<vmem>> -> memref<1x40x128xf32, #tpu.memory_space<vmem>>
      %dma_wait3A_249 = tpu.memref_squeeze %dma_wait3A_248 : memref<1x40x128xf32, #tpu.memory_space<vmem>> -> memref<40x128xf32, #tpu.memory_space<vmem>>
      %dma_wait3A_250 = arith.constant 0 : i32
      %dma_wait3A_251 = tpu.memref_slice %arg12[%add3A_170, %dma_wait3A_250] : memref<10240x128xf32, #tpu.memory_space<vmem_shared>> -> memref<40x128xf32, #tpu.memory_space<vmem_shared>>
      tpu.wait_dma2 semaphore(%run_scoped3A_227 : memref<!tpu.dma_semaphore, #tpu.memory_space<semaphore_mem>>) src(%dma_wait3A_251 : memref<40x128xf32, #tpu.memory_space<vmem_shared>>) dst(%dma_wait3A_249 : memref<40x128xf32, #tpu.memory_space<vmem>>)
      tpu.yield
    }) : () -> ()
    %run_scoped3A_172 = arith.constant 0 : i32
    "tpu.region"() ({
      %run_scoped3A_227 = tpu.sem_alloc : memref<!tpu.dma_semaphore, #tpu.memory_space<semaphore_mem>>
      %dma_start3A_228 = arith.constant 0 : i32
      %dma_start3A_229 = arith.constant 0 : i32
      %dma_start3A_230 = tpu.memref_slice %arg11[%run_scoped3A_172, %dma_start3A_228, %dma_start3A_229] : memref<2x40x128xf32, #tpu.memory_space<vmem>> -> memref<1x40x128xf32, #tpu.memory_space<vmem>>
      %dma_start3A_231 = tpu.memref_squeeze %dma_start3A_230 : memref<1x40x128xf32, #tpu.memory_space<vmem>> -> memref<40x128xf32, #tpu.memory_space<vmem>>
      %dma_start3A_232 = arith.constant 0 : i32
      %dma_start3A_233 = tpu.memref_slice %arg7[%arg0, %add3A_170, %dma_start3A_232] : memref<2x10240x128xf32, #tpu.memory_space<hbm>> -> memref<1x40x128xf32, #tpu.memory_space<hbm>>
      %dma_start3A_234 = tpu.memref_squeeze %dma_start3A_233 : memref<1x40x128xf32, #tpu.memory_space<hbm>> -> memref<40x128xf32, #tpu.memory_space<hbm>>
      %dma_start3A_235 = arith.constant 0 : i32
      %dma_start3A_236 = tpu.memref_slice %arg7[%arg0, %add3A_170, %dma_start3A_235] : memref<2x10240x128xf32, #tpu.memory_space<hbm>> -> memref<1x40x128xf32, #tpu.memory_space<hbm>>
      %dma_start3A_237 = tpu.memref_squeeze %dma_start3A_236 : memref<1x40x128xf32, #tpu.memory_space<hbm>> -> memref<40x128xf32, #tpu.memory_space<hbm>>
      %dma_start3A_238 = arith.constant 0 : i32
      %dma_start3A_239 = arith.constant 0 : i32
      %dma_start3A_240 = tpu.memref_slice %arg11[%run_scoped3A_172, %dma_start3A_238, %dma_start3A_239] : memref<2x40x128xf32, #tpu.memory_space<vmem>> -> memref<1x40x128xf32, #tpu.memory_space<vmem>>
      %dma_start3A_241 = tpu.memref_squeeze %dma_start3A_240 : memref<1x40x128xf32, #tpu.memory_space<vmem>> -> memref<40x128xf32, #tpu.memory_space<vmem>>
      tpu.enqueue_dma source(%dma_start3A_241 : memref<40x128xf32, #tpu.memory_space<vmem>>) target(%dma_start3A_237 : memref<40x128xf32, #tpu.memory_space<hbm>>) target_semaphore(%run_scoped3A_227 : memref<!tpu.dma_semaphore, #tpu.memory_space<semaphore_mem>>)
      %dma_wait3A_242 = arith.constant 0 : i32
      %dma_wait3A_243 = arith.constant 0 : i32
      %dma_wait3A_244 = tpu.memref_slice %arg11[%run_scoped3A_172, %dma_wait3A_242, %dma_wait3A_243] : memref<2x40x128xf32, #tpu.memory_space<vmem>> -> memref<1x40x128xf32, #tpu.memory_space<vmem>>
      %dma_wait3A_245 = tpu.memref_squeeze %dma_wait3A_244 : memref<1x40x128xf32, #tpu.memory_space<vmem>> -> memref<40x128xf32, #tpu.memory_space<vmem>>
      %dma_wait3A_246 = arith.constant 0 : i32
      %dma_wait3A_247 = tpu.memref_slice %arg7[%arg0, %add3A_170, %dma_wait3A_246] : memref<2x10240x128xf32, #tpu.memory_space<hbm>> -> memref<1x40x128xf32, #tpu.memory_space<hbm>>
      %dma_wait3A_248 = tpu.memref_squeeze %dma_wait3A_247 : memref<1x40x128xf32, #tpu.memory_space<hbm>> -> memref<40x128xf32, #tpu.memory_space<hbm>>
      %dma_wait3A_249 = arith.constant 0 : i32
      %dma_wait3A_250 = tpu.memref_slice %arg7[%arg0, %add3A_170, %dma_wait3A_249] : memref<2x10240x128xf32, #tpu.memory_space<hbm>> -> memref<1x40x128xf32, #tpu.memory_space<hbm>>
      %dma_wait3A_251 = tpu.memref_squeeze %dma_wait3A_250 : memref<1x40x128xf32, #tpu.memory_space<hbm>> -> memref<40x128xf32, #tpu.memory_space<hbm>>
      %dma_wait3A_252 = arith.constant 0 : i32
      %dma_wait3A_253 = arith.constant 0 : i32
      %dma_wait3A_254 = tpu.memref_slice %arg11[%run_scoped3A_172, %dma_wait3A_252, %dma_wait3A_253] : memref<2x40x128xf32, #tpu.memory_space<vmem>> -> memref<1x40x128xf32, #tpu.memory_space<vmem>>
      %dma_wait3A_255 = tpu.memref_squeeze %dma_wait3A_254 : memref<1x40x128xf32, #tpu.memory_space<vmem>> -> memref<40x128xf32, #tpu.memory_space<vmem>>
      tpu.wait_dma2 semaphore(%run_scoped3A_227 : memref<!tpu.dma_semaphore, #tpu.memory_space<semaphore_mem>>) src(%dma_wait3A_255 : memref<40x128xf32, #tpu.memory_space<vmem>>) dst(%dma_wait3A_251 : memref<40x128xf32, #tpu.memory_space<hbm>>)
      tpu.yield
    }) : () -> ()
    %mul3A_173 = arith.constant 640 : i32
    %mul3A_174 = arith.muli %arg1, %mul3A_173 : i32
    %add3A_175 = arith.constant 280 : i32
    %add3A_176 = arith.addi %mul3A_174, %add3A_175 : i32
    %run_scoped3A_177 = arith.constant 0 : i32
    "tpu.region"() ({
      %run_scoped3A_227 = tpu.sem_alloc : memref<!tpu.dma_semaphore, #tpu.memory_space<semaphore_mem>>
      %dma_start3A_228 = arith.constant 0 : i32
      %dma_start3A_229 = arith.constant 0 : i32
      %dma_start3A_230 = tpu.memref_slice %arg11[%run_scoped3A_177, %dma_start3A_228, %dma_start3A_229] : memref<2x40x128xf32, #tpu.memory_space<vmem>> -> memref<1x40x128xf32, #tpu.memory_space<vmem>>
      %dma_start3A_231 = tpu.memref_squeeze %dma_start3A_230 : memref<1x40x128xf32, #tpu.memory_space<vmem>> -> memref<40x128xf32, #tpu.memory_space<vmem>>
      %dma_start3A_232 = arith.constant 0 : i32
      %dma_start3A_233 = tpu.memref_slice %arg12[%add3A_176, %dma_start3A_232] : memref<10240x128xf32, #tpu.memory_space<vmem_shared>> -> memref<40x128xf32, #tpu.memory_space<vmem_shared>>
      %dma_start3A_234 = arith.constant 0 : i32
      %dma_start3A_235 = arith.constant 0 : i32
      %dma_start3A_236 = tpu.memref_slice %arg11[%run_scoped3A_177, %dma_start3A_234, %dma_start3A_235] : memref<2x40x128xf32, #tpu.memory_space<vmem>> -> memref<1x40x128xf32, #tpu.memory_space<vmem>>
      %dma_start3A_237 = tpu.memref_squeeze %dma_start3A_236 : memref<1x40x128xf32, #tpu.memory_space<vmem>> -> memref<40x128xf32, #tpu.memory_space<vmem>>
      %dma_start3A_238 = arith.constant 0 : i32
      %dma_start3A_239 = tpu.memref_slice %arg12[%add3A_176, %dma_start3A_238] : memref<10240x128xf32, #tpu.memory_space<vmem_shared>> -> memref<40x128xf32, #tpu.memory_space<vmem_shared>>
      tpu.enqueue_dma source(%dma_start3A_239 : memref<40x128xf32, #tpu.memory_space<vmem_shared>>) target(%dma_start3A_237 : memref<40x128xf32, #tpu.memory_space<vmem>>) target_semaphore(%run_scoped3A_227 : memref<!tpu.dma_semaphore, #tpu.memory_space<semaphore_mem>>)
      %dma_wait3A_240 = arith.constant 0 : i32
      %dma_wait3A_241 = arith.constant 0 : i32
      %dma_wait3A_242 = tpu.memref_slice %arg11[%run_scoped3A_177, %dma_wait3A_240, %dma_wait3A_241] : memref<2x40x128xf32, #tpu.memory_space<vmem>> -> memref<1x40x128xf32, #tpu.memory_space<vmem>>
      %dma_wait3A_243 = tpu.memref_squeeze %dma_wait3A_242 : memref<1x40x128xf32, #tpu.memory_space<vmem>> -> memref<40x128xf32, #tpu.memory_space<vmem>>
      %dma_wait3A_244 = arith.constant 0 : i32
      %dma_wait3A_245 = tpu.memref_slice %arg12[%add3A_176, %dma_wait3A_244] : memref<10240x128xf32, #tpu.memory_space<vmem_shared>> -> memref<40x128xf32, #tpu.memory_space<vmem_shared>>
      %dma_wait3A_246 = arith.constant 0 : i32
      %dma_wait3A_247 = arith.constant 0 : i32
      %dma_wait3A_248 = tpu.memref_slice %arg11[%run_scoped3A_177, %dma_wait3A_246, %dma_wait3A_247] : memref<2x40x128xf32, #tpu.memory_space<vmem>> -> memref<1x40x128xf32, #tpu.memory_space<vmem>>
      %dma_wait3A_249 = tpu.memref_squeeze %dma_wait3A_248 : memref<1x40x128xf32, #tpu.memory_space<vmem>> -> memref<40x128xf32, #tpu.memory_space<vmem>>
      %dma_wait3A_250 = arith.constant 0 : i32
      %dma_wait3A_251 = tpu.memref_slice %arg12[%add3A_176, %dma_wait3A_250] : memref<10240x128xf32, #tpu.memory_space<vmem_shared>> -> memref<40x128xf32, #tpu.memory_space<vmem_shared>>
      tpu.wait_dma2 semaphore(%run_scoped3A_227 : memref<!tpu.dma_semaphore, #tpu.memory_space<semaphore_mem>>) src(%dma_wait3A_251 : memref<40x128xf32, #tpu.memory_space<vmem_shared>>) dst(%dma_wait3A_249 : memref<40x128xf32, #tpu.memory_space<vmem>>)
      tpu.yield
    }) : () -> ()
    %run_scoped3A_178 = arith.constant 0 : i32
    "tpu.region"() ({
      %run_scoped3A_227 = tpu.sem_alloc : memref<!tpu.dma_semaphore, #tpu.memory_space<semaphore_mem>>
      %dma_start3A_228 = arith.constant 0 : i32
      %dma_start3A_229 = arith.constant 0 : i32
      %dma_start3A_230 = tpu.memref_slice %arg11[%run_scoped3A_178, %dma_start3A_228, %dma_start3A_229] : memref<2x40x128xf32, #tpu.memory_space<vmem>> -> memref<1x40x128xf32, #tpu.memory_space<vmem>>
      %dma_start3A_231 = tpu.memref_squeeze %dma_start3A_230 : memref<1x40x128xf32, #tpu.memory_space<vmem>> -> memref<40x128xf32, #tpu.memory_space<vmem>>
      %dma_start3A_232 = arith.constant 0 : i32
      %dma_start3A_233 = tpu.memref_slice %arg7[%arg0, %add3A_176, %dma_start3A_232] : memref<2x10240x128xf32, #tpu.memory_space<hbm>> -> memref<1x40x128xf32, #tpu.memory_space<hbm>>
      %dma_start3A_234 = tpu.memref_squeeze %dma_start3A_233 : memref<1x40x128xf32, #tpu.memory_space<hbm>> -> memref<40x128xf32, #tpu.memory_space<hbm>>
      %dma_start3A_235 = arith.constant 0 : i32
      %dma_start3A_236 = tpu.memref_slice %arg7[%arg0, %add3A_176, %dma_start3A_235] : memref<2x10240x128xf32, #tpu.memory_space<hbm>> -> memref<1x40x128xf32, #tpu.memory_space<hbm>>
      %dma_start3A_237 = tpu.memref_squeeze %dma_start3A_236 : memref<1x40x128xf32, #tpu.memory_space<hbm>> -> memref<40x128xf32, #tpu.memory_space<hbm>>
      %dma_start3A_238 = arith.constant 0 : i32
      %dma_start3A_239 = arith.constant 0 : i32
      %dma_start3A_240 = tpu.memref_slice %arg11[%run_scoped3A_178, %dma_start3A_238, %dma_start3A_239] : memref<2x40x128xf32, #tpu.memory_space<vmem>> -> memref<1x40x128xf32, #tpu.memory_space<vmem>>
      %dma_start3A_241 = tpu.memref_squeeze %dma_start3A_240 : memref<1x40x128xf32, #tpu.memory_space<vmem>> -> memref<40x128xf32, #tpu.memory_space<vmem>>
      tpu.enqueue_dma source(%dma_start3A_241 : memref<40x128xf32, #tpu.memory_space<vmem>>) target(%dma_start3A_237 : memref<40x128xf32, #tpu.memory_space<hbm>>) target_semaphore(%run_scoped3A_227 : memref<!tpu.dma_semaphore, #tpu.memory_space<semaphore_mem>>)
      %dma_wait3A_242 = arith.constant 0 : i32
      %dma_wait3A_243 = arith.constant 0 : i32
      %dma_wait3A_244 = tpu.memref_slice %arg11[%run_scoped3A_178, %dma_wait3A_242, %dma_wait3A_243] : memref<2x40x128xf32, #tpu.memory_space<vmem>> -> memref<1x40x128xf32, #tpu.memory_space<vmem>>
      %dma_wait3A_245 = tpu.memref_squeeze %dma_wait3A_244 : memref<1x40x128xf32, #tpu.memory_space<vmem>> -> memref<40x128xf32, #tpu.memory_space<vmem>>
      %dma_wait3A_246 = arith.constant 0 : i32
      %dma_wait3A_247 = tpu.memref_slice %arg7[%arg0, %add3A_176, %dma_wait3A_246] : memref<2x10240x128xf32, #tpu.memory_space<hbm>> -> memref<1x40x128xf32, #tpu.memory_space<hbm>>
      %dma_wait3A_248 = tpu.memref_squeeze %dma_wait3A_247 : memref<1x40x128xf32, #tpu.memory_space<hbm>> -> memref<40x128xf32, #tpu.memory_space<hbm>>
      %dma_wait3A_249 = arith.constant 0 : i32
      %dma_wait3A_250 = tpu.memref_slice %arg7[%arg0, %add3A_176, %dma_wait3A_249] : memref<2x10240x128xf32, #tpu.memory_space<hbm>> -> memref<1x40x128xf32, #tpu.memory_space<hbm>>
      %dma_wait3A_251 = tpu.memref_squeeze %dma_wait3A_250 : memref<1x40x128xf32, #tpu.memory_space<hbm>> -> memref<40x128xf32, #tpu.memory_space<hbm>>
      %dma_wait3A_252 = arith.constant 0 : i32
      %dma_wait3A_253 = arith.constant 0 : i32
      %dma_wait3A_254 = tpu.memref_slice %arg11[%run_scoped3A_178, %dma_wait3A_252, %dma_wait3A_253] : memref<2x40x128xf32, #tpu.memory_space<vmem>> -> memref<1x40x128xf32, #tpu.memory_space<vmem>>
      %dma_wait3A_255 = tpu.memref_squeeze %dma_wait3A_254 : memref<1x40x128xf32, #tpu.memory_space<vmem>> -> memref<40x128xf32, #tpu.memory_space<vmem>>
      tpu.wait_dma2 semaphore(%run_scoped3A_227 : memref<!tpu.dma_semaphore, #tpu.memory_space<semaphore_mem>>) src(%dma_wait3A_255 : memref<40x128xf32, #tpu.memory_space<vmem>>) dst(%dma_wait3A_251 : memref<40x128xf32, #tpu.memory_space<hbm>>)
      tpu.yield
    }) : () -> ()
    %mul3A_179 = arith.constant 640 : i32
    %mul3A_180 = arith.muli %arg1, %mul3A_179 : i32
    %add3A_181 = arith.constant 320 : i32
    %add3A_182 = arith.addi %mul3A_180, %add3A_181 : i32
    %run_scoped3A_183 = arith.constant 0 : i32
    "tpu.region"() ({
      %run_scoped3A_227 = tpu.sem_alloc : memref<!tpu.dma_semaphore, #tpu.memory_space<semaphore_mem>>
      %dma_start3A_228 = arith.constant 0 : i32
      %dma_start3A_229 = arith.constant 0 : i32
      %dma_start3A_230 = tpu.memref_slice %arg11[%run_scoped3A_183, %dma_start3A_228, %dma_start3A_229] : memref<2x40x128xf32, #tpu.memory_space<vmem>> -> memref<1x40x128xf32, #tpu.memory_space<vmem>>
      %dma_start3A_231 = tpu.memref_squeeze %dma_start3A_230 : memref<1x40x128xf32, #tpu.memory_space<vmem>> -> memref<40x128xf32, #tpu.memory_space<vmem>>
      %dma_start3A_232 = arith.constant 0 : i32
      %dma_start3A_233 = tpu.memref_slice %arg12[%add3A_182, %dma_start3A_232] : memref<10240x128xf32, #tpu.memory_space<vmem_shared>> -> memref<40x128xf32, #tpu.memory_space<vmem_shared>>
      %dma_start3A_234 = arith.constant 0 : i32
      %dma_start3A_235 = arith.constant 0 : i32
      %dma_start3A_236 = tpu.memref_slice %arg11[%run_scoped3A_183, %dma_start3A_234, %dma_start3A_235] : memref<2x40x128xf32, #tpu.memory_space<vmem>> -> memref<1x40x128xf32, #tpu.memory_space<vmem>>
      %dma_start3A_237 = tpu.memref_squeeze %dma_start3A_236 : memref<1x40x128xf32, #tpu.memory_space<vmem>> -> memref<40x128xf32, #tpu.memory_space<vmem>>
      %dma_start3A_238 = arith.constant 0 : i32
      %dma_start3A_239 = tpu.memref_slice %arg12[%add3A_182, %dma_start3A_238] : memref<10240x128xf32, #tpu.memory_space<vmem_shared>> -> memref<40x128xf32, #tpu.memory_space<vmem_shared>>
      tpu.enqueue_dma source(%dma_start3A_239 : memref<40x128xf32, #tpu.memory_space<vmem_shared>>) target(%dma_start3A_237 : memref<40x128xf32, #tpu.memory_space<vmem>>) target_semaphore(%run_scoped3A_227 : memref<!tpu.dma_semaphore, #tpu.memory_space<semaphore_mem>>)
      %dma_wait3A_240 = arith.constant 0 : i32
      %dma_wait3A_241 = arith.constant 0 : i32
      %dma_wait3A_242 = tpu.memref_slice %arg11[%run_scoped3A_183, %dma_wait3A_240, %dma_wait3A_241] : memref<2x40x128xf32, #tpu.memory_space<vmem>> -> memref<1x40x128xf32, #tpu.memory_space<vmem>>
      %dma_wait3A_243 = tpu.memref_squeeze %dma_wait3A_242 : memref<1x40x128xf32, #tpu.memory_space<vmem>> -> memref<40x128xf32, #tpu.memory_space<vmem>>
      %dma_wait3A_244 = arith.constant 0 : i32
      %dma_wait3A_245 = tpu.memref_slice %arg12[%add3A_182, %dma_wait3A_244] : memref<10240x128xf32, #tpu.memory_space<vmem_shared>> -> memref<40x128xf32, #tpu.memory_space<vmem_shared>>
      %dma_wait3A_246 = arith.constant 0 : i32
      %dma_wait3A_247 = arith.constant 0 : i32
      %dma_wait3A_248 = tpu.memref_slice %arg11[%run_scoped3A_183, %dma_wait3A_246, %dma_wait3A_247] : memref<2x40x128xf32, #tpu.memory_space<vmem>> -> memref<1x40x128xf32, #tpu.memory_space<vmem>>
      %dma_wait3A_249 = tpu.memref_squeeze %dma_wait3A_248 : memref<1x40x128xf32, #tpu.memory_space<vmem>> -> memref<40x128xf32, #tpu.memory_space<vmem>>
      %dma_wait3A_250 = arith.constant 0 : i32
      %dma_wait3A_251 = tpu.memref_slice %arg12[%add3A_182, %dma_wait3A_250] : memref<10240x128xf32, #tpu.memory_space<vmem_shared>> -> memref<40x128xf32, #tpu.memory_space<vmem_shared>>
      tpu.wait_dma2 semaphore(%run_scoped3A_227 : memref<!tpu.dma_semaphore, #tpu.memory_space<semaphore_mem>>) src(%dma_wait3A_251 : memref<40x128xf32, #tpu.memory_space<vmem_shared>>) dst(%dma_wait3A_249 : memref<40x128xf32, #tpu.memory_space<vmem>>)
      tpu.yield
    }) : () -> ()
    %run_scoped3A_184 = arith.constant 0 : i32
    "tpu.region"() ({
      %run_scoped3A_227 = tpu.sem_alloc : memref<!tpu.dma_semaphore, #tpu.memory_space<semaphore_mem>>
      %dma_start3A_228 = arith.constant 0 : i32
      %dma_start3A_229 = arith.constant 0 : i32
      %dma_start3A_230 = tpu.memref_slice %arg11[%run_scoped3A_184, %dma_start3A_228, %dma_start3A_229] : memref<2x40x128xf32, #tpu.memory_space<vmem>> -> memref<1x40x128xf32, #tpu.memory_space<vmem>>
      %dma_start3A_231 = tpu.memref_squeeze %dma_start3A_230 : memref<1x40x128xf32, #tpu.memory_space<vmem>> -> memref<40x128xf32, #tpu.memory_space<vmem>>
      %dma_start3A_232 = arith.constant 0 : i32
      %dma_start3A_233 = tpu.memref_slice %arg7[%arg0, %add3A_182, %dma_start3A_232] : memref<2x10240x128xf32, #tpu.memory_space<hbm>> -> memref<1x40x128xf32, #tpu.memory_space<hbm>>
      %dma_start3A_234 = tpu.memref_squeeze %dma_start3A_233 : memref<1x40x128xf32, #tpu.memory_space<hbm>> -> memref<40x128xf32, #tpu.memory_space<hbm>>
      %dma_start3A_235 = arith.constant 0 : i32
      %dma_start3A_236 = tpu.memref_slice %arg7[%arg0, %add3A_182, %dma_start3A_235] : memref<2x10240x128xf32, #tpu.memory_space<hbm>> -> memref<1x40x128xf32, #tpu.memory_space<hbm>>
      %dma_start3A_237 = tpu.memref_squeeze %dma_start3A_236 : memref<1x40x128xf32, #tpu.memory_space<hbm>> -> memref<40x128xf32, #tpu.memory_space<hbm>>
      %dma_start3A_238 = arith.constant 0 : i32
      %dma_start3A_239 = arith.constant 0 : i32
      %dma_start3A_240 = tpu.memref_slice %arg11[%run_scoped3A_184, %dma_start3A_238, %dma_start3A_239] : memref<2x40x128xf32, #tpu.memory_space<vmem>> -> memref<1x40x128xf32, #tpu.memory_space<vmem>>
      %dma_start3A_241 = tpu.memref_squeeze %dma_start3A_240 : memref<1x40x128xf32, #tpu.memory_space<vmem>> -> memref<40x128xf32, #tpu.memory_space<vmem>>
      tpu.enqueue_dma source(%dma_start3A_241 : memref<40x128xf32, #tpu.memory_space<vmem>>) target(%dma_start3A_237 : memref<40x128xf32, #tpu.memory_space<hbm>>) target_semaphore(%run_scoped3A_227 : memref<!tpu.dma_semaphore, #tpu.memory_space<semaphore_mem>>)
      %dma_wait3A_242 = arith.constant 0 : i32
      %dma_wait3A_243 = arith.constant 0 : i32
      %dma_wait3A_244 = tpu.memref_slice %arg11[%run_scoped3A_184, %dma_wait3A_242, %dma_wait3A_243] : memref<2x40x128xf32, #tpu.memory_space<vmem>> -> memref<1x40x128xf32, #tpu.memory_space<vmem>>
      %dma_wait3A_245 = tpu.memref_squeeze %dma_wait3A_244 : memref<1x40x128xf32, #tpu.memory_space<vmem>> -> memref<40x128xf32, #tpu.memory_space<vmem>>
      %dma_wait3A_246 = arith.constant 0 : i32
      %dma_wait3A_247 = tpu.memref_slice %arg7[%arg0, %add3A_182, %dma_wait3A_246] : memref<2x10240x128xf32, #tpu.memory_space<hbm>> -> memref<1x40x128xf32, #tpu.memory_space<hbm>>
      %dma_wait3A_248 = tpu.memref_squeeze %dma_wait3A_247 : memref<1x40x128xf32, #tpu.memory_space<hbm>> -> memref<40x128xf32, #tpu.memory_space<hbm>>
      %dma_wait3A_249 = arith.constant 0 : i32
      %dma_wait3A_250 = tpu.memref_slice %arg7[%arg0, %add3A_182, %dma_wait3A_249] : memref<2x10240x128xf32, #tpu.memory_space<hbm>> -> memref<1x40x128xf32, #tpu.memory_space<hbm>>
      %dma_wait3A_251 = tpu.memref_squeeze %dma_wait3A_250 : memref<1x40x128xf32, #tpu.memory_space<hbm>> -> memref<40x128xf32, #tpu.memory_space<hbm>>
      %dma_wait3A_252 = arith.constant 0 : i32
      %dma_wait3A_253 = arith.constant 0 : i32
      %dma_wait3A_254 = tpu.memref_slice %arg11[%run_scoped3A_184, %dma_wait3A_252, %dma_wait3A_253] : memref<2x40x128xf32, #tpu.memory_space<vmem>> -> memref<1x40x128xf32, #tpu.memory_space<vmem>>
      %dma_wait3A_255 = tpu.memref_squeeze %dma_wait3A_254 : memref<1x40x128xf32, #tpu.memory_space<vmem>> -> memref<40x128xf32, #tpu.memory_space<vmem>>
      tpu.wait_dma2 semaphore(%run_scoped3A_227 : memref<!tpu.dma_semaphore, #tpu.memory_space<semaphore_mem>>) src(%dma_wait3A_255 : memref<40x128xf32, #tpu.memory_space<vmem>>) dst(%dma_wait3A_251 : memref<40x128xf32, #tpu.memory_space<hbm>>)
      tpu.yield
    }) : () -> ()
    %mul3A_185 = arith.constant 640 : i32
    %mul3A_186 = arith.muli %arg1, %mul3A_185 : i32
    %add3A_187 = arith.constant 360 : i32
    %add3A_188 = arith.addi %mul3A_186, %add3A_187 : i32
    %run_scoped3A_189 = arith.constant 0 : i32
    "tpu.region"() ({
      %run_scoped3A_227 = tpu.sem_alloc : memref<!tpu.dma_semaphore, #tpu.memory_space<semaphore_mem>>
      %dma_start3A_228 = arith.constant 0 : i32
      %dma_start3A_229 = arith.constant 0 : i32
      %dma_start3A_230 = tpu.memref_slice %arg11[%run_scoped3A_189, %dma_start3A_228, %dma_start3A_229] : memref<2x40x128xf32, #tpu.memory_space<vmem>> -> memref<1x40x128xf32, #tpu.memory_space<vmem>>
      %dma_start3A_231 = tpu.memref_squeeze %dma_start3A_230 : memref<1x40x128xf32, #tpu.memory_space<vmem>> -> memref<40x128xf32, #tpu.memory_space<vmem>>
      %dma_start3A_232 = arith.constant 0 : i32
      %dma_start3A_233 = tpu.memref_slice %arg12[%add3A_188, %dma_start3A_232] : memref<10240x128xf32, #tpu.memory_space<vmem_shared>> -> memref<40x128xf32, #tpu.memory_space<vmem_shared>>
      %dma_start3A_234 = arith.constant 0 : i32
      %dma_start3A_235 = arith.constant 0 : i32
      %dma_start3A_236 = tpu.memref_slice %arg11[%run_scoped3A_189, %dma_start3A_234, %dma_start3A_235] : memref<2x40x128xf32, #tpu.memory_space<vmem>> -> memref<1x40x128xf32, #tpu.memory_space<vmem>>
      %dma_start3A_237 = tpu.memref_squeeze %dma_start3A_236 : memref<1x40x128xf32, #tpu.memory_space<vmem>> -> memref<40x128xf32, #tpu.memory_space<vmem>>
      %dma_start3A_238 = arith.constant 0 : i32
      %dma_start3A_239 = tpu.memref_slice %arg12[%add3A_188, %dma_start3A_238] : memref<10240x128xf32, #tpu.memory_space<vmem_shared>> -> memref<40x128xf32, #tpu.memory_space<vmem_shared>>
      tpu.enqueue_dma source(%dma_start3A_239 : memref<40x128xf32, #tpu.memory_space<vmem_shared>>) target(%dma_start3A_237 : memref<40x128xf32, #tpu.memory_space<vmem>>) target_semaphore(%run_scoped3A_227 : memref<!tpu.dma_semaphore, #tpu.memory_space<semaphore_mem>>)
      %dma_wait3A_240 = arith.constant 0 : i32
      %dma_wait3A_241 = arith.constant 0 : i32
      %dma_wait3A_242 = tpu.memref_slice %arg11[%run_scoped3A_189, %dma_wait3A_240, %dma_wait3A_241] : memref<2x40x128xf32, #tpu.memory_space<vmem>> -> memref<1x40x128xf32, #tpu.memory_space<vmem>>
      %dma_wait3A_243 = tpu.memref_squeeze %dma_wait3A_242 : memref<1x40x128xf32, #tpu.memory_space<vmem>> -> memref<40x128xf32, #tpu.memory_space<vmem>>
      %dma_wait3A_244 = arith.constant 0 : i32
      %dma_wait3A_245 = tpu.memref_slice %arg12[%add3A_188, %dma_wait3A_244] : memref<10240x128xf32, #tpu.memory_space<vmem_shared>> -> memref<40x128xf32, #tpu.memory_space<vmem_shared>>
      %dma_wait3A_246 = arith.constant 0 : i32
      %dma_wait3A_247 = arith.constant 0 : i32
      %dma_wait3A_248 = tpu.memref_slice %arg11[%run_scoped3A_189, %dma_wait3A_246, %dma_wait3A_247] : memref<2x40x128xf32, #tpu.memory_space<vmem>> -> memref<1x40x128xf32, #tpu.memory_space<vmem>>
      %dma_wait3A_249 = tpu.memref_squeeze %dma_wait3A_248 : memref<1x40x128xf32, #tpu.memory_space<vmem>> -> memref<40x128xf32, #tpu.memory_space<vmem>>
      %dma_wait3A_250 = arith.constant 0 : i32
      %dma_wait3A_251 = tpu.memref_slice %arg12[%add3A_188, %dma_wait3A_250] : memref<10240x128xf32, #tpu.memory_space<vmem_shared>> -> memref<40x128xf32, #tpu.memory_space<vmem_shared>>
      tpu.wait_dma2 semaphore(%run_scoped3A_227 : memref<!tpu.dma_semaphore, #tpu.memory_space<semaphore_mem>>) src(%dma_wait3A_251 : memref<40x128xf32, #tpu.memory_space<vmem_shared>>) dst(%dma_wait3A_249 : memref<40x128xf32, #tpu.memory_space<vmem>>)
      tpu.yield
    }) : () -> ()
    %run_scoped3A_190 = arith.constant 0 : i32
    "tpu.region"() ({
      %run_scoped3A_227 = tpu.sem_alloc : memref<!tpu.dma_semaphore, #tpu.memory_space<semaphore_mem>>
      %dma_start3A_228 = arith.constant 0 : i32
      %dma_start3A_229 = arith.constant 0 : i32
      %dma_start3A_230 = tpu.memref_slice %arg11[%run_scoped3A_190, %dma_start3A_228, %dma_start3A_229] : memref<2x40x128xf32, #tpu.memory_space<vmem>> -> memref<1x40x128xf32, #tpu.memory_space<vmem>>
      %dma_start3A_231 = tpu.memref_squeeze %dma_start3A_230 : memref<1x40x128xf32, #tpu.memory_space<vmem>> -> memref<40x128xf32, #tpu.memory_space<vmem>>
      %dma_start3A_232 = arith.constant 0 : i32
      %dma_start3A_233 = tpu.memref_slice %arg7[%arg0, %add3A_188, %dma_start3A_232] : memref<2x10240x128xf32, #tpu.memory_space<hbm>> -> memref<1x40x128xf32, #tpu.memory_space<hbm>>
      %dma_start3A_234 = tpu.memref_squeeze %dma_start3A_233 : memref<1x40x128xf32, #tpu.memory_space<hbm>> -> memref<40x128xf32, #tpu.memory_space<hbm>>
      %dma_start3A_235 = arith.constant 0 : i32
      %dma_start3A_236 = tpu.memref_slice %arg7[%arg0, %add3A_188, %dma_start3A_235] : memref<2x10240x128xf32, #tpu.memory_space<hbm>> -> memref<1x40x128xf32, #tpu.memory_space<hbm>>
      %dma_start3A_237 = tpu.memref_squeeze %dma_start3A_236 : memref<1x40x128xf32, #tpu.memory_space<hbm>> -> memref<40x128xf32, #tpu.memory_space<hbm>>
      %dma_start3A_238 = arith.constant 0 : i32
      %dma_start3A_239 = arith.constant 0 : i32
      %dma_start3A_240 = tpu.memref_slice %arg11[%run_scoped3A_190, %dma_start3A_238, %dma_start3A_239] : memref<2x40x128xf32, #tpu.memory_space<vmem>> -> memref<1x40x128xf32, #tpu.memory_space<vmem>>
      %dma_start3A_241 = tpu.memref_squeeze %dma_start3A_240 : memref<1x40x128xf32, #tpu.memory_space<vmem>> -> memref<40x128xf32, #tpu.memory_space<vmem>>
      tpu.enqueue_dma source(%dma_start3A_241 : memref<40x128xf32, #tpu.memory_space<vmem>>) target(%dma_start3A_237 : memref<40x128xf32, #tpu.memory_space<hbm>>) target_semaphore(%run_scoped3A_227 : memref<!tpu.dma_semaphore, #tpu.memory_space<semaphore_mem>>)
      %dma_wait3A_242 = arith.constant 0 : i32
      %dma_wait3A_243 = arith.constant 0 : i32
      %dma_wait3A_244 = tpu.memref_slice %arg11[%run_scoped3A_190, %dma_wait3A_242, %dma_wait3A_243] : memref<2x40x128xf32, #tpu.memory_space<vmem>> -> memref<1x40x128xf32, #tpu.memory_space<vmem>>
      %dma_wait3A_245 = tpu.memref_squeeze %dma_wait3A_244 : memref<1x40x128xf32, #tpu.memory_space<vmem>> -> memref<40x128xf32, #tpu.memory_space<vmem>>
      %dma_wait3A_246 = arith.constant 0 : i32
      %dma_wait3A_247 = tpu.memref_slice %arg7[%arg0, %add3A_188, %dma_wait3A_246] : memref<2x10240x128xf32, #tpu.memory_space<hbm>> -> memref<1x40x128xf32, #tpu.memory_space<hbm>>
      %dma_wait3A_248 = tpu.memref_squeeze %dma_wait3A_247 : memref<1x40x128xf32, #tpu.memory_space<hbm>> -> memref<40x128xf32, #tpu.memory_space<hbm>>
      %dma_wait3A_249 = arith.constant 0 : i32
      %dma_wait3A_250 = tpu.memref_slice %arg7[%arg0, %add3A_188, %dma_wait3A_249] : memref<2x10240x128xf32, #tpu.memory_space<hbm>> -> memref<1x40x128xf32, #tpu.memory_space<hbm>>
      %dma_wait3A_251 = tpu.memref_squeeze %dma_wait3A_250 : memref<1x40x128xf32, #tpu.memory_space<hbm>> -> memref<40x128xf32, #tpu.memory_space<hbm>>
      %dma_wait3A_252 = arith.constant 0 : i32
      %dma_wait3A_253 = arith.constant 0 : i32
      %dma_wait3A_254 = tpu.memref_slice %arg11[%run_scoped3A_190, %dma_wait3A_252, %dma_wait3A_253] : memref<2x40x128xf32, #tpu.memory_space<vmem>> -> memref<1x40x128xf32, #tpu.memory_space<vmem>>
      %dma_wait3A_255 = tpu.memref_squeeze %dma_wait3A_254 : memref<1x40x128xf32, #tpu.memory_space<vmem>> -> memref<40x128xf32, #tpu.memory_space<vmem>>
      tpu.wait_dma2 semaphore(%run_scoped3A_227 : memref<!tpu.dma_semaphore, #tpu.memory_space<semaphore_mem>>) src(%dma_wait3A_255 : memref<40x128xf32, #tpu.memory_space<vmem>>) dst(%dma_wait3A_251 : memref<40x128xf32, #tpu.memory_space<hbm>>)
      tpu.yield
    }) : () -> ()
    %mul3A_191 = arith.constant 640 : i32
    %mul3A_192 = arith.muli %arg1, %mul3A_191 : i32
    %add3A_193 = arith.constant 400 : i32
    %add3A_194 = arith.addi %mul3A_192, %add3A_193 : i32
    %run_scoped3A_195 = arith.constant 0 : i32
    "tpu.region"() ({
      %run_scoped3A_227 = tpu.sem_alloc : memref<!tpu.dma_semaphore, #tpu.memory_space<semaphore_mem>>
      %dma_start3A_228 = arith.constant 0 : i32
      %dma_start3A_229 = arith.constant 0 : i32
      %dma_start3A_230 = tpu.memref_slice %arg11[%run_scoped3A_195, %dma_start3A_228, %dma_start3A_229] : memref<2x40x128xf32, #tpu.memory_space<vmem>> -> memref<1x40x128xf32, #tpu.memory_space<vmem>>
      %dma_start3A_231 = tpu.memref_squeeze %dma_start3A_230 : memref<1x40x128xf32, #tpu.memory_space<vmem>> -> memref<40x128xf32, #tpu.memory_space<vmem>>
      %dma_start3A_232 = arith.constant 0 : i32
      %dma_start3A_233 = tpu.memref_slice %arg12[%add3A_194, %dma_start3A_232] : memref<10240x128xf32, #tpu.memory_space<vmem_shared>> -> memref<40x128xf32, #tpu.memory_space<vmem_shared>>
      %dma_start3A_234 = arith.constant 0 : i32
      %dma_start3A_235 = arith.constant 0 : i32
      %dma_start3A_236 = tpu.memref_slice %arg11[%run_scoped3A_195, %dma_start3A_234, %dma_start3A_235] : memref<2x40x128xf32, #tpu.memory_space<vmem>> -> memref<1x40x128xf32, #tpu.memory_space<vmem>>
      %dma_start3A_237 = tpu.memref_squeeze %dma_start3A_236 : memref<1x40x128xf32, #tpu.memory_space<vmem>> -> memref<40x128xf32, #tpu.memory_space<vmem>>
      %dma_start3A_238 = arith.constant 0 : i32
      %dma_start3A_239 = tpu.memref_slice %arg12[%add3A_194, %dma_start3A_238] : memref<10240x128xf32, #tpu.memory_space<vmem_shared>> -> memref<40x128xf32, #tpu.memory_space<vmem_shared>>
      tpu.enqueue_dma source(%dma_start3A_239 : memref<40x128xf32, #tpu.memory_space<vmem_shared>>) target(%dma_start3A_237 : memref<40x128xf32, #tpu.memory_space<vmem>>) target_semaphore(%run_scoped3A_227 : memref<!tpu.dma_semaphore, #tpu.memory_space<semaphore_mem>>)
      %dma_wait3A_240 = arith.constant 0 : i32
      %dma_wait3A_241 = arith.constant 0 : i32
      %dma_wait3A_242 = tpu.memref_slice %arg11[%run_scoped3A_195, %dma_wait3A_240, %dma_wait3A_241] : memref<2x40x128xf32, #tpu.memory_space<vmem>> -> memref<1x40x128xf32, #tpu.memory_space<vmem>>
      %dma_wait3A_243 = tpu.memref_squeeze %dma_wait3A_242 : memref<1x40x128xf32, #tpu.memory_space<vmem>> -> memref<40x128xf32, #tpu.memory_space<vmem>>
      %dma_wait3A_244 = arith.constant 0 : i32
      %dma_wait3A_245 = tpu.memref_slice %arg12[%add3A_194, %dma_wait3A_244] : memref<10240x128xf32, #tpu.memory_space<vmem_shared>> -> memref<40x128xf32, #tpu.memory_space<vmem_shared>>
      %dma_wait3A_246 = arith.constant 0 : i32
      %dma_wait3A_247 = arith.constant 0 : i32
      %dma_wait3A_248 = tpu.memref_slice %arg11[%run_scoped3A_195, %dma_wait3A_246, %dma_wait3A_247] : memref<2x40x128xf32, #tpu.memory_space<vmem>> -> memref<1x40x128xf32, #tpu.memory_space<vmem>>
      %dma_wait3A_249 = tpu.memref_squeeze %dma_wait3A_248 : memref<1x40x128xf32, #tpu.memory_space<vmem>> -> memref<40x128xf32, #tpu.memory_space<vmem>>
      %dma_wait3A_250 = arith.constant 0 : i32
      %dma_wait3A_251 = tpu.memref_slice %arg12[%add3A_194, %dma_wait3A_250] : memref<10240x128xf32, #tpu.memory_space<vmem_shared>> -> memref<40x128xf32, #tpu.memory_space<vmem_shared>>
      tpu.wait_dma2 semaphore(%run_scoped3A_227 : memref<!tpu.dma_semaphore, #tpu.memory_space<semaphore_mem>>) src(%dma_wait3A_251 : memref<40x128xf32, #tpu.memory_space<vmem_shared>>) dst(%dma_wait3A_249 : memref<40x128xf32, #tpu.memory_space<vmem>>)
      tpu.yield
    }) : () -> ()
    %run_scoped3A_196 = arith.constant 0 : i32
    "tpu.region"() ({
      %run_scoped3A_227 = tpu.sem_alloc : memref<!tpu.dma_semaphore, #tpu.memory_space<semaphore_mem>>
      %dma_start3A_228 = arith.constant 0 : i32
      %dma_start3A_229 = arith.constant 0 : i32
      %dma_start3A_230 = tpu.memref_slice %arg11[%run_scoped3A_196, %dma_start3A_228, %dma_start3A_229] : memref<2x40x128xf32, #tpu.memory_space<vmem>> -> memref<1x40x128xf32, #tpu.memory_space<vmem>>
      %dma_start3A_231 = tpu.memref_squeeze %dma_start3A_230 : memref<1x40x128xf32, #tpu.memory_space<vmem>> -> memref<40x128xf32, #tpu.memory_space<vmem>>
      %dma_start3A_232 = arith.constant 0 : i32
      %dma_start3A_233 = tpu.memref_slice %arg7[%arg0, %add3A_194, %dma_start3A_232] : memref<2x10240x128xf32, #tpu.memory_space<hbm>> -> memref<1x40x128xf32, #tpu.memory_space<hbm>>
      %dma_start3A_234 = tpu.memref_squeeze %dma_start3A_233 : memref<1x40x128xf32, #tpu.memory_space<hbm>> -> memref<40x128xf32, #tpu.memory_space<hbm>>
      %dma_start3A_235 = arith.constant 0 : i32
      %dma_start3A_236 = tpu.memref_slice %arg7[%arg0, %add3A_194, %dma_start3A_235] : memref<2x10240x128xf32, #tpu.memory_space<hbm>> -> memref<1x40x128xf32, #tpu.memory_space<hbm>>
      %dma_start3A_237 = tpu.memref_squeeze %dma_start3A_236 : memref<1x40x128xf32, #tpu.memory_space<hbm>> -> memref<40x128xf32, #tpu.memory_space<hbm>>
      %dma_start3A_238 = arith.constant 0 : i32
      %dma_start3A_239 = arith.constant 0 : i32
      %dma_start3A_240 = tpu.memref_slice %arg11[%run_scoped3A_196, %dma_start3A_238, %dma_start3A_239] : memref<2x40x128xf32, #tpu.memory_space<vmem>> -> memref<1x40x128xf32, #tpu.memory_space<vmem>>
      %dma_start3A_241 = tpu.memref_squeeze %dma_start3A_240 : memref<1x40x128xf32, #tpu.memory_space<vmem>> -> memref<40x128xf32, #tpu.memory_space<vmem>>
      tpu.enqueue_dma source(%dma_start3A_241 : memref<40x128xf32, #tpu.memory_space<vmem>>) target(%dma_start3A_237 : memref<40x128xf32, #tpu.memory_space<hbm>>) target_semaphore(%run_scoped3A_227 : memref<!tpu.dma_semaphore, #tpu.memory_space<semaphore_mem>>)
      %dma_wait3A_242 = arith.constant 0 : i32
      %dma_wait3A_243 = arith.constant 0 : i32
      %dma_wait3A_244 = tpu.memref_slice %arg11[%run_scoped3A_196, %dma_wait3A_242, %dma_wait3A_243] : memref<2x40x128xf32, #tpu.memory_space<vmem>> -> memref<1x40x128xf32, #tpu.memory_space<vmem>>
      %dma_wait3A_245 = tpu.memref_squeeze %dma_wait3A_244 : memref<1x40x128xf32, #tpu.memory_space<vmem>> -> memref<40x128xf32, #tpu.memory_space<vmem>>
      %dma_wait3A_246 = arith.constant 0 : i32
      %dma_wait3A_247 = tpu.memref_slice %arg7[%arg0, %add3A_194, %dma_wait3A_246] : memref<2x10240x128xf32, #tpu.memory_space<hbm>> -> memref<1x40x128xf32, #tpu.memory_space<hbm>>
      %dma_wait3A_248 = tpu.memref_squeeze %dma_wait3A_247 : memref<1x40x128xf32, #tpu.memory_space<hbm>> -> memref<40x128xf32, #tpu.memory_space<hbm>>
      %dma_wait3A_249 = arith.constant 0 : i32
      %dma_wait3A_250 = tpu.memref_slice %arg7[%arg0, %add3A_194, %dma_wait3A_249] : memref<2x10240x128xf32, #tpu.memory_space<hbm>> -> memref<1x40x128xf32, #tpu.memory_space<hbm>>
      %dma_wait3A_251 = tpu.memref_squeeze %dma_wait3A_250 : memref<1x40x128xf32, #tpu.memory_space<hbm>> -> memref<40x128xf32, #tpu.memory_space<hbm>>
      %dma_wait3A_252 = arith.constant 0 : i32
      %dma_wait3A_253 = arith.constant 0 : i32
      %dma_wait3A_254 = tpu.memref_slice %arg11[%run_scoped3A_196, %dma_wait3A_252, %dma_wait3A_253] : memref<2x40x128xf32, #tpu.memory_space<vmem>> -> memref<1x40x128xf32, #tpu.memory_space<vmem>>
      %dma_wait3A_255 = tpu.memref_squeeze %dma_wait3A_254 : memref<1x40x128xf32, #tpu.memory_space<vmem>> -> memref<40x128xf32, #tpu.memory_space<vmem>>
      tpu.wait_dma2 semaphore(%run_scoped3A_227 : memref<!tpu.dma_semaphore, #tpu.memory_space<semaphore_mem>>) src(%dma_wait3A_255 : memref<40x128xf32, #tpu.memory_space<vmem>>) dst(%dma_wait3A_251 : memref<40x128xf32, #tpu.memory_space<hbm>>)
      tpu.yield
    }) : () -> ()
    %mul3A_197 = arith.constant 640 : i32
    %mul3A_198 = arith.muli %arg1, %mul3A_197 : i32
    %add3A_199 = arith.constant 440 : i32
    %add3A_200 = arith.addi %mul3A_198, %add3A_199 : i32
    %run_scoped3A_201 = arith.constant 0 : i32
    "tpu.region"() ({
      %run_scoped3A_227 = tpu.sem_alloc : memref<!tpu.dma_semaphore, #tpu.memory_space<semaphore_mem>>
      %dma_start3A_228 = arith.constant 0 : i32
      %dma_start3A_229 = arith.constant 0 : i32
      %dma_start3A_230 = tpu.memref_slice %arg11[%run_scoped3A_201, %dma_start3A_228, %dma_start3A_229] : memref<2x40x128xf32, #tpu.memory_space<vmem>> -> memref<1x40x128xf32, #tpu.memory_space<vmem>>
      %dma_start3A_231 = tpu.memref_squeeze %dma_start3A_230 : memref<1x40x128xf32, #tpu.memory_space<vmem>> -> memref<40x128xf32, #tpu.memory_space<vmem>>
      %dma_start3A_232 = arith.constant 0 : i32
      %dma_start3A_233 = tpu.memref_slice %arg12[%add3A_200, %dma_start3A_232] : memref<10240x128xf32, #tpu.memory_space<vmem_shared>> -> memref<40x128xf32, #tpu.memory_space<vmem_shared>>
      %dma_start3A_234 = arith.constant 0 : i32
      %dma_start3A_235 = arith.constant 0 : i32
      %dma_start3A_236 = tpu.memref_slice %arg11[%run_scoped3A_201, %dma_start3A_234, %dma_start3A_235] : memref<2x40x128xf32, #tpu.memory_space<vmem>> -> memref<1x40x128xf32, #tpu.memory_space<vmem>>
      %dma_start3A_237 = tpu.memref_squeeze %dma_start3A_236 : memref<1x40x128xf32, #tpu.memory_space<vmem>> -> memref<40x128xf32, #tpu.memory_space<vmem>>
      %dma_start3A_238 = arith.constant 0 : i32
      %dma_start3A_239 = tpu.memref_slice %arg12[%add3A_200, %dma_start3A_238] : memref<10240x128xf32, #tpu.memory_space<vmem_shared>> -> memref<40x128xf32, #tpu.memory_space<vmem_shared>>
      tpu.enqueue_dma source(%dma_start3A_239 : memref<40x128xf32, #tpu.memory_space<vmem_shared>>) target(%dma_start3A_237 : memref<40x128xf32, #tpu.memory_space<vmem>>) target_semaphore(%run_scoped3A_227 : memref<!tpu.dma_semaphore, #tpu.memory_space<semaphore_mem>>)
      %dma_wait3A_240 = arith.constant 0 : i32
      %dma_wait3A_241 = arith.constant 0 : i32
      %dma_wait3A_242 = tpu.memref_slice %arg11[%run_scoped3A_201, %dma_wait3A_240, %dma_wait3A_241] : memref<2x40x128xf32, #tpu.memory_space<vmem>> -> memref<1x40x128xf32, #tpu.memory_space<vmem>>
      %dma_wait3A_243 = tpu.memref_squeeze %dma_wait3A_242 : memref<1x40x128xf32, #tpu.memory_space<vmem>> -> memref<40x128xf32, #tpu.memory_space<vmem>>
      %dma_wait3A_244 = arith.constant 0 : i32
      %dma_wait3A_245 = tpu.memref_slice %arg12[%add3A_200, %dma_wait3A_244] : memref<10240x128xf32, #tpu.memory_space<vmem_shared>> -> memref<40x128xf32, #tpu.memory_space<vmem_shared>>
      %dma_wait3A_246 = arith.constant 0 : i32
      %dma_wait3A_247 = arith.constant 0 : i32
      %dma_wait3A_248 = tpu.memref_slice %arg11[%run_scoped3A_201, %dma_wait3A_246, %dma_wait3A_247] : memref<2x40x128xf32, #tpu.memory_space<vmem>> -> memref<1x40x128xf32, #tpu.memory_space<vmem>>
      %dma_wait3A_249 = tpu.memref_squeeze %dma_wait3A_248 : memref<1x40x128xf32, #tpu.memory_space<vmem>> -> memref<40x128xf32, #tpu.memory_space<vmem>>
      %dma_wait3A_250 = arith.constant 0 : i32
      %dma_wait3A_251 = tpu.memref_slice %arg12[%add3A_200, %dma_wait3A_250] : memref<10240x128xf32, #tpu.memory_space<vmem_shared>> -> memref<40x128xf32, #tpu.memory_space<vmem_shared>>
      tpu.wait_dma2 semaphore(%run_scoped3A_227 : memref<!tpu.dma_semaphore, #tpu.memory_space<semaphore_mem>>) src(%dma_wait3A_251 : memref<40x128xf32, #tpu.memory_space<vmem_shared>>) dst(%dma_wait3A_249 : memref<40x128xf32, #tpu.memory_space<vmem>>)
      tpu.yield
    }) : () -> ()
    %run_scoped3A_202 = arith.constant 0 : i32
    "tpu.region"() ({
      %run_scoped3A_227 = tpu.sem_alloc : memref<!tpu.dma_semaphore, #tpu.memory_space<semaphore_mem>>
      %dma_start3A_228 = arith.constant 0 : i32
      %dma_start3A_229 = arith.constant 0 : i32
      %dma_start3A_230 = tpu.memref_slice %arg11[%run_scoped3A_202, %dma_start3A_228, %dma_start3A_229] : memref<2x40x128xf32, #tpu.memory_space<vmem>> -> memref<1x40x128xf32, #tpu.memory_space<vmem>>
      %dma_start3A_231 = tpu.memref_squeeze %dma_start3A_230 : memref<1x40x128xf32, #tpu.memory_space<vmem>> -> memref<40x128xf32, #tpu.memory_space<vmem>>
      %dma_start3A_232 = arith.constant 0 : i32
      %dma_start3A_233 = tpu.memref_slice %arg7[%arg0, %add3A_200, %dma_start3A_232] : memref<2x10240x128xf32, #tpu.memory_space<hbm>> -> memref<1x40x128xf32, #tpu.memory_space<hbm>>
      %dma_start3A_234 = tpu.memref_squeeze %dma_start3A_233 : memref<1x40x128xf32, #tpu.memory_space<hbm>> -> memref<40x128xf32, #tpu.memory_space<hbm>>
      %dma_start3A_235 = arith.constant 0 : i32
      %dma_start3A_236 = tpu.memref_slice %arg7[%arg0, %add3A_200, %dma_start3A_235] : memref<2x10240x128xf32, #tpu.memory_space<hbm>> -> memref<1x40x128xf32, #tpu.memory_space<hbm>>
      %dma_start3A_237 = tpu.memref_squeeze %dma_start3A_236 : memref<1x40x128xf32, #tpu.memory_space<hbm>> -> memref<40x128xf32, #tpu.memory_space<hbm>>
      %dma_start3A_238 = arith.constant 0 : i32
      %dma_start3A_239 = arith.constant 0 : i32
      %dma_start3A_240 = tpu.memref_slice %arg11[%run_scoped3A_202, %dma_start3A_238, %dma_start3A_239] : memref<2x40x128xf32, #tpu.memory_space<vmem>> -> memref<1x40x128xf32, #tpu.memory_space<vmem>>
      %dma_start3A_241 = tpu.memref_squeeze %dma_start3A_240 : memref<1x40x128xf32, #tpu.memory_space<vmem>> -> memref<40x128xf32, #tpu.memory_space<vmem>>
      tpu.enqueue_dma source(%dma_start3A_241 : memref<40x128xf32, #tpu.memory_space<vmem>>) target(%dma_start3A_237 : memref<40x128xf32, #tpu.memory_space<hbm>>) target_semaphore(%run_scoped3A_227 : memref<!tpu.dma_semaphore, #tpu.memory_space<semaphore_mem>>)
      %dma_wait3A_242 = arith.constant 0 : i32
      %dma_wait3A_243 = arith.constant 0 : i32
      %dma_wait3A_244 = tpu.memref_slice %arg11[%run_scoped3A_202, %dma_wait3A_242, %dma_wait3A_243] : memref<2x40x128xf32, #tpu.memory_space<vmem>> -> memref<1x40x128xf32, #tpu.memory_space<vmem>>
      %dma_wait3A_245 = tpu.memref_squeeze %dma_wait3A_244 : memref<1x40x128xf32, #tpu.memory_space<vmem>> -> memref<40x128xf32, #tpu.memory_space<vmem>>
      %dma_wait3A_246 = arith.constant 0 : i32
      %dma_wait3A_247 = tpu.memref_slice %arg7[%arg0, %add3A_200, %dma_wait3A_246] : memref<2x10240x128xf32, #tpu.memory_space<hbm>> -> memref<1x40x128xf32, #tpu.memory_space<hbm>>
      %dma_wait3A_248 = tpu.memref_squeeze %dma_wait3A_247 : memref<1x40x128xf32, #tpu.memory_space<hbm>> -> memref<40x128xf32, #tpu.memory_space<hbm>>
      %dma_wait3A_249 = arith.constant 0 : i32
      %dma_wait3A_250 = tpu.memref_slice %arg7[%arg0, %add3A_200, %dma_wait3A_249] : memref<2x10240x128xf32, #tpu.memory_space<hbm>> -> memref<1x40x128xf32, #tpu.memory_space<hbm>>
      %dma_wait3A_251 = tpu.memref_squeeze %dma_wait3A_250 : memref<1x40x128xf32, #tpu.memory_space<hbm>> -> memref<40x128xf32, #tpu.memory_space<hbm>>
      %dma_wait3A_252 = arith.constant 0 : i32
      %dma_wait3A_253 = arith.constant 0 : i32
      %dma_wait3A_254 = tpu.memref_slice %arg11[%run_scoped3A_202, %dma_wait3A_252, %dma_wait3A_253] : memref<2x40x128xf32, #tpu.memory_space<vmem>> -> memref<1x40x128xf32, #tpu.memory_space<vmem>>
      %dma_wait3A_255 = tpu.memref_squeeze %dma_wait3A_254 : memref<1x40x128xf32, #tpu.memory_space<vmem>> -> memref<40x128xf32, #tpu.memory_space<vmem>>
      tpu.wait_dma2 semaphore(%run_scoped3A_227 : memref<!tpu.dma_semaphore, #tpu.memory_space<semaphore_mem>>) src(%dma_wait3A_255 : memref<40x128xf32, #tpu.memory_space<vmem>>) dst(%dma_wait3A_251 : memref<40x128xf32, #tpu.memory_space<hbm>>)
      tpu.yield
    }) : () -> ()
    %mul3A_203 = arith.constant 640 : i32
    %mul3A_204 = arith.muli %arg1, %mul3A_203 : i32
    %add3A_205 = arith.constant 480 : i32
    %add3A_206 = arith.addi %mul3A_204, %add3A_205 : i32
    %run_scoped3A_207 = arith.constant 0 : i32
    "tpu.region"() ({
      %run_scoped3A_227 = tpu.sem_alloc : memref<!tpu.dma_semaphore, #tpu.memory_space<semaphore_mem>>
      %dma_start3A_228 = arith.constant 0 : i32
      %dma_start3A_229 = arith.constant 0 : i32
      %dma_start3A_230 = tpu.memref_slice %arg11[%run_scoped3A_207, %dma_start3A_228, %dma_start3A_229] : memref<2x40x128xf32, #tpu.memory_space<vmem>> -> memref<1x40x128xf32, #tpu.memory_space<vmem>>
      %dma_start3A_231 = tpu.memref_squeeze %dma_start3A_230 : memref<1x40x128xf32, #tpu.memory_space<vmem>> -> memref<40x128xf32, #tpu.memory_space<vmem>>
      %dma_start3A_232 = arith.constant 0 : i32
      %dma_start3A_233 = tpu.memref_slice %arg12[%add3A_206, %dma_start3A_232] : memref<10240x128xf32, #tpu.memory_space<vmem_shared>> -> memref<40x128xf32, #tpu.memory_space<vmem_shared>>
      %dma_start3A_234 = arith.constant 0 : i32
      %dma_start3A_235 = arith.constant 0 : i32
      %dma_start3A_236 = tpu.memref_slice %arg11[%run_scoped3A_207, %dma_start3A_234, %dma_start3A_235] : memref<2x40x128xf32, #tpu.memory_space<vmem>> -> memref<1x40x128xf32, #tpu.memory_space<vmem>>
      %dma_start3A_237 = tpu.memref_squeeze %dma_start3A_236 : memref<1x40x128xf32, #tpu.memory_space<vmem>> -> memref<40x128xf32, #tpu.memory_space<vmem>>
      %dma_start3A_238 = arith.constant 0 : i32
      %dma_start3A_239 = tpu.memref_slice %arg12[%add3A_206, %dma_start3A_238] : memref<10240x128xf32, #tpu.memory_space<vmem_shared>> -> memref<40x128xf32, #tpu.memory_space<vmem_shared>>
      tpu.enqueue_dma source(%dma_start3A_239 : memref<40x128xf32, #tpu.memory_space<vmem_shared>>) target(%dma_start3A_237 : memref<40x128xf32, #tpu.memory_space<vmem>>) target_semaphore(%run_scoped3A_227 : memref<!tpu.dma_semaphore, #tpu.memory_space<semaphore_mem>>)
      %dma_wait3A_240 = arith.constant 0 : i32
      %dma_wait3A_241 = arith.constant 0 : i32
      %dma_wait3A_242 = tpu.memref_slice %arg11[%run_scoped3A_207, %dma_wait3A_240, %dma_wait3A_241] : memref<2x40x128xf32, #tpu.memory_space<vmem>> -> memref<1x40x128xf32, #tpu.memory_space<vmem>>
      %dma_wait3A_243 = tpu.memref_squeeze %dma_wait3A_242 : memref<1x40x128xf32, #tpu.memory_space<vmem>> -> memref<40x128xf32, #tpu.memory_space<vmem>>
      %dma_wait3A_244 = arith.constant 0 : i32
      %dma_wait3A_245 = tpu.memref_slice %arg12[%add3A_206, %dma_wait3A_244] : memref<10240x128xf32, #tpu.memory_space<vmem_shared>> -> memref<40x128xf32, #tpu.memory_space<vmem_shared>>
      %dma_wait3A_246 = arith.constant 0 : i32
      %dma_wait3A_247 = arith.constant 0 : i32
      %dma_wait3A_248 = tpu.memref_slice %arg11[%run_scoped3A_207, %dma_wait3A_246, %dma_wait3A_247] : memref<2x40x128xf32, #tpu.memory_space<vmem>> -> memref<1x40x128xf32, #tpu.memory_space<vmem>>
      %dma_wait3A_249 = tpu.memref_squeeze %dma_wait3A_248 : memref<1x40x128xf32, #tpu.memory_space<vmem>> -> memref<40x128xf32, #tpu.memory_space<vmem>>
      %dma_wait3A_250 = arith.constant 0 : i32
      %dma_wait3A_251 = tpu.memref_slice %arg12[%add3A_206, %dma_wait3A_250] : memref<10240x128xf32, #tpu.memory_space<vmem_shared>> -> memref<40x128xf32, #tpu.memory_space<vmem_shared>>
      tpu.wait_dma2 semaphore(%run_scoped3A_227 : memref<!tpu.dma_semaphore, #tpu.memory_space<semaphore_mem>>) src(%dma_wait3A_251 : memref<40x128xf32, #tpu.memory_space<vmem_shared>>) dst(%dma_wait3A_249 : memref<40x128xf32, #tpu.memory_space<vmem>>)
      tpu.yield
    }) : () -> ()
    %run_scoped3A_208 = arith.constant 0 : i32
    "tpu.region"() ({
      %run_scoped3A_227 = tpu.sem_alloc : memref<!tpu.dma_semaphore, #tpu.memory_space<semaphore_mem>>
      %dma_start3A_228 = arith.constant 0 : i32
      %dma_start3A_229 = arith.constant 0 : i32
      %dma_start3A_230 = tpu.memref_slice %arg11[%run_scoped3A_208, %dma_start3A_228, %dma_start3A_229] : memref<2x40x128xf32, #tpu.memory_space<vmem>> -> memref<1x40x128xf32, #tpu.memory_space<vmem>>
      %dma_start3A_231 = tpu.memref_squeeze %dma_start3A_230 : memref<1x40x128xf32, #tpu.memory_space<vmem>> -> memref<40x128xf32, #tpu.memory_space<vmem>>
      %dma_start3A_232 = arith.constant 0 : i32
      %dma_start3A_233 = tpu.memref_slice %arg7[%arg0, %add3A_206, %dma_start3A_232] : memref<2x10240x128xf32, #tpu.memory_space<hbm>> -> memref<1x40x128xf32, #tpu.memory_space<hbm>>
      %dma_start3A_234 = tpu.memref_squeeze %dma_start3A_233 : memref<1x40x128xf32, #tpu.memory_space<hbm>> -> memref<40x128xf32, #tpu.memory_space<hbm>>
      %dma_start3A_235 = arith.constant 0 : i32
      %dma_start3A_236 = tpu.memref_slice %arg7[%arg0, %add3A_206, %dma_start3A_235] : memref<2x10240x128xf32, #tpu.memory_space<hbm>> -> memref<1x40x128xf32, #tpu.memory_space<hbm>>
      %dma_start3A_237 = tpu.memref_squeeze %dma_start3A_236 : memref<1x40x128xf32, #tpu.memory_space<hbm>> -> memref<40x128xf32, #tpu.memory_space<hbm>>
      %dma_start3A_238 = arith.constant 0 : i32
      %dma_start3A_239 = arith.constant 0 : i32
      %dma_start3A_240 = tpu.memref_slice %arg11[%run_scoped3A_208, %dma_start3A_238, %dma_start3A_239] : memref<2x40x128xf32, #tpu.memory_space<vmem>> -> memref<1x40x128xf32, #tpu.memory_space<vmem>>
      %dma_start3A_241 = tpu.memref_squeeze %dma_start3A_240 : memref<1x40x128xf32, #tpu.memory_space<vmem>> -> memref<40x128xf32, #tpu.memory_space<vmem>>
      tpu.enqueue_dma source(%dma_start3A_241 : memref<40x128xf32, #tpu.memory_space<vmem>>) target(%dma_start3A_237 : memref<40x128xf32, #tpu.memory_space<hbm>>) target_semaphore(%run_scoped3A_227 : memref<!tpu.dma_semaphore, #tpu.memory_space<semaphore_mem>>)
      %dma_wait3A_242 = arith.constant 0 : i32
      %dma_wait3A_243 = arith.constant 0 : i32
      %dma_wait3A_244 = tpu.memref_slice %arg11[%run_scoped3A_208, %dma_wait3A_242, %dma_wait3A_243] : memref<2x40x128xf32, #tpu.memory_space<vmem>> -> memref<1x40x128xf32, #tpu.memory_space<vmem>>
      %dma_wait3A_245 = tpu.memref_squeeze %dma_wait3A_244 : memref<1x40x128xf32, #tpu.memory_space<vmem>> -> memref<40x128xf32, #tpu.memory_space<vmem>>
      %dma_wait3A_246 = arith.constant 0 : i32
      %dma_wait3A_247 = tpu.memref_slice %arg7[%arg0, %add3A_206, %dma_wait3A_246] : memref<2x10240x128xf32, #tpu.memory_space<hbm>> -> memref<1x40x128xf32, #tpu.memory_space<hbm>>
      %dma_wait3A_248 = tpu.memref_squeeze %dma_wait3A_247 : memref<1x40x128xf32, #tpu.memory_space<hbm>> -> memref<40x128xf32, #tpu.memory_space<hbm>>
      %dma_wait3A_249 = arith.constant 0 : i32
      %dma_wait3A_250 = tpu.memref_slice %arg7[%arg0, %add3A_206, %dma_wait3A_249] : memref<2x10240x128xf32, #tpu.memory_space<hbm>> -> memref<1x40x128xf32, #tpu.memory_space<hbm>>
      %dma_wait3A_251 = tpu.memref_squeeze %dma_wait3A_250 : memref<1x40x128xf32, #tpu.memory_space<hbm>> -> memref<40x128xf32, #tpu.memory_space<hbm>>
      %dma_wait3A_252 = arith.constant 0 : i32
      %dma_wait3A_253 = arith.constant 0 : i32
      %dma_wait3A_254 = tpu.memref_slice %arg11[%run_scoped3A_208, %dma_wait3A_252, %dma_wait3A_253] : memref<2x40x128xf32, #tpu.memory_space<vmem>> -> memref<1x40x128xf32, #tpu.memory_space<vmem>>
      %dma_wait3A_255 = tpu.memref_squeeze %dma_wait3A_254 : memref<1x40x128xf32, #tpu.memory_space<vmem>> -> memref<40x128xf32, #tpu.memory_space<vmem>>
      tpu.wait_dma2 semaphore(%run_scoped3A_227 : memref<!tpu.dma_semaphore, #tpu.memory_space<semaphore_mem>>) src(%dma_wait3A_255 : memref<40x128xf32, #tpu.memory_space<vmem>>) dst(%dma_wait3A_251 : memref<40x128xf32, #tpu.memory_space<hbm>>)
      tpu.yield
    }) : () -> ()
    %mul3A_209 = arith.constant 640 : i32
    %mul3A_210 = arith.muli %arg1, %mul3A_209 : i32
    %add3A_211 = arith.constant 520 : i32
    %add3A_212 = arith.addi %mul3A_210, %add3A_211 : i32
    %run_scoped3A_213 = arith.constant 0 : i32
    "tpu.region"() ({
      %run_scoped3A_227 = tpu.sem_alloc : memref<!tpu.dma_semaphore, #tpu.memory_space<semaphore_mem>>
      %dma_start3A_228 = arith.constant 0 : i32
      %dma_start3A_229 = arith.constant 0 : i32
      %dma_start3A_230 = tpu.memref_slice %arg11[%run_scoped3A_213, %dma_start3A_228, %dma_start3A_229] : memref<2x40x128xf32, #tpu.memory_space<vmem>> -> memref<1x40x128xf32, #tpu.memory_space<vmem>>
      %dma_start3A_231 = tpu.memref_squeeze %dma_start3A_230 : memref<1x40x128xf32, #tpu.memory_space<vmem>> -> memref<40x128xf32, #tpu.memory_space<vmem>>
      %dma_start3A_232 = arith.constant 0 : i32
      %dma_start3A_233 = tpu.memref_slice %arg12[%add3A_212, %dma_start3A_232] : memref<10240x128xf32, #tpu.memory_space<vmem_shared>> -> memref<40x128xf32, #tpu.memory_space<vmem_shared>>
      %dma_start3A_234 = arith.constant 0 : i32
      %dma_start3A_235 = arith.constant 0 : i32
      %dma_start3A_236 = tpu.memref_slice %arg11[%run_scoped3A_213, %dma_start3A_234, %dma_start3A_235] : memref<2x40x128xf32, #tpu.memory_space<vmem>> -> memref<1x40x128xf32, #tpu.memory_space<vmem>>
      %dma_start3A_237 = tpu.memref_squeeze %dma_start3A_236 : memref<1x40x128xf32, #tpu.memory_space<vmem>> -> memref<40x128xf32, #tpu.memory_space<vmem>>
      %dma_start3A_238 = arith.constant 0 : i32
      %dma_start3A_239 = tpu.memref_slice %arg12[%add3A_212, %dma_start3A_238] : memref<10240x128xf32, #tpu.memory_space<vmem_shared>> -> memref<40x128xf32, #tpu.memory_space<vmem_shared>>
      tpu.enqueue_dma source(%dma_start3A_239 : memref<40x128xf32, #tpu.memory_space<vmem_shared>>) target(%dma_start3A_237 : memref<40x128xf32, #tpu.memory_space<vmem>>) target_semaphore(%run_scoped3A_227 : memref<!tpu.dma_semaphore, #tpu.memory_space<semaphore_mem>>)
      %dma_wait3A_240 = arith.constant 0 : i32
      %dma_wait3A_241 = arith.constant 0 : i32
      %dma_wait3A_242 = tpu.memref_slice %arg11[%run_scoped3A_213, %dma_wait3A_240, %dma_wait3A_241] : memref<2x40x128xf32, #tpu.memory_space<vmem>> -> memref<1x40x128xf32, #tpu.memory_space<vmem>>
      %dma_wait3A_243 = tpu.memref_squeeze %dma_wait3A_242 : memref<1x40x128xf32, #tpu.memory_space<vmem>> -> memref<40x128xf32, #tpu.memory_space<vmem>>
      %dma_wait3A_244 = arith.constant 0 : i32
      %dma_wait3A_245 = tpu.memref_slice %arg12[%add3A_212, %dma_wait3A_244] : memref<10240x128xf32, #tpu.memory_space<vmem_shared>> -> memref<40x128xf32, #tpu.memory_space<vmem_shared>>
      %dma_wait3A_246 = arith.constant 0 : i32
      %dma_wait3A_247 = arith.constant 0 : i32
      %dma_wait3A_248 = tpu.memref_slice %arg11[%run_scoped3A_213, %dma_wait3A_246, %dma_wait3A_247] : memref<2x40x128xf32, #tpu.memory_space<vmem>> -> memref<1x40x128xf32, #tpu.memory_space<vmem>>
      %dma_wait3A_249 = tpu.memref_squeeze %dma_wait3A_248 : memref<1x40x128xf32, #tpu.memory_space<vmem>> -> memref<40x128xf32, #tpu.memory_space<vmem>>
      %dma_wait3A_250 = arith.constant 0 : i32
      %dma_wait3A_251 = tpu.memref_slice %arg12[%add3A_212, %dma_wait3A_250] : memref<10240x128xf32, #tpu.memory_space<vmem_shared>> -> memref<40x128xf32, #tpu.memory_space<vmem_shared>>
      tpu.wait_dma2 semaphore(%run_scoped3A_227 : memref<!tpu.dma_semaphore, #tpu.memory_space<semaphore_mem>>) src(%dma_wait3A_251 : memref<40x128xf32, #tpu.memory_space<vmem_shared>>) dst(%dma_wait3A_249 : memref<40x128xf32, #tpu.memory_space<vmem>>)
      tpu.yield
    }) : () -> ()
    %run_scoped3A_214 = arith.constant 0 : i32
    "tpu.region"() ({
      %run_scoped3A_227 = tpu.sem_alloc : memref<!tpu.dma_semaphore, #tpu.memory_space<semaphore_mem>>
      %dma_start3A_228 = arith.constant 0 : i32
      %dma_start3A_229 = arith.constant 0 : i32
      %dma_start3A_230 = tpu.memref_slice %arg11[%run_scoped3A_214, %dma_start3A_228, %dma_start3A_229] : memref<2x40x128xf32, #tpu.memory_space<vmem>> -> memref<1x40x128xf32, #tpu.memory_space<vmem>>
      %dma_start3A_231 = tpu.memref_squeeze %dma_start3A_230 : memref<1x40x128xf32, #tpu.memory_space<vmem>> -> memref<40x128xf32, #tpu.memory_space<vmem>>
      %dma_start3A_232 = arith.constant 0 : i32
      %dma_start3A_233 = tpu.memref_slice %arg7[%arg0, %add3A_212, %dma_start3A_232] : memref<2x10240x128xf32, #tpu.memory_space<hbm>> -> memref<1x40x128xf32, #tpu.memory_space<hbm>>
      %dma_start3A_234 = tpu.memref_squeeze %dma_start3A_233 : memref<1x40x128xf32, #tpu.memory_space<hbm>> -> memref<40x128xf32, #tpu.memory_space<hbm>>
      %dma_start3A_235 = arith.constant 0 : i32
      %dma_start3A_236 = tpu.memref_slice %arg7[%arg0, %add3A_212, %dma_start3A_235] : memref<2x10240x128xf32, #tpu.memory_space<hbm>> -> memref<1x40x128xf32, #tpu.memory_space<hbm>>
      %dma_start3A_237 = tpu.memref_squeeze %dma_start3A_236 : memref<1x40x128xf32, #tpu.memory_space<hbm>> -> memref<40x128xf32, #tpu.memory_space<hbm>>
      %dma_start3A_238 = arith.constant 0 : i32
      %dma_start3A_239 = arith.constant 0 : i32
      %dma_start3A_240 = tpu.memref_slice %arg11[%run_scoped3A_214, %dma_start3A_238, %dma_start3A_239] : memref<2x40x128xf32, #tpu.memory_space<vmem>> -> memref<1x40x128xf32, #tpu.memory_space<vmem>>
      %dma_start3A_241 = tpu.memref_squeeze %dma_start3A_240 : memref<1x40x128xf32, #tpu.memory_space<vmem>> -> memref<40x128xf32, #tpu.memory_space<vmem>>
      tpu.enqueue_dma source(%dma_start3A_241 : memref<40x128xf32, #tpu.memory_space<vmem>>) target(%dma_start3A_237 : memref<40x128xf32, #tpu.memory_space<hbm>>) target_semaphore(%run_scoped3A_227 : memref<!tpu.dma_semaphore, #tpu.memory_space<semaphore_mem>>)
      %dma_wait3A_242 = arith.constant 0 : i32
      %dma_wait3A_243 = arith.constant 0 : i32
      %dma_wait3A_244 = tpu.memref_slice %arg11[%run_scoped3A_214, %dma_wait3A_242, %dma_wait3A_243] : memref<2x40x128xf32, #tpu.memory_space<vmem>> -> memref<1x40x128xf32, #tpu.memory_space<vmem>>
      %dma_wait3A_245 = tpu.memref_squeeze %dma_wait3A_244 : memref<1x40x128xf32, #tpu.memory_space<vmem>> -> memref<40x128xf32, #tpu.memory_space<vmem>>
      %dma_wait3A_246 = arith.constant 0 : i32
      %dma_wait3A_247 = tpu.memref_slice %arg7[%arg0, %add3A_212, %dma_wait3A_246] : memref<2x10240x128xf32, #tpu.memory_space<hbm>> -> memref<1x40x128xf32, #tpu.memory_space<hbm>>
      %dma_wait3A_248 = tpu.memref_squeeze %dma_wait3A_247 : memref<1x40x128xf32, #tpu.memory_space<hbm>> -> memref<40x128xf32, #tpu.memory_space<hbm>>
      %dma_wait3A_249 = arith.constant 0 : i32
      %dma_wait3A_250 = tpu.memref_slice %arg7[%arg0, %add3A_212, %dma_wait3A_249] : memref<2x10240x128xf32, #tpu.memory_space<hbm>> -> memref<1x40x128xf32, #tpu.memory_space<hbm>>
      %dma_wait3A_251 = tpu.memref_squeeze %dma_wait3A_250 : memref<1x40x128xf32, #tpu.memory_space<hbm>> -> memref<40x128xf32, #tpu.memory_space<hbm>>
      %dma_wait3A_252 = arith.constant 0 : i32
      %dma_wait3A_253 = arith.constant 0 : i32
      %dma_wait3A_254 = tpu.memref_slice %arg11[%run_scoped3A_214, %dma_wait3A_252, %dma_wait3A_253] : memref<2x40x128xf32, #tpu.memory_space<vmem>> -> memref<1x40x128xf32, #tpu.memory_space<vmem>>
      %dma_wait3A_255 = tpu.memref_squeeze %dma_wait3A_254 : memref<1x40x128xf32, #tpu.memory_space<vmem>> -> memref<40x128xf32, #tpu.memory_space<vmem>>
      tpu.wait_dma2 semaphore(%run_scoped3A_227 : memref<!tpu.dma_semaphore, #tpu.memory_space<semaphore_mem>>) src(%dma_wait3A_255 : memref<40x128xf32, #tpu.memory_space<vmem>>) dst(%dma_wait3A_251 : memref<40x128xf32, #tpu.memory_space<hbm>>)
      tpu.yield
    }) : () -> ()
    %mul3A_215 = arith.constant 640 : i32
    %mul3A_216 = arith.muli %arg1, %mul3A_215 : i32
    %add3A_217 = arith.constant 560 : i32
    %add3A_218 = arith.addi %mul3A_216, %add3A_217 : i32
    %run_scoped3A_219 = arith.constant 0 : i32
    "tpu.region"() ({
      %run_scoped3A_227 = tpu.sem_alloc : memref<!tpu.dma_semaphore, #tpu.memory_space<semaphore_mem>>
      %dma_start3A_228 = arith.constant 0 : i32
      %dma_start3A_229 = arith.constant 0 : i32
      %dma_start3A_230 = tpu.memref_slice %arg11[%run_scoped3A_219, %dma_start3A_228, %dma_start3A_229] : memref<2x40x128xf32, #tpu.memory_space<vmem>> -> memref<1x40x128xf32, #tpu.memory_space<vmem>>
      %dma_start3A_231 = tpu.memref_squeeze %dma_start3A_230 : memref<1x40x128xf32, #tpu.memory_space<vmem>> -> memref<40x128xf32, #tpu.memory_space<vmem>>
      %dma_start3A_232 = arith.constant 0 : i32
      %dma_start3A_233 = tpu.memref_slice %arg12[%add3A_218, %dma_start3A_232] : memref<10240x128xf32, #tpu.memory_space<vmem_shared>> -> memref<40x128xf32, #tpu.memory_space<vmem_shared>>
      %dma_start3A_234 = arith.constant 0 : i32
      %dma_start3A_235 = arith.constant 0 : i32
      %dma_start3A_236 = tpu.memref_slice %arg11[%run_scoped3A_219, %dma_start3A_234, %dma_start3A_235] : memref<2x40x128xf32, #tpu.memory_space<vmem>> -> memref<1x40x128xf32, #tpu.memory_space<vmem>>
      %dma_start3A_237 = tpu.memref_squeeze %dma_start3A_236 : memref<1x40x128xf32, #tpu.memory_space<vmem>> -> memref<40x128xf32, #tpu.memory_space<vmem>>
      %dma_start3A_238 = arith.constant 0 : i32
      %dma_start3A_239 = tpu.memref_slice %arg12[%add3A_218, %dma_start3A_238] : memref<10240x128xf32, #tpu.memory_space<vmem_shared>> -> memref<40x128xf32, #tpu.memory_space<vmem_shared>>
      tpu.enqueue_dma source(%dma_start3A_239 : memref<40x128xf32, #tpu.memory_space<vmem_shared>>) target(%dma_start3A_237 : memref<40x128xf32, #tpu.memory_space<vmem>>) target_semaphore(%run_scoped3A_227 : memref<!tpu.dma_semaphore, #tpu.memory_space<semaphore_mem>>)
      %dma_wait3A_240 = arith.constant 0 : i32
      %dma_wait3A_241 = arith.constant 0 : i32
      %dma_wait3A_242 = tpu.memref_slice %arg11[%run_scoped3A_219, %dma_wait3A_240, %dma_wait3A_241] : memref<2x40x128xf32, #tpu.memory_space<vmem>> -> memref<1x40x128xf32, #tpu.memory_space<vmem>>
      %dma_wait3A_243 = tpu.memref_squeeze %dma_wait3A_242 : memref<1x40x128xf32, #tpu.memory_space<vmem>> -> memref<40x128xf32, #tpu.memory_space<vmem>>
      %dma_wait3A_244 = arith.constant 0 : i32
      %dma_wait3A_245 = tpu.memref_slice %arg12[%add3A_218, %dma_wait3A_244] : memref<10240x128xf32, #tpu.memory_space<vmem_shared>> -> memref<40x128xf32, #tpu.memory_space<vmem_shared>>
      %dma_wait3A_246 = arith.constant 0 : i32
      %dma_wait3A_247 = arith.constant 0 : i32
      %dma_wait3A_248 = tpu.memref_slice %arg11[%run_scoped3A_219, %dma_wait3A_246, %dma_wait3A_247] : memref<2x40x128xf32, #tpu.memory_space<vmem>> -> memref<1x40x128xf32, #tpu.memory_space<vmem>>
      %dma_wait3A_249 = tpu.memref_squeeze %dma_wait3A_248 : memref<1x40x128xf32, #tpu.memory_space<vmem>> -> memref<40x128xf32, #tpu.memory_space<vmem>>
      %dma_wait3A_250 = arith.constant 0 : i32
      %dma_wait3A_251 = tpu.memref_slice %arg12[%add3A_218, %dma_wait3A_250] : memref<10240x128xf32, #tpu.memory_space<vmem_shared>> -> memref<40x128xf32, #tpu.memory_space<vmem_shared>>
      tpu.wait_dma2 semaphore(%run_scoped3A_227 : memref<!tpu.dma_semaphore, #tpu.memory_space<semaphore_mem>>) src(%dma_wait3A_251 : memref<40x128xf32, #tpu.memory_space<vmem_shared>>) dst(%dma_wait3A_249 : memref<40x128xf32, #tpu.memory_space<vmem>>)
      tpu.yield
    }) : () -> ()
    %run_scoped3A_220 = arith.constant 0 : i32
    "tpu.region"() ({
      %run_scoped3A_227 = tpu.sem_alloc : memref<!tpu.dma_semaphore, #tpu.memory_space<semaphore_mem>>
      %dma_start3A_228 = arith.constant 0 : i32
      %dma_start3A_229 = arith.constant 0 : i32
      %dma_start3A_230 = tpu.memref_slice %arg11[%run_scoped3A_220, %dma_start3A_228, %dma_start3A_229] : memref<2x40x128xf32, #tpu.memory_space<vmem>> -> memref<1x40x128xf32, #tpu.memory_space<vmem>>
      %dma_start3A_231 = tpu.memref_squeeze %dma_start3A_230 : memref<1x40x128xf32, #tpu.memory_space<vmem>> -> memref<40x128xf32, #tpu.memory_space<vmem>>
      %dma_start3A_232 = arith.constant 0 : i32
      %dma_start3A_233 = tpu.memref_slice %arg7[%arg0, %add3A_218, %dma_start3A_232] : memref<2x10240x128xf32, #tpu.memory_space<hbm>> -> memref<1x40x128xf32, #tpu.memory_space<hbm>>
      %dma_start3A_234 = tpu.memref_squeeze %dma_start3A_233 : memref<1x40x128xf32, #tpu.memory_space<hbm>> -> memref<40x128xf32, #tpu.memory_space<hbm>>
      %dma_start3A_235 = arith.constant 0 : i32
      %dma_start3A_236 = tpu.memref_slice %arg7[%arg0, %add3A_218, %dma_start3A_235] : memref<2x10240x128xf32, #tpu.memory_space<hbm>> -> memref<1x40x128xf32, #tpu.memory_space<hbm>>
      %dma_start3A_237 = tpu.memref_squeeze %dma_start3A_236 : memref<1x40x128xf32, #tpu.memory_space<hbm>> -> memref<40x128xf32, #tpu.memory_space<hbm>>
      %dma_start3A_238 = arith.constant 0 : i32
      %dma_start3A_239 = arith.constant 0 : i32
      %dma_start3A_240 = tpu.memref_slice %arg11[%run_scoped3A_220, %dma_start3A_238, %dma_start3A_239] : memref<2x40x128xf32, #tpu.memory_space<vmem>> -> memref<1x40x128xf32, #tpu.memory_space<vmem>>
      %dma_start3A_241 = tpu.memref_squeeze %dma_start3A_240 : memref<1x40x128xf32, #tpu.memory_space<vmem>> -> memref<40x128xf32, #tpu.memory_space<vmem>>
      tpu.enqueue_dma source(%dma_start3A_241 : memref<40x128xf32, #tpu.memory_space<vmem>>) target(%dma_start3A_237 : memref<40x128xf32, #tpu.memory_space<hbm>>) target_semaphore(%run_scoped3A_227 : memref<!tpu.dma_semaphore, #tpu.memory_space<semaphore_mem>>)
      %dma_wait3A_242 = arith.constant 0 : i32
      %dma_wait3A_243 = arith.constant 0 : i32
      %dma_wait3A_244 = tpu.memref_slice %arg11[%run_scoped3A_220, %dma_wait3A_242, %dma_wait3A_243] : memref<2x40x128xf32, #tpu.memory_space<vmem>> -> memref<1x40x128xf32, #tpu.memory_space<vmem>>
      %dma_wait3A_245 = tpu.memref_squeeze %dma_wait3A_244 : memref<1x40x128xf32, #tpu.memory_space<vmem>> -> memref<40x128xf32, #tpu.memory_space<vmem>>
      %dma_wait3A_246 = arith.constant 0 : i32
      %dma_wait3A_247 = tpu.memref_slice %arg7[%arg0, %add3A_218, %dma_wait3A_246] : memref<2x10240x128xf32, #tpu.memory_space<hbm>> -> memref<1x40x128xf32, #tpu.memory_space<hbm>>
      %dma_wait3A_248 = tpu.memref_squeeze %dma_wait3A_247 : memref<1x40x128xf32, #tpu.memory_space<hbm>> -> memref<40x128xf32, #tpu.memory_space<hbm>>
      %dma_wait3A_249 = arith.constant 0 : i32
      %dma_wait3A_250 = tpu.memref_slice %arg7[%arg0, %add3A_218, %dma_wait3A_249] : memref<2x10240x128xf32, #tpu.memory_space<hbm>> -> memref<1x40x128xf32, #tpu.memory_space<hbm>>
      %dma_wait3A_251 = tpu.memref_squeeze %dma_wait3A_250 : memref<1x40x128xf32, #tpu.memory_space<hbm>> -> memref<40x128xf32, #tpu.memory_space<hbm>>
      %dma_wait3A_252 = arith.constant 0 : i32
      %dma_wait3A_253 = arith.constant 0 : i32
      %dma_wait3A_254 = tpu.memref_slice %arg11[%run_scoped3A_220, %dma_wait3A_252, %dma_wait3A_253] : memref<2x40x128xf32, #tpu.memory_space<vmem>> -> memref<1x40x128xf32, #tpu.memory_space<vmem>>
      %dma_wait3A_255 = tpu.memref_squeeze %dma_wait3A_254 : memref<1x40x128xf32, #tpu.memory_space<vmem>> -> memref<40x128xf32, #tpu.memory_space<vmem>>
      tpu.wait_dma2 semaphore(%run_scoped3A_227 : memref<!tpu.dma_semaphore, #tpu.memory_space<semaphore_mem>>) src(%dma_wait3A_255 : memref<40x128xf32, #tpu.memory_space<vmem>>) dst(%dma_wait3A_251 : memref<40x128xf32, #tpu.memory_space<hbm>>)
      tpu.yield
    }) : () -> ()
    %mul3A_221 = arith.constant 640 : i32
    %mul3A_222 = arith.muli %arg1, %mul3A_221 : i32
    %add3A_223 = arith.constant 600 : i32
    %add3A_224 = arith.addi %mul3A_222, %add3A_223 : i32
    %run_scoped3A_225 = arith.constant 0 : i32
    "tpu.region"() ({
      %run_scoped3A_227 = tpu.sem_alloc : memref<!tpu.dma_semaphore, #tpu.memory_space<semaphore_mem>>
      %dma_start3A_228 = arith.constant 0 : i32
      %dma_start3A_229 = arith.constant 0 : i32
      %dma_start3A_230 = tpu.memref_slice %arg11[%run_scoped3A_225, %dma_start3A_228, %dma_start3A_229] : memref<2x40x128xf32, #tpu.memory_space<vmem>> -> memref<1x40x128xf32, #tpu.memory_space<vmem>>
      %dma_start3A_231 = tpu.memref_squeeze %dma_start3A_230 : memref<1x40x128xf32, #tpu.memory_space<vmem>> -> memref<40x128xf32, #tpu.memory_space<vmem>>
      %dma_start3A_232 = arith.constant 0 : i32
      %dma_start3A_233 = tpu.memref_slice %arg12[%add3A_224, %dma_start3A_232] : memref<10240x128xf32, #tpu.memory_space<vmem_shared>> -> memref<40x128xf32, #tpu.memory_space<vmem_shared>>
      %dma_start3A_234 = arith.constant 0 : i32
      %dma_start3A_235 = arith.constant 0 : i32
      %dma_start3A_236 = tpu.memref_slice %arg11[%run_scoped3A_225, %dma_start3A_234, %dma_start3A_235] : memref<2x40x128xf32, #tpu.memory_space<vmem>> -> memref<1x40x128xf32, #tpu.memory_space<vmem>>
      %dma_start3A_237 = tpu.memref_squeeze %dma_start3A_236 : memref<1x40x128xf32, #tpu.memory_space<vmem>> -> memref<40x128xf32, #tpu.memory_space<vmem>>
      %dma_start3A_238 = arith.constant 0 : i32
      %dma_start3A_239 = tpu.memref_slice %arg12[%add3A_224, %dma_start3A_238] : memref<10240x128xf32, #tpu.memory_space<vmem_shared>> -> memref<40x128xf32, #tpu.memory_space<vmem_shared>>
      tpu.enqueue_dma source(%dma_start3A_239 : memref<40x128xf32, #tpu.memory_space<vmem_shared>>) target(%dma_start3A_237 : memref<40x128xf32, #tpu.memory_space<vmem>>) target_semaphore(%run_scoped3A_227 : memref<!tpu.dma_semaphore, #tpu.memory_space<semaphore_mem>>)
      %dma_wait3A_240 = arith.constant 0 : i32
      %dma_wait3A_241 = arith.constant 0 : i32
      %dma_wait3A_242 = tpu.memref_slice %arg11[%run_scoped3A_225, %dma_wait3A_240, %dma_wait3A_241] : memref<2x40x128xf32, #tpu.memory_space<vmem>> -> memref<1x40x128xf32, #tpu.memory_space<vmem>>
      %dma_wait3A_243 = tpu.memref_squeeze %dma_wait3A_242 : memref<1x40x128xf32, #tpu.memory_space<vmem>> -> memref<40x128xf32, #tpu.memory_space<vmem>>
      %dma_wait3A_244 = arith.constant 0 : i32
      %dma_wait3A_245 = tpu.memref_slice %arg12[%add3A_224, %dma_wait3A_244] : memref<10240x128xf32, #tpu.memory_space<vmem_shared>> -> memref<40x128xf32, #tpu.memory_space<vmem_shared>>
      %dma_wait3A_246 = arith.constant 0 : i32
      %dma_wait3A_247 = arith.constant 0 : i32
      %dma_wait3A_248 = tpu.memref_slice %arg11[%run_scoped3A_225, %dma_wait3A_246, %dma_wait3A_247] : memref<2x40x128xf32, #tpu.memory_space<vmem>> -> memref<1x40x128xf32, #tpu.memory_space<vmem>>
      %dma_wait3A_249 = tpu.memref_squeeze %dma_wait3A_248 : memref<1x40x128xf32, #tpu.memory_space<vmem>> -> memref<40x128xf32, #tpu.memory_space<vmem>>
      %dma_wait3A_250 = arith.constant 0 : i32
      %dma_wait3A_251 = tpu.memref_slice %arg12[%add3A_224, %dma_wait3A_250] : memref<10240x128xf32, #tpu.memory_space<vmem_shared>> -> memref<40x128xf32, #tpu.memory_space<vmem_shared>>
      tpu.wait_dma2 semaphore(%run_scoped3A_227 : memref<!tpu.dma_semaphore, #tpu.memory_space<semaphore_mem>>) src(%dma_wait3A_251 : memref<40x128xf32, #tpu.memory_space<vmem_shared>>) dst(%dma_wait3A_249 : memref<40x128xf32, #tpu.memory_space<vmem>>)
      tpu.yield
    }) : () -> ()
    %run_scoped3A_226 = arith.constant 0 : i32
    "tpu.region"() ({
      %run_scoped3A_227 = tpu.sem_alloc : memref<!tpu.dma_semaphore, #tpu.memory_space<semaphore_mem>>
      %dma_start3A_228 = arith.constant 0 : i32
      %dma_start3A_229 = arith.constant 0 : i32
      %dma_start3A_230 = tpu.memref_slice %arg11[%run_scoped3A_226, %dma_start3A_228, %dma_start3A_229] : memref<2x40x128xf32, #tpu.memory_space<vmem>> -> memref<1x40x128xf32, #tpu.memory_space<vmem>>
      %dma_start3A_231 = tpu.memref_squeeze %dma_start3A_230 : memref<1x40x128xf32, #tpu.memory_space<vmem>> -> memref<40x128xf32, #tpu.memory_space<vmem>>
      %dma_start3A_232 = arith.constant 0 : i32
      %dma_start3A_233 = tpu.memref_slice %arg7[%arg0, %add3A_224, %dma_start3A_232] : memref<2x10240x128xf32, #tpu.memory_space<hbm>> -> memref<1x40x128xf32, #tpu.memory_space<hbm>>
      %dma_start3A_234 = tpu.memref_squeeze %dma_start3A_233 : memref<1x40x128xf32, #tpu.memory_space<hbm>> -> memref<40x128xf32, #tpu.memory_space<hbm>>
      %dma_start3A_235 = arith.constant 0 : i32
      %dma_start3A_236 = tpu.memref_slice %arg7[%arg0, %add3A_224, %dma_start3A_235] : memref<2x10240x128xf32, #tpu.memory_space<hbm>> -> memref<1x40x128xf32, #tpu.memory_space<hbm>>
      %dma_start3A_237 = tpu.memref_squeeze %dma_start3A_236 : memref<1x40x128xf32, #tpu.memory_space<hbm>> -> memref<40x128xf32, #tpu.memory_space<hbm>>
      %dma_start3A_238 = arith.constant 0 : i32
      %dma_start3A_239 = arith.constant 0 : i32
      %dma_start3A_240 = tpu.memref_slice %arg11[%run_scoped3A_226, %dma_start3A_238, %dma_start3A_239] : memref<2x40x128xf32, #tpu.memory_space<vmem>> -> memref<1x40x128xf32, #tpu.memory_space<vmem>>
      %dma_start3A_241 = tpu.memref_squeeze %dma_start3A_240 : memref<1x40x128xf32, #tpu.memory_space<vmem>> -> memref<40x128xf32, #tpu.memory_space<vmem>>
      tpu.enqueue_dma source(%dma_start3A_241 : memref<40x128xf32, #tpu.memory_space<vmem>>) target(%dma_start3A_237 : memref<40x128xf32, #tpu.memory_space<hbm>>) target_semaphore(%run_scoped3A_227 : memref<!tpu.dma_semaphore, #tpu.memory_space<semaphore_mem>>)
      %dma_wait3A_242 = arith.constant 0 : i32
      %dma_wait3A_243 = arith.constant 0 : i32
      %dma_wait3A_244 = tpu.memref_slice %arg11[%run_scoped3A_226, %dma_wait3A_242, %dma_wait3A_243] : memref<2x40x128xf32, #tpu.memory_space<vmem>> -> memref<1x40x128xf32, #tpu.memory_space<vmem>>
      %dma_wait3A_245 = tpu.memref_squeeze %dma_wait3A_244 : memref<1x40x128xf32, #tpu.memory_space<vmem>> -> memref<40x128xf32, #tpu.memory_space<vmem>>
      %dma_wait3A_246 = arith.constant 0 : i32
      %dma_wait3A_247 = tpu.memref_slice %arg7[%arg0, %add3A_224, %dma_wait3A_246] : memref<2x10240x128xf32, #tpu.memory_space<hbm>> -> memref<1x40x128xf32, #tpu.memory_space<hbm>>
      %dma_wait3A_248 = tpu.memref_squeeze %dma_wait3A_247 : memref<1x40x128xf32, #tpu.memory_space<hbm>> -> memref<40x128xf32, #tpu.memory_space<hbm>>
      %dma_wait3A_249 = arith.constant 0 : i32
      %dma_wait3A_250 = tpu.memref_slice %arg7[%arg0, %add3A_224, %dma_wait3A_249] : memref<2x10240x128xf32, #tpu.memory_space<hbm>> -> memref<1x40x128xf32, #tpu.memory_space<hbm>>
      %dma_wait3A_251 = tpu.memref_squeeze %dma_wait3A_250 : memref<1x40x128xf32, #tpu.memory_space<hbm>> -> memref<40x128xf32, #tpu.memory_space<hbm>>
      %dma_wait3A_252 = arith.constant 0 : i32
      %dma_wait3A_253 = arith.constant 0 : i32
      %dma_wait3A_254 = tpu.memref_slice %arg11[%run_scoped3A_226, %dma_wait3A_252, %dma_wait3A_253] : memref<2x40x128xf32, #tpu.memory_space<vmem>> -> memref<1x40x128xf32, #tpu.memory_space<vmem>>
      %dma_wait3A_255 = tpu.memref_squeeze %dma_wait3A_254 : memref<1x40x128xf32, #tpu.memory_space<vmem>> -> memref<40x128xf32, #tpu.memory_space<vmem>>
      tpu.wait_dma2 semaphore(%run_scoped3A_227 : memref<!tpu.dma_semaphore, #tpu.memory_space<semaphore_mem>>) src(%dma_wait3A_255 : memref<40x128xf32, #tpu.memory_space<vmem>>) dst(%dma_wait3A_251 : memref<40x128xf32, #tpu.memory_space<hbm>>)
      tpu.yield
    }) : () -> ()
    return
  }
}

module attributes {stable_mosaic.version = 14 : i64} {
  func.func @_stage_a_body(%arg0: i32, %arg1: memref<256x128xf32, #tpu.memory_space<vmem>>, %arg2: memref<8000x16xf32, #tpu.memory_space<vmem>>, %arg3: memref<128x128xf32, #tpu.memory_space<vmem>>, %arg4: memref<16x128xf32, #tpu.memory_space<vmem>>, %arg5: memref<1x128xf32, #tpu.memory_space<vmem>>, %arg6: memref<256x128xf32, #tpu.memory_space<vmem>>, %arg7: memref<8000x128xf32, #tpu.memory_space<vmem>>) attributes {dimension_semantics = [#tpu.dimension_semantics<arbitrary>], iteration_bounds = array<i64: 40>, scalar_prefetch = 0 : i64, scratch_operands = 0 : i64, tpu.core_type = #tpu.core_type<tc>, window_params = [{transform_indices = @transform_0, window_bounds = array<i64: 256, 128>}, {transform_indices = @transform_1, window_bounds = array<i64: 8000, 16>}, {pipeline_mode = #tpu.pipeline_mode<synchronous>, transform_indices = @transform_2, window_bounds = array<i64: 128, 128>}, {pipeline_mode = #tpu.pipeline_mode<synchronous>, transform_indices = @transform_3, window_bounds = array<i64: 16, 128>}, {pipeline_mode = #tpu.pipeline_mode<synchronous>, transform_indices = @transform_4, window_bounds = array<i64: 1, 128>}, {transform_indices = @transform_5, window_bounds = array<i64: 256, 128>}, {transform_indices = @transform_6, window_bounds = array<i64: 8000, 128>}]} {
    %get3A = arith.constant 0 : index
    %get3A_0 = arith.constant 0 : index
    %get3A_1 = vector.load %arg1[%get3A, %get3A_0] : memref<256x128xf32, #tpu.memory_space<vmem>>, vector<256x128xf32>
    %get3A_2 = arith.constant 0 : index
    %get3A_3 = arith.constant 0 : index
    %get3A_4 = vector.load %arg3[%get3A_2, %get3A_3] : memref<128x128xf32, #tpu.memory_space<vmem>>, vector<128x128xf32>
    %dot_general3A = arith.constant dense<0.000000e+00> : vector<256x128xf32>
    %dot_general3A_5 = tpu.matmul %get3A_1, %get3A_4, %dot_general3A {dimension_numbers = #tpu.dot_dimension_numbers<[1], [0], [0], [1], [0, 0, 1, 1], [], []>, transpose_lhs_hint = false} : vector<256x128xf32>, vector<128x128xf32>, vector<256x128xf32> -> vector<256x128xf32>
    %swap3A = arith.constant 0 : index
    %swap3A_6 = arith.constant 0 : index
    %swap3A_7 = vector.load %arg6[%swap3A, %swap3A_6] : memref<256x128xf32, #tpu.memory_space<vmem>>, vector<256x128xf32>
    tpu.vector_store %arg6[%swap3A, %swap3A_6], %dot_general3A_5 {strides = array<i32>} : memref<256x128xf32, #tpu.memory_space<vmem>>, vector<256x128xf32>,
    %get3A_8 = arith.constant 0 : index
    %get3A_9 = arith.constant 0 : index
    %get3A_10 = vector.load %arg2[%get3A_8, %get3A_9] : memref<8000x16xf32, #tpu.memory_space<vmem>>, vector<8000x16xf32>
    %get3A_11 = arith.constant 0 : index
    %get3A_12 = arith.constant 0 : index
    %get3A_13 = vector.load %arg4[%get3A_11, %get3A_12] : memref<16x128xf32, #tpu.memory_space<vmem>>, vector<16x128xf32>
    %dot_general3A_14 = arith.constant dense<0.000000e+00> : vector<8000x128xf32>
    %dot_general3A_15 = tpu.matmul %get3A_10, %get3A_13, %dot_general3A_14 {dimension_numbers = #tpu.dot_dimension_numbers<[1], [0], [0], [1], [0, 0, 1, 1], [], []>, transpose_lhs_hint = false} : vector<8000x16xf32>, vector<16x128xf32>, vector<8000x128xf32> -> vector<8000x128xf32>
    %get3A_16 = arith.constant 0 : index
    %get3A_17 = arith.constant 0 : index
    %get3A_18 = vector.load %arg5[%get3A_16, %get3A_17] : memref<1x128xf32, #tpu.memory_space<vmem>>, vector<1x128xf32>
    %add3A = vector.broadcast %get3A_18 : vector<1x128xf32> to vector<8000x128xf32>
    %add3A_19 = arith.addf %dot_general3A_15, %add3A : vector<8000x128xf32>
    %swap3A_20 = arith.constant 0 : index
    %swap3A_21 = arith.constant 0 : index
    %swap3A_22 = vector.load %arg7[%swap3A_20, %swap3A_21] : memref<8000x128xf32, #tpu.memory_space<vmem>>, vector<8000x128xf32>
    tpu.vector_store %arg7[%swap3A_20, %swap3A_21], %add3A_19 {strides = array<i32>} : memref<8000x128xf32, #tpu.memory_space<vmem>>, vector<8000x128xf32>,
    return
  }
  func.func @transform_0(%arg0: i32) -> (i32, i32) {
    %c0_i32 = arith.constant 0 : i32
    %c0_i32_0 = arith.constant 0 : i32
    return %arg0, %c0_i32 : i32, i32
  }
  func.func @transform_1(%arg0: i32) -> (i32, i32) {
    %c0_i32 = arith.constant 0 : i32
    %c0_i32_0 = arith.constant 0 : i32
    return %arg0, %c0_i32 : i32, i32
  }
  func.func @transform_2(%arg0: i32) -> (i32, i32) {
    %c0_i32 = arith.constant 0 : i32
    %c0_i32_0 = arith.constant 0 : i32
    %c0_i32_1 = arith.constant 0 : i32
    return %c0_i32, %c0_i32_0 : i32, i32
  }
  func.func @transform_3(%arg0: i32) -> (i32, i32) {
    %c0_i32 = arith.constant 0 : i32
    %c0_i32_0 = arith.constant 0 : i32
    %c0_i32_1 = arith.constant 0 : i32
    return %c0_i32, %c0_i32_0 : i32, i32
  }
  func.func @transform_4(%arg0: i32) -> (i32, i32) {
    %c0_i32 = arith.constant 0 : i32
    %c0_i32_0 = arith.constant 0 : i32
    %c0_i32_1 = arith.constant 0 : i32
    return %c0_i32, %c0_i32_0 : i32, i32
  }
  func.func @transform_5(%arg0: i32) -> (i32, i32) {
    %c0_i32 = arith.constant 0 : i32
    %c0_i32_0 = arith.constant 0 : i32
    return %arg0, %c0_i32 : i32, i32
  }
  func.func @transform_6(%arg0: i32) -> (i32, i32) {
    %c0_i32 = arith.constant 0 : i32
    %c0_i32_0 = arith.constant 0 : i32
    return %arg0, %c0_i32 : i32, i32
  }
}

module attributes {stable_mosaic.version = 14 : i64} {
  func.func @_stage_c_body(%arg0: memref<2x10240x128xf32, #tpu.memory_space<vmem>>, %arg1: memref<10000x128xf32, #tpu.memory_space<vmem>>, %arg2: memref<128x128xf32, #tpu.memory_space<vmem>>, %arg3: memref<128x128xf32, #tpu.memory_space<vmem>>, %arg4: memref<1x128xf32, #tpu.memory_space<vmem>>, %arg5: memref<1x1xf32, #tpu.memory_space<vmem>>, %arg6: memref<1x128xf32, #tpu.memory_space<vmem>>, %arg7: memref<1x128xf32, #tpu.memory_space<vmem>>, %arg8: memref<10000x128xf32, #tpu.memory_space<vmem>>) attributes {dimension_semantics = [], scalar_prefetch = 0 : i64, scratch_operands = 0 : i64, tpu.core_type = #tpu.core_type<tc>} {
    %get3A = arith.constant 0 : index
    %get3A_0 = arith.constant 0 : index
    %get3A_1 = arith.constant 0 : index
    %get3A_2 = vector.load %arg0[%get3A, %get3A_0, %get3A_1] : memref<2x10240x128xf32, #tpu.memory_space<vmem>>, vector<1x10240x128xf32>
    %get3A_3 = vector.shape_cast %get3A_2 : vector<1x10240x128xf32> to vector<10240x128xf32>
    %get3A_4 = arith.constant 1 : index
    %get3A_5 = arith.constant 0 : index
    %get3A_6 = arith.constant 0 : index
    %get3A_7 = vector.load %arg0[%get3A_4, %get3A_5, %get3A_6] : memref<2x10240x128xf32, #tpu.memory_space<vmem>>, vector<1x10240x128xf32>
    %get3A_8 = vector.shape_cast %get3A_7 : vector<1x10240x128xf32> to vector<10240x128xf32>
    %add3A = arith.addf %get3A_3, %get3A_8 : vector<10240x128xf32>
    %slice3A = vector.extract_strided_slice %add3A {offsets = [0, 0], sizes = [10000, 128], strides = [1, 1]} : vector<10240x128xf32> to vector<10000x128xf32>
    %get3A_9 = arith.constant 0 : index
    %get3A_10 = arith.constant 0 : index
    %get3A_11 = vector.load %arg2[%get3A_9, %get3A_10] : memref<128x128xf32, #tpu.memory_space<vmem>>, vector<128x128xf32>
    %dot_general3A = arith.constant dense<0.000000e+00> : vector<10000x128xf32>
    %dot_general3A_12 = tpu.matmul %slice3A, %get3A_11, %dot_general3A {dimension_numbers = #tpu.dot_dimension_numbers<[1], [0], [0], [1], [0, 0, 1, 1], [], []>, transpose_lhs_hint = false} : vector<10000x128xf32>, vector<128x128xf32>, vector<10000x128xf32> -> vector<10000x128xf32>
    %get3A_13 = arith.constant 0 : index
    %get3A_14 = arith.constant 0 : index
    %get3A_15 = vector.load %arg1[%get3A_13, %get3A_14] : memref<10000x128xf32, #tpu.memory_space<vmem>>, vector<10000x128xf32>
    %get3A_16 = arith.constant 0 : index
    %get3A_17 = arith.constant 0 : index
    %get3A_18 = vector.load %arg3[%get3A_16, %get3A_17] : memref<128x128xf32, #tpu.memory_space<vmem>>, vector<128x128xf32>
    %dot_general3A_19 = arith.constant dense<0.000000e+00> : vector<10000x128xf32>
    %dot_general3A_20 = tpu.matmul %get3A_15, %get3A_18, %dot_general3A_19 {dimension_numbers = #tpu.dot_dimension_numbers<[1], [0], [0], [1], [0, 0, 1, 1], [], []>, transpose_lhs_hint = false} : vector<10000x128xf32>, vector<128x128xf32>, vector<10000x128xf32> -> vector<10000x128xf32>
    %add3A_21 = arith.addf %dot_general3A_12, %dot_general3A_20 : vector<10000x128xf32>
    %get3A_22 = arith.constant 0 : index
    %get3A_23 = arith.constant 0 : index
    %get3A_24 = vector.load %arg4[%get3A_22, %get3A_23] : memref<1x128xf32, #tpu.memory_space<vmem>>, vector<1x128xf32>
    %add3A_25 = vector.broadcast %get3A_24 : vector<1x128xf32> to vector<10000x128xf32>
    %add3A_26 = arith.addf %add3A_21, %add3A_25 : vector<10000x128xf32>
    %get3A_27 = arith.constant 0 : index
    %get3A_28 = arith.constant 0 : index
    %get3A_29 = vector.load %arg5[%get3A_27, %get3A_28] : memref<1x1xf32, #tpu.memory_space<vmem>>, vector<1x1xf32>
    %get3A_30 = vector.extract %get3A_29[0, 0] : f32 from vector<1x1xf32>
    %ge3A = arith.constant 0.000000e+00 : f32
    %ge3A_31 = vector.broadcast %ge3A : f32 to vector<10000x128xf32>
    %ge3A_32 = arith.cmpf oge, %add3A_26, %ge3A_31 : vector<10000x128xf32>
    %mul3A = vector.broadcast %get3A_30 : f32 to vector<10000x128xf32>
    %mul3A_33 = arith.mulf %mul3A, %add3A_26 : vector<10000x128xf32>
    %select_n3A = arith.select %ge3A_32, %add3A_26, %mul3A_33 : vector<10000x128xi1>, vector<10000x128xf32>
    %reduce_sum3A = arith.constant dense<0.000000e+00> : vector<128xf32>
    %reduce_sum3A_34 = vector.multi_reduction <add>, %select_n3A, %reduce_sum3A [0] : vector<10000x128xf32> to vector<128xf32>
    %broadcast_in_dim3A = vector.shape_cast %reduce_sum3A_34 : vector<128xf32> to vector<1x128xf32>
    %div3A = arith.constant 1.000000e+04 : f32
    %div3A_35 = vector.broadcast %div3A : f32 to vector<1x128xf32>
    %div3A_36 = arith.divf %broadcast_in_dim3A, %div3A_35 : vector<1x128xf32>
    %sub3A = vector.broadcast %div3A_36 : vector<1x128xf32> to vector<10000x128xf32>
    %sub3A_37 = arith.subf %select_n3A, %sub3A : vector<10000x128xf32>
    %integer_pow3A = arith.mulf %sub3A_37, %sub3A_37 : vector<10000x128xf32>
    %reduce_sum3A_38 = arith.constant dense<0.000000e+00> : vector<128xf32>
    %reduce_sum3A_39 = vector.multi_reduction <add>, %integer_pow3A, %reduce_sum3A_38 [0] : vector<10000x128xf32> to vector<128xf32>
    %broadcast_in_dim3A_40 = vector.shape_cast %reduce_sum3A_39 : vector<128xf32> to vector<1x128xf32>
    %div3A_41 = arith.constant 1.000000e+04 : f32
    %div3A_42 = vector.broadcast %div3A_41 : f32 to vector<1x128xf32>
    %div3A_43 = arith.divf %broadcast_in_dim3A_40, %div3A_42 : vector<1x128xf32>
    %sub3A_44 = vector.broadcast %div3A_36 : vector<1x128xf32> to vector<10000x128xf32>
    %sub3A_45 = arith.subf %select_n3A, %sub3A_44 : vector<10000x128xf32>
    %add3A_46 = arith.constant 9.99999974E-6 : f32
    %add3A_47 = vector.broadcast %add3A_46 : f32 to vector<1x128xf32>
    %add3A_48 = arith.addf %div3A_43, %add3A_47 : vector<1x128xf32>
    %sqrt3A = math.sqrt %add3A_48 : vector<1x128xf32>
    %div3A_49 = vector.broadcast %sqrt3A : vector<1x128xf32> to vector<10000x128xf32>
    %div3A_50 = arith.divf %sub3A_45, %div3A_49 : vector<10000x128xf32>
    %get3A_51 = arith.constant 0 : index
    %get3A_52 = arith.constant 0 : index
    %get3A_53 = vector.load %arg6[%get3A_51, %get3A_52] : memref<1x128xf32, #tpu.memory_space<vmem>>, vector<1x128xf32>
    %mul3A_54 = vector.broadcast %get3A_53 : vector<1x128xf32> to vector<10000x128xf32>
    %mul3A_55 = arith.mulf %div3A_50, %mul3A_54 : vector<10000x128xf32>
    %get3A_56 = arith.constant 0 : index
    %get3A_57 = arith.constant 0 : index
    %get3A_58 = vector.load %arg7[%get3A_56, %get3A_57] : memref<1x128xf32, #tpu.memory_space<vmem>>, vector<1x128xf32>
    %add3A_59 = vector.broadcast %get3A_58 : vector<1x128xf32> to vector<10000x128xf32>
    %add3A_60 = arith.addf %mul3A_55, %add3A_59 : vector<10000x128xf32>
    %swap3A = arith.constant 0 : index
    %swap3A_61 = arith.constant 0 : index
    %swap3A_62 = vector.load %arg8[%swap3A, %swap3A_61] : memref<10000x128xf32, #tpu.memory_space<vmem>>, vector<10000x128xf32>
    tpu.vector_store %arg8[%swap3A, %swap3A_61], %add3A_60 {strides = array<i32>} : memref<10000x128xf32, #tpu.memory_space<vmem>>, vector<10000x128xf32>,
    return
  }
}

</mosaic_0001>

<sc_bundles>
// kernel: kernel.5.cloned.1.call-start
scs
__scs_entry_jumppad:
0x0: {  	(pc) =	sbr.rel $0x88, $3  }
0x1: {  	(tag) =	ssettag $0x0;
	lr =	simm.s32 $0x1  }
0x2: {  	[smem:$0x3F95] =	sst lr;
	_ =	strace $0xD0000000  }
0x3: {  	_ = 	snop  }
0x4: {  	_ = 	snop  }
0x5: {  	_ = 	snop  }
0x6: {  	_ = 	snop  }
0x7: {  	_ = 	snop  }
__scs_overlays_trampoline_lowered:
0x8: {  	[smem:$0x3FA4] =	sst s0  }
0x9: {  	[smem:$0x3FA5] =	sst s1  }
0xa: {  	[smem:$0x3FA6] =	sst s2  }
0xb: {  	[smem:$0x3FA7] =	sst s3  }
0xc: {  	[smem:$0x3FA8] =	sst s4  }
0xd: {  	[smem:$0x3FA9] =	sst s5  }
0xe: {  	[smem:$0x3FAA] =	sst s6  }
0xf: {  	[smem:$0x3FAB] =	sst s7  }
0x10: {  	[smem:$0x3FAC] =	sst s8  }
0x11: {  	[smem:$0x3FAD] =	sst s9;
	s0 =	simm.s32 @!p0 $0x0  }
0x12: {  	s1 =	sld [smem:$0x3F93];
	s0 =	simm.s32 @p0 $0x1  }
0x13: {  	[smem:$0x3FAE] =	sst s0;
	s0 =	simm.s32 @!p1 $0x0  }
0x14: {  	s2 =	sld [smem:$0x3F92];
	s0 =	simm.s32 @p1 $0x1  }
0x15: {  	[smem:$0x3FAF] =	sst s0;
	s0 =	simm.s32 @!p2 $0x0  }
0x16: {  	s3 =	sld [smem:$0x3FDB];
	s0 =	simm.s32 @p2 $0x1  }
0x17: {  	s4 =	simm.s32 $0x1BF5;
	[smem:$0x3FB1] =	sst s0  }
0x18: {  	s0 =	sld [smem:$0x3F94];
	_ =	swait.ge [sflag:s4], $0x0  }
0x19: {  	s7 =	sld [smem:$0x3F95]  }
0x1a: {  	s8 =	sadd.s32 $0xFFFFE003, lr  }
0x1b: {  	s9 =	sadd.s32 $0xFFFFFEF7, lr;
	s5 =	simm.s32 $0xFFFFFFFF;
	p2 =	slt.u32 s8, $0xFFFFF086  }
0x1c: {  	p1 =	slt.u32 s9, $0xF7A;
	s5 =	simm.s32 @!p2 $0x0  }
0x1d: {  	s5 =	simm.s32 @p1 $0x1;
	p0 =	seq.s32 s7, s2  }
0x1e: {  	s7 =	smul.u32 @!p0 $0xF7A, s2;
	p2 =	seq.s32 @!p0 s5, $0x0  }
0x1f: {  	s9 =	smul.u32 $0xF7A, s1;
	s8 =	simm.s32 @!p0 $0x1BF5;
	p2 =	por !p2, p0  }
0x20: {  	[sflag:s8] =	ssyncset.s32 @!p0 $0xFFFFF086;
	s6 =	sadd.s32 @!p0 s3, s7;
	s7 =	simm.s32 @!p0 $0x108  }
0x21: {  	s3 =	sadd.s32 s3, s9;
	s6 =	sadd.s32 @!p0 $0x88, s6;
	s7 =	simm.s32 @p2 $0x1082  }
0x22: {  	[simem:s7], [sflag:s8] =	dma.local @!p0 [hbm:s6], $0xF7A  }
0x23: {  	s9 =	sor.u32 $0xD0000000, s2;
	s6 =	simm.s32 $0x108;
	_ =	swait.ge @!p0 [sflag:s8], $0x0  }
0x24: {  	s3 =	sadd.s32 $0x88, s3;
	s6 =	simm.s32 @!p1 $0x1082;
	[sflag:s4] =	ssyncset.s32 $0xFFFFF086  }
0x25: {  	[simem:s6], [sflag:s4] =	dma.local [hbm:s3], $0xF7A  }
0x26: {  	[smem:$0x3F95] =	sst s1;
	(tag) =	ssettag s2;
	_ =	strace s9  }
0x27: {  	s1 =	sld [smem:$0x3FA5]  }
0x28: {  	s2 =	sld [smem:$0x3FA6]  }
0x29: {  	s4 =	sld [smem:$0x3FA8]  }
0x2a: {  	p0 =	seq.s32 s5, $0x0;
	s5 =	sld [smem:$0x3FA9]  }
0x2b: {  	s6 =	sld [smem:$0x3FAA]  }
0x2c: {  	s7 =	sld [smem:$0x3FAB]  }
0x2d: {  	s3 =	simm.s32 $0x108;
	s8 =	sld [smem:$0x3FAC]  }
0x2e: {  	s3 =	simm.s32 @!p0 $0x1082;
	s9 =	sld [smem:$0x3FAD]  }
0x2f: {  	lr =	sadd.s32 s0, s3;
	s0 =	sld [smem:$0x3FA4]  }
0x30: {  	s3 =	sld [smem:$0x3FA7]  }
0x31: {  	[smem:$0x3FB0] =	sst s10  }
0x32: {  	s10 =	sld [smem:$0x3FAE];
	_ =	sdelay $0x3  }
0x33: {  	p0 =	seq.s32 s10, $0x1;
	s10 =	sld [smem:$0x3FB0];
	_ =	sdelay $0x3  }
0x34: {  	[smem:$0x3FB0] =	sst s10  }
0x35: {  	s10 =	sld [smem:$0x3FAF];
	_ =	sdelay $0x3  }
0x36: {  	p1 =	seq.s32 s10, $0x1;
	s10 =	sld [smem:$0x3FB0];
	_ =	sdelay $0x3  }
0x37: {  	[smem:$0x3FB0] =	sst s10  }
0x38: {  	s10 =	sld [smem:$0x3FB1]  }
0x39: {  	_ = 	snop;
	(pc) =	sbr.ind lr, $3  }
0x3a: {  	_ = 	snop  }
0x3b: {  	_ = 	snop  }
0x3c: {  	p2 =	seq.s32 s10, $0x1;
	s10 =	sld [smem:$0x3FB0]  }
0x3d: {  	_ =	shalt  }
0x3e: {  	_ =	shalt  }
0x3f: {  	_ =	shalt  }
0x40: {  	_ =	shalt  }
0x41: {  	_ =	shalt  }
0x42: {  	_ =	shalt  }
0x43: {  	_ =	shalt  }
0x44: {  	_ =	shalt  }
0x45: {  	_ =	shalt  }
0x46: {  	_ =	shalt  }
0x47: {  	_ =	shalt  }
0x48: {  	_ =	shalt  }
0x49: {  	_ =	shalt  }
0x4a: {  	_ =	shalt  }
0x4b: {  	_ =	shalt  }
0x4c: {  	_ =	shalt  }
0x4d: {  	_ =	shalt  }
0x4e: {  	_ =	shalt  }
0x4f: {  	_ =	shalt  }
0x50: {  	_ =	shalt  }
0x51: {  	_ =	shalt  }
0x52: {  	_ =	shalt  }
0x53: {  	_ =	shalt  }
0x54: {  	_ =	shalt  }
0x55: {  	_ =	shalt  }
0x56: {  	_ =	shalt  }
0x57: {  	_ =	shalt  }
0x58: {  	_ =	shalt  }
0x59: {  	_ =	shalt  }
0x5a: {  	_ =	shalt  }
0x5b: {  	_ =	shalt  }
0x5c: {  	_ =	shalt  }
0x5d: {  	_ =	shalt  }
0x5e: {  	_ =	shalt  }
0x5f: {  	_ =	shalt  }
0x60: {  	_ =	shalt  }
0x61: {  	_ =	shalt  }
0x62: {  	_ =	shalt  }
0x63: {  	_ =	shalt  }
0x64: {  	_ =	shalt  }
0x65: {  	_ =	shalt  }
0x66: {  	_ =	shalt  }
0x67: {  	_ =	shalt  }
0x68: {  	_ =	shalt  }
0x69: {  	_ =	shalt  }
0x6a: {  	_ =	shalt  }
0x6b: {  	_ =	shalt  }
0x6c: {  	_ =	shalt  }
0x6d: {  	_ =	shalt  }
0x6e: {  	_ =	shalt  }
0x6f: {  	_ =	shalt  }
0x70: {  	_ =	shalt  }
0x71: {  	_ =	shalt  }
0x72: {  	_ =	shalt  }
0x73: {  	_ =	shalt  }
0x74: {  	_ =	shalt  }
0x75: {  	_ =	shalt  }
0x76: {  	_ =	shalt  }
0x77: {  	_ =	shalt  }
0x78: {  	_ =	shalt  }
0x79: {  	_ =	shalt  }
0x7a: {  	_ =	shalt  }
0x7b: {  	_ =	shalt  }
0x7c: {  	_ =	shalt  }
0x7d: {  	_ =	shalt  }
0x7e: {  	_ =	shalt  }
0x7f: {  	_ =	shalt  }
0x80: {  	_ =	shalt  }
0x81: {  	_ =	shalt  }
0x82: {  	_ =	shalt  }
0x83: {  	_ =	shalt  }
0x84: {  	_ =	shalt  }
0x85: {  	_ =	shalt  }
0x86: {  	_ =	shalt  }
0x87: {  	_ =	shalt  }
.Lfunc_end0:
.L_simem_size_0:
called_computation_lowered:
.L_overlay_start_0:
0x88: {  	s2 =	sld [smem:$0x3FD9]  }
0x89: {  	s3 =	sld [smem:$0x3FFE];
	_ =	sdelay $0x1  }
0x8a: {  	s1 =	srdreg.scid  }
0x8b: {  	s0 =	sand.u32 $0x1, s1  }
0x8c: {  	s17 =	sshll.u32 s0, $0xA;
	s2 =	sadd.s32 s3, s2  }
0x8d: {  	s2 =	sadd.s32 s2, s17  }
0x8e: {  	[smem:$0x3FBC] =	sst s2  }
0x8f: {  	_ = 	snop  }
0x90: {  	s2 =	sld [smem:$0x3FD0];
	(tm) =	ssettm $0x1  }
0x91: {  	s18 =	sld [smem:$0x3FFB];
	_ =	sdelay $0x3  }
0x92: {  	_ =	strace s18  }
0x93: {  	s3 =	sld [smem:$0x3FFC];
	_ =	sdelay $0x3  }
0x94: {  	_ =	strace s3  }
0x95: {  	s3 =	sld [smem:$0x3FFD];
	_ =	sdelay $0x3  }
0x96: {  	_ =	strace s3  }
0x97: {  	_ =	strace $0x8FFFFFFF  }
0x98: {  	s19 =	sld [smem:$0x3FDB];
	_ =	sdelay $0x1  }
0x99: {  	s4 =	simm.s32 $_scs_section_size  }
0x9a: {  	s5 =	simm.s32 $_size__tile_overlayer_lowered;
	s6 =	simm.s32 $_tile_overlayer_lowered  }
0x9b: {  	s22 =	simm.s32 $0x1BFF;
	s21 =	sshll.u32 s6, $0x1;
	s3 =	sadd.s32 s4, s19  }
0x9c: {  	s7 =	simm.s32 $0x0;
	s20 =	sshll.u32 s5, $0x1;
	s5 =	sadd.s32 s21, s3  }
0x9d: {  	[timem:s7], [sflag:s22] =	dma.local [hbm:s5], s20  }
0x9e: {  	_ =	swait.ge [sflag:s22], s20  }
0x9f: {  	s4 =	ssub.s32 $0x0, s20;
	[sflag:s22] =	ssyncset.done $0x0  }
0xa0: {  	[sflag:s22] =	ssyncadd.s32 s4;
	_ =	sdelay $0x1  }
0xa1: {  	s23 =	simm.s32 $0x1B8B  }
0xa2: {  	_ =	swait.ge [sflag:s23], $0x1  }
0xa3: {  	[sflag:s23] =	ssyncset.done $0x0  }
0xa4: {  	s25 =	simm.s32 $0x1B8E;
	s24 =	sld [smem:$0x3FFE];
	[sflag:s23] =	ssyncadd.s32 $0xFFFFFFFF  }
0xa5: {  	s26 =	simm.s32 $execute0_lowered;
	[smem:$0x3FD2] =	sst s25  }
0xa6: {  	s5 =	sshll.u32 s26, $0x1;
	_ =	strace $0x80000046;
	[dreg:$0x1] =	wrdreg $0xFFFFFFFF  }
0xa7: {  	s28 =	simm.s32 $_size_execute0_lowered;
	s3 =	sadd.s32 s3, s5;
	[dreg:$0x0] =	wrdreg $0x0  }
0xa8: {  	s5 =	sshll.u32 s28, $0x1;
	[dreg:$0x2] =	wrdreg s3  }
0xa9: {  	[dreg:$0x3] =	wrdreg s5  }
0xaa: {  	[dreg:$0x4] =	wrdreg $0xC0  }
0xab: {  	_ =	task [dreg:s7], $0x5FFFF  }
0xac: {  	[dreg:$0x1] =	wrdreg $0xFFFFFFFF  }
0xad: {  	[dreg:$0x0] =	wrdreg $0x60  }
0xae: {  	[dreg:$0x2] =	wrdreg s2  }
0xaf: {  	[dreg:$0x3] =	wrdreg s24  }
0xb0: {  	[dreg:$0x4] =	wrdreg $0x52000  }
0xb1: {  	[dreg:$0x5] =	wrdreg $0x9  }
0xb2: {  	_ =	task.clear_ibuf [dreg:s7], $0x6FFFF;
	_ =	strace $0x90000046  }
0xb3: {  	s29 =	simm.s32 $0x9;
	_ =	strace $0x80000048  }
0xb4: {  	_ =	swait.ge [sflag:s29], $0x1  }
0xb5: {  	[sflag:s29] =	ssyncadd.s32 $0xFFFFFFFF  }
0xb6: {  	_ =	strace $0x90000048  }
0xb7: {  	_ =	sfence  }
0xb8: {  	s30 =	sld [smem:$0x0];
	_ =	sdelay $0x2  }
0xb9: {  	s31 =	sshll.u32 s1, $0xD;
	s1 =	sshrl.u32 s1, $0x2  }
0xba: {  	s3 =	sand.u32 $0x4000, s31;
	s1 =	sadd.s32 s1, s30  }
0xbb: {  	s0 =	sor.u32 s3, s0;
	s1 =	sshll.u32 s1, $0x11  }
0xbc: {  	s0 =	sor.u32 s1, s0  }
0xbd: {  	s0 =	sadd.s32 $0x8F2B, s0  }
0xbe: {  	[sflag:s0] =	ssyncadd.remote.s32 $0x1  }
0xbf: {  	_ =	sfence.sel $0xFFFF  }
0xc0: {  	[dreg:$0x0] =	wrdreg $0xFFFFFFFF;
	(pc) =	sbr.abs _section_cstart, $3  }
0xc1: {  	[dreg:$0x1] =	wrdreg $0xFFFFFFFF  }
0xc2: {  	_ =	task.clear_ibuf [dreg:s7], $0x2FFFF;
	_ =	strace $0x9FFFFFFF  }
0xc3: {  	(tm) =	ssettm $0x7FFFFFFF  }
tec
execute0_lowered:
.L_overlay_start_1:
0x0: {  	(tag) =	ssettag $0x1  }
0x1: {  	s28 =	stileid.u32  }
0x2: {  	s0 =	srdreg.scid;
	s3 =	rddreg [dreg:$0x1]  }
0x3: {  	s1 =	simm.s32 $0x0;
	s8 =	smul.u32 $0x14000, s28;
	s6 =	sand.u32 $0x1, s0  }
0x4: {  	[smem:$0x7FF] =	sst s1;
	s13 =	smul.u32 $0x140000, s6;
	s0 =	ssub.s32 $0x2, s6  }
0x5: {  	s12 =	sadd.s32 $0x29E00, s3;
	s6 =	sshll.u32 s6, $0x4;
	s4 =	sshrl.u32 s0, $0x1  }
0x6: {  	s18 =	sadd.s32 $0xC800, s8;
	s30 =	sadd.s32 $0x11800, s8;
	s2 =	sadd.s32 s8, s13  }
0x7: {  	s0 =	ssub.s32 s0, s4;
	s4 =	sor.u32 $0x2800, s8;
	s19 =	sadd.s32 s13, s18  }
0x8: {  	s5 =	sshrl.u32 s2, $0x3;
	s2 =	sor.u32 $0x1400, s8;
	s23 =	sadd.s32 s13, s4  }
0x9: {  	s0 =	smax.u32 s0, $0x1;
	s21 =	sadd.s32 s12, s5;
	s22 =	sadd.s32 s13, s2  }
0xa: {  	s5 =	sor.u32 $0x3C00, s8;
	s10 =	sshrl.u32 s23, $0x3;
	[dreg:$0x4] =	wrdreg s21  }
0xb: {  	s7 =	sshrl.u32 s22, $0x3;
	s9 =	sadd.s32 s13, s5;
	s10 =	sadd.s32 s12, s10  }
0xc: {  	s7 =	sadd.s32 s12, s7;
	s9 =	sshrl.u32 s9, $0x3;
	[dreg:$0x6] =	wrdreg s10  }
0xd: {  	s10 =	sadd.s32 $0x7800, s8;
	[dreg:$0x5] =	wrdreg s7;
	s9 =	sadd.s32 s12, s9  }
0xe: {  	s7 =	sadd.s32 $0x5000, s8;
	s14 =	sadd.s32 s13, s10;
	[dreg:$0x7] =	wrdreg s9  }
0xf: {  	s24 =	sadd.s32 s13, s7;
	s9 =	sadd.s32 $0x6400, s8;
	s14 =	sshrl.u32 s14, $0x3  }
0x10: {  	s11 =	sshrl.u32 s24, $0x3;
	s25 =	sadd.s32 s13, s9;
	s14 =	sadd.s32 s12, s14  }
0x11: {  	s24 =	sadd.s32 s13, s30;
	s11 =	sadd.s32 s12, s11;
	s15 =	sshrl.u32 s25, $0x3  }
0x12: {  	[dreg:$0xa] =	wrdreg s14;
	s14 =	sadd.s32 $0xA000, s8;
	s25 =	sadd.s32 $0xF000, s8  }
0x13: {  	[dreg:$0x8] =	wrdreg s11;
	s11 =	sadd.s32 $0x8C00, s8;
	s15 =	sadd.s32 s12, s15  }
0x14: {  	[dreg:$0x9] =	wrdreg s15;
	s26 =	sadd.s32 s13, s11;
	s15 =	sadd.s32 $0xB400, s8  }
0x15: {  	s31 =	sadd.s32 s13, s14;
	s16 =	sshrl.u32 s26, $0x3;
	s17 =	sadd.s32 s13, s15  }
0x16: {  	s21 =	sadd.s32 s13, s25;
	s16 =	sadd.s32 s12, s16;
	s17 =	sshrl.u32 s17, $0x3  }
0x17: {  	[dreg:$0xb] =	wrdreg s16;
	s16 =	sshrl.u32 s31, $0x3;
	s17 =	sadd.s32 s12, s17  }
0x18: {  	s26 =	sadd.s32 $0x10400, s8;
	s16 =	sadd.s32 s12, s16;
	[dreg:$0xd] =	wrdreg s17  }
0x19: {  	s23 =	sadd.s32 s13, s26;
	s17 =	sshrl.u32 s21, $0x3;
	[dreg:$0xc] =	wrdreg s16  }
0x1a: {  	s16 =	sshrl.u32 s19, $0x3;
	s19 =	sadd.s32 $0xDC00, s8;
	s22 =	sadd.s32 s12, s17  }
0x1b: {  	s17 =	rddreg [dreg:$0x0];
	s16 =	sadd.s32 s12, s16;
	s20 =	sadd.s32 s13, s19  }
0x1c: {  	s31 =	sadd.s32 $0x12C00, s8;
	[dreg:$0xe] =	wrdreg s16;
	s16 =	sshrl.u32 s20, $0x3  }
0x1d: {  	s21 =	sadd.s32 $0x523E00, s3;
	[dreg:$0x10] =	wrdreg s22;
	s16 =	sadd.s32 s12, s16  }
0x1e: {  	s8 =	sshrl.u32 s8, $0x3;
	[dreg:$0xf] =	wrdreg s16;
	s16 =	sshrl.u32 s23, $0x3  }
0x1f: {  	s13 =	sadd.s32 s13, s31;
	s8 =	sadd.s32 s8, s3;
	s16 =	sadd.s32 s12, s16  }
0x20: {  	s22 =	sadd.s32 $0x4E3E00, s3;
	[dreg:$0x11] =	wrdreg s16;
	s16 =	sshrl.u32 s24, $0x3  }
0x21: {  	s13 =	sshrl.u32 s13, $0x3;
	s20 =	rddreg [dreg:$0x2];
	s16 =	sadd.s32 s12, s16  }
0x22: {  	s2 =	sadd.s32 s2, s20;
	s12 =	sadd.s32 s12, s13;
	[dreg:$0x12] =	wrdreg s16  }
0x23: {  	s4 =	sadd.s32 s4, s20;
	[dreg:$0x13] =	wrdreg s12;
	s16 =	sadd.s32 $0x1E00, s8  }
0x24: {  	s9 =	sadd.s32 s9, s20;
	_ =	strace $0x80000047;
	[dreg:$0x14] =	wrdreg s16  }
0x25: {  	s10 =	sadd.s32 s10, s20;
	s23 =	sadd.s32 $0x503E00, s3;
	[dreg:$0x19] =	wrdreg s2  }
0x26: {  	s3 =	sor.u32 s28, s6;
	s13 =	smul.u32 $0x50000, s28;
	[dreg:$0x1a] =	wrdreg s4  }
0x27: {  	s29 =	smul.u32 $0x2710, s3;
	s8 =	sshll.u32 s28, $0x6;
	[dreg:$0x1d] =	wrdreg s9  }
0x28: {  	s28 =	sshll.u32 s3, $0xF;
	s12 =	sshrl.u32 s13, $0x2;
	[dreg:$0x1e] =	wrdreg s10  }
0x29: {  	s6 =	sor.u32 $0x1C06, s8;
	s13 =	sshll.u32 s3, $0xC;
	[smem:$0x7FC] =	sst s0  }
0x2a: {  	s8 =	sadd.s32 s7, s20;
	s24 =	sadd.s32 s12, s20;
	[dreg:$0x15] =	wrdreg s6  }
0x2b: {  	s12 =	smul.u32 $0x27100, s3;
	s6 =	sadd.s32 s23, s13;
	[dreg:$0x1c] =	wrdreg s8  }
0x2c: {  	s3 =	sadd.s32 s22, s13;
	s13 =	sadd.s32 s14, s20;
	[dreg:$0x18] =	wrdreg s6  }
0x2d: {  	s0 =	simm.s32 $0x1600;
	s14 =	sadd.s32 s15, s20;
	[smem:$0x7F4] =	sst s13  }
0x2e: {  	s2 =	simm.s32 $0x2A00;
	s15 =	sadd.s32 s18, s20;
	[smem:$0x7F5] =	sst s14  }
0x2f: {  	s4 =	simm.s32 $0x3E00;
	s18 =	sadd.s32 s25, s20;
	[smem:$0x7F6] =	sst s15  }
0x30: {  	s7 =	simm.s32 $0x2;
	s25 =	sadd.s32 s30, s20;
	[smem:$0x7F8] =	sst s18  }
0x31: {  	s9 =	simm.s32 $0x5;
	s10 =	simm.s32 $0x0;
	[smem:$0x7FA] =	sst s25  }
0x32: {  	s30 =	simm.s32 $0x4;
	s6 =	sadd.s32 s5, s20;
	[dreg:$0x17] =	wrdreg s3  }
0x33: {  	s8 =	simm.s32 $0x3;
	s16 =	sadd.s32 s21, s12;
	[dreg:$0x1b] =	wrdreg s6  }
0x34: {  	s25 =	simm.s32 $0x6;
	s12 =	sadd.s32 s11, s20;
	[dreg:$0x16] =	wrdreg s16  }
.Ltmp0:
0x35: {  	[dreg:$0x1f] =	wrdreg s12;
	s16 =	sadd.s32 s19, s20;
	(pc) =	sbr.rel .LBB2_1-.Ltmp0, $4  }
0x36: {  	s5 =	simm.s32 $0x180;
	s19 =	sadd.s32 s26, s20;
	[smem:$0x7F7] =	sst s16  }
0x37: {  	s6 =	simm.s32 $0x1;
	s26 =	sadd.s32 s31, s20;
	[smem:$0x7F9] =	sst s19  }
0x38: {  	s31 =	sadd.s32 $0x10, s3;
	s3 =	simm.s32 $0x100;
	[smem:$0x7FB] =	sst s26  }
0x39: {  	[smem:$0x7FD] =	sst s31;
	s26 =	simm.s32 $0x80;
	s16 =	simm.s32 $0x28  }
.LBB2_8:
0x3a: {  	_ =	swait.ge [sflag:s9], $0x1400  }
0x3b: {  	[sflag:s9] =	ssyncset.done $0x0  }
0x3c: {  	[sflag:s9] =	ssyncadd.s32 $0xFFFFEC00  }
0x3d: {  	[bflag:$0x0] =	sbarrier.arrive $0xFFFF  }
0x3e: {  	[tilespmem:s2], [sflag:$0x6] =	stream.linear.gather [spmem:s24], $0x1400, $0x38;
	[tilespmem:$0x19200] =	vst v63  }
0x3f: {  	_ =	swait.ge [sflag:s25], $0x1400  }
0x40: {  	[sflag:s25] =	ssyncset.done $0x0  }
0x41: {  	s11 =	rddreg [dreg:$0x4];
	[sflag:s25] =	ssyncadd.s32 $0xFFFFEC00  }
0x42: {  	[hbm4b:s11+s1] =	stream.linear.scatter [tilespmem:s2], [sflag:$0x6], $0x1400, $0x38;
	[tilespmem:$0x19200] =	vst v63  }
0x43: {  	_ =	swait.ge [sflag:s25], $0x1400  }
0x44: {  	[sflag:s25] =	ssyncset.done $0x0  }
0x45: {  	s18 =	rddreg [dreg:$0x19];
	[sflag:s25] =	ssyncadd.s32 $0xFFFFEC00  }
0x46: {  	[tilespmem:s2], [sflag:$0x6] =	stream.linear.gather [spmem:s18], $0x1400, $0x38;
	[tilespmem:$0x19200] =	vst v63  }
0x47: {  	_ =	swait.ge [sflag:s25], $0x1400  }
0x48: {  	[sflag:s25] =	ssyncset.done $0x0  }
0x49: {  	s19 =	rddreg [dreg:$0x5];
	[sflag:s25] =	ssyncadd.s32 $0xFFFFEC00  }
0x4a: {  	[hbm4b:s19+s1] =	stream.linear.scatter [tilespmem:s2], [sflag:$0x6], $0x1400, $0x38;
	[tilespmem:$0x19200] =	vst v63  }
0x4b: {  	_ =	swait.ge [sflag:s25], $0x1400  }
0x4c: {  	[sflag:s25] =	ssyncset.done $0x0  }
0x4d: {  	s31 =	rddreg [dreg:$0x1a];
	[sflag:s25] =	ssyncadd.s32 $0xFFFFEC00  }
0x4e: {  	[tilespmem:s2], [sflag:$0x6] =	stream.linear.gather [spmem:s31], $0x1400, $0x38;
	[tilespmem:$0x19200] =	vst v63  }
0x4f: {  	_ =	swait.ge [sflag:s25], $0x1400  }
0x50: {  	[sflag:s25] =	ssyncset.done $0x0  }
0x51: {  	s12 =	rddreg [dreg:$0x6];
	[sflag:s25] =	ssyncadd.s32 $0xFFFFEC00  }
0x52: {  	[hbm4b:s12+s1] =	stream.linear.scatter [tilespmem:s2], [sflag:$0x6], $0x1400, $0x38;
	[tilespmem:$0x19200] =	vst v63  }
0x53: {  	_ =	swait.ge [sflag:s25], $0x1400  }
0x54: {  	[sflag:s25] =	ssyncset.done $0x0  }
0x55: {  	s13 =	rddreg [dreg:$0x1b];
	[sflag:s25] =	ssyncadd.s32 $0xFFFFEC00  }
0x56: {  	[tilespmem:s2], [sflag:$0x6] =	stream.linear.gather [spmem:s13], $0x1400, $0x38;
	[tilespmem:$0x19200] =	vst v63  }
0x57: {  	_ =	swait.ge [sflag:s25], $0x1400  }
0x58: {  	[sflag:s25] =	ssyncset.done $0x0  }
0x59: {  	s14 =	rddreg [dreg:$0x7];
	[sflag:s25] =	ssyncadd.s32 $0xFFFFEC00  }
0x5a: {  	[hbm4b:s14+s1] =	stream.linear.scatter [tilespmem:s2], [sflag:$0x6], $0x1400, $0x38;
	[tilespmem:$0x19200] =	vst v63  }
0x5b: {  	_ =	swait.ge [sflag:s25], $0x1400  }
0x5c: {  	[sflag:s25] =	ssyncset.done $0x0  }
0x5d: {  	s15 =	rddreg [dreg:$0x1c];
	[sflag:s25] =	ssyncadd.s32 $0xFFFFEC00  }
0x5e: {  	[tilespmem:s2], [sflag:$0x6] =	stream.linear.gather [spmem:s15], $0x1400, $0x38;
	[tilespmem:$0x19200] =	vst v63  }
0x5f: {  	_ =	swait.ge [sflag:s25], $0x1400  }
0x60: {  	[sflag:s25] =	ssyncset.done $0x0  }
0x61: {  	s18 =	rddreg [dreg:$0x8];
	[sflag:s25] =	ssyncadd.s32 $0xFFFFEC00  }
0x62: {  	[hbm4b:s18+s1] =	stream.linear.scatter [tilespmem:s2], [sflag:$0x6], $0x1400, $0x38;
	[tilespmem:$0x19200] =	vst v63  }
0x63: {  	_ =	swait.ge [sflag:s25], $0x1400  }
0x64: {  	[sflag:s25] =	ssyncset.done $0x0  }
0x65: {  	s19 =	rddreg [dreg:$0x1d];
	[sflag:s25] =	ssyncadd.s32 $0xFFFFEC00  }
0x66: {  	[tilespmem:s2], [sflag:$0x6] =	stream.linear.gather [spmem:s19], $0x1400, $0x38;
	[tilespmem:$0x19200] =	vst v63  }
0x67: {  	_ =	swait.ge [sflag:s25], $0x1400  }
0x68: {  	[sflag:s25] =	ssyncset.done $0x0  }
0x69: {  	s31 =	rddreg [dreg:$0x9];
	[sflag:s25] =	ssyncadd.s32 $0xFFFFEC00  }
0x6a: {  	[hbm4b:s31+s1] =	stream.linear.scatter [tilespmem:s2], [sflag:$0x6], $0x1400, $0x38;
	[tilespmem:$0x19200] =	vst v63  }
0x6b: {  	_ =	swait.ge [sflag:s25], $0x1400  }
0x6c: {  	[sflag:s25] =	ssyncset.done $0x0  }
0x6d: {  	s12 =	rddreg [dreg:$0x1e];
	[sflag:s25] =	ssyncadd.s32 $0xFFFFEC00  }
0x6e: {  	[tilespmem:s2], [sflag:$0x6] =	stream.linear.gather [spmem:s12], $0x1400, $0x38;
	[tilespmem:$0x19200] =	vst v63  }
0x6f: {  	_ =	swait.ge [sflag:s25], $0x1400  }
0x70: {  	[sflag:s25] =	ssyncset.done $0x0  }
0x71: {  	s13 =	rddreg [dreg:$0xa];
	[sflag:s25] =	ssyncadd.s32 $0xFFFFEC00  }
0x72: {  	[hbm4b:s13+s1] =	stream.linear.scatter [tilespmem:s2], [sflag:$0x6], $0x1400, $0x38;
	[tilespmem:$0x19200] =	vst v63  }
0x73: {  	_ =	swait.ge [sflag:s25], $0x1400  }
0x74: {  	[sflag:s25] =	ssyncset.done $0x0  }
0x75: {  	s14 =	rddreg [dreg:$0x1f];
	[sflag:s25] =	ssyncadd.s32 $0xFFFFEC00  }
0x76: {  	[tilespmem:s2], [sflag:$0x6] =	stream.linear.gather [spmem:s14], $0x1400, $0x38;
	[tilespmem:$0x19200] =	vst v63  }
0x77: {  	_ =	swait.ge [sflag:s25], $0x1400  }
0x78: {  	[sflag:s25] =	ssyncset.done $0x0  }
0x79: {  	s15 =	rddreg [dreg:$0xb];
	[sflag:s25] =	ssyncadd.s32 $0xFFFFEC00  }
0x7a: {  	[hbm4b:s15+s1] =	stream.linear.scatter [tilespmem:s2], [sflag:$0x6], $0x1400, $0x38;
	[tilespmem:$0x19200] =	vst v63  }
0x7b: {  	_ =	swait.ge [sflag:s25], $0x1400  }
0x7c: {  	s18 =	sld [smem:$0x7F4]  }
0x7d: {  	[sflag:s25] =	ssyncset.done $0x0  }
0x7e: {  	[sflag:s25] =	ssyncadd.s32 $0xFFFFEC00  }
0x7f: {  	[tilespmem:s2], [sflag:$0x6] =	stream.linear.gather [spmem:s18], $0x1400, $0x38;
	[tilespmem:$0x19200] =	vst v63  }
0x80: {  	_ =	swait.ge [sflag:s25], $0x1400  }
0x81: {  	[sflag:s25] =	ssyncset.done $0x0  }
0x82: {  	s19 =	rddreg [dreg:$0xc];
	[sflag:s25] =	ssyncadd.s32 $0xFFFFEC00  }
0x83: {  	[hbm4b:s19+s1] =	stream.linear.scatter [tilespmem:s2], [sflag:$0x6], $0x1400, $0x38;
	[tilespmem:$0x19200] =	vst v63  }
0x84: {  	_ =	swait.ge [sflag:s25], $0x1400  }
0x85: {  	s31 =	sld [smem:$0x7F5]  }
0x86: {  	[sflag:s25] =	ssyncset.done $0x0  }
0x87: {  	[sflag:s25] =	ssyncadd.s32 $0xFFFFEC00  }
0x88: {  	[tilespmem:s2], [sflag:$0x6] =	stream.linear.gather [spmem:s31], $0x1400, $0x38;
	[tilespmem:$0x19200] =	vst v63  }
0x89: {  	_ =	swait.ge [sflag:s25], $0x1400  }
0x8a: {  	[sflag:s25] =	ssyncset.done $0x0  }
0x8b: {  	s12 =	rddreg [dreg:$0xd];
	[sflag:s25] =	ssyncadd.s32 $0xFFFFEC00  }
0x8c: {  	[hbm4b:s12+s1] =	stream.linear.scatter [tilespmem:s2], [sflag:$0x6], $0x1400, $0x38;
	[tilespmem:$0x19200] =	vst v63  }
0x8d: {  	_ =	swait.ge [sflag:s25], $0x1400  }
0x8e: {  	s13 =	sld [smem:$0x7F6]  }
0x8f: {  	[sflag:s25] =	ssyncset.done $0x0  }
0x90: {  	[sflag:s25] =	ssyncadd.s32 $0xFFFFEC00  }
0x91: {  	[tilespmem:s2], [sflag:$0x6] =	stream.linear.gather [spmem:s13], $0x1400, $0x38;
	[tilespmem:$0x19200] =	vst v63  }
0x92: {  	_ =	swait.ge [sflag:s25], $0x1400  }
0x93: {  	[sflag:s25] =	ssyncset.done $0x0  }
0x94: {  	s14 =	rddreg [dreg:$0xe];
	[sflag:s25] =	ssyncadd.s32 $0xFFFFEC00  }
0x95: {  	[hbm4b:s14+s1] =	stream.linear.scatter [tilespmem:s2], [sflag:$0x6], $0x1400, $0x38;
	[tilespmem:$0x19200] =	vst v63  }
0x96: {  	_ =	swait.ge [sflag:s25], $0x1400  }
0x97: {  	s15 =	sld [smem:$0x7F7]  }
0x98: {  	[sflag:s25] =	ssyncset.done $0x0  }
0x99: {  	[sflag:s25] =	ssyncadd.s32 $0xFFFFEC00  }
0x9a: {  	[tilespmem:s2], [sflag:$0x6] =	stream.linear.gather [spmem:s15], $0x1400, $0x38;
	[tilespmem:$0x19200] =	vst v63  }
0x9b: {  	_ =	swait.ge [sflag:s25], $0x1400  }
0x9c: {  	[sflag:s25] =	ssyncset.done $0x0  }
0x9d: {  	s18 =	rddreg [dreg:$0xf];
	[sflag:s25] =	ssyncadd.s32 $0xFFFFEC00  }
0x9e: {  	[hbm4b:s18+s1] =	stream.linear.scatter [tilespmem:s2], [sflag:$0x6], $0x1400, $0x38;
	[tilespmem:$0x19200] =	vst v63  }
0x9f: {  	_ =	swait.ge [sflag:s25], $0x1400  }
0xa0: {  	s19 =	sld [smem:$0x7F8]  }
0xa1: {  	[sflag:s25] =	ssyncset.done $0x0  }
0xa2: {  	[sflag:s25] =	ssyncadd.s32 $0xFFFFEC00  }
0xa3: {  	[tilespmem:s2], [sflag:$0x6] =	stream.linear.gather [spmem:s19], $0x1400, $0x38;
	[tilespmem:$0x19200] =	vst v63  }
0xa4: {  	_ =	swait.ge [sflag:s25], $0x1400  }
0xa5: {  	[sflag:s25] =	ssyncset.done $0x0  }
0xa6: {  	s31 =	rddreg [dreg:$0x10];
	[sflag:s25] =	ssyncadd.s32 $0xFFFFEC00  }
0xa7: {  	[hbm4b:s31+s1] =	stream.linear.scatter [tilespmem:s2], [sflag:$0x6], $0x1400, $0x38;
	[tilespmem:$0x19200] =	vst v63  }
0xa8: {  	_ =	swait.ge [sflag:s25], $0x1400  }
0xa9: {  	s12 =	sld [smem:$0x7F9]  }
0xaa: {  	[sflag:s25] =	ssyncset.done $0x0  }
0xab: {  	[sflag:s25] =	ssyncadd.s32 $0xFFFFEC00  }
0xac: {  	[tilespmem:s2], [sflag:$0x6] =	stream.linear.gather [spmem:s12], $0x1400, $0x38;
	[tilespmem:$0x19200] =	vst v63  }
0xad: {  	_ =	swait.ge [sflag:s25], $0x1400  }
0xae: {  	[sflag:s25] =	ssyncset.done $0x0  }
0xaf: {  	s13 =	rddreg [dreg:$0x11];
	[sflag:s25] =	ssyncadd.s32 $0xFFFFEC00  }
0xb0: {  	[hbm4b:s13+s1] =	stream.linear.scatter [tilespmem:s2], [sflag:$0x6], $0x1400, $0x38;
	[tilespmem:$0x19200] =	vst v63  }
0xb1: {  	_ =	swait.ge [sflag:s25], $0x1400  }
0xb2: {  	s14 =	sld [smem:$0x7FA]  }
0xb3: {  	[sflag:s25] =	ssyncset.done $0x0  }
0xb4: {  	[sflag:s25] =	ssyncadd.s32 $0xFFFFEC00  }
0xb5: {  	[tilespmem:s2], [sflag:$0x6] =	stream.linear.gather [spmem:s14], $0x1400, $0x38;
	[tilespmem:$0x19200] =	vst v63  }
0xb6: {  	_ =	swait.ge [sflag:s25], $0x1400  }
0xb7: {  	[sflag:s25] =	ssyncset.done $0x0  }
0xb8: {  	s15 =	rddreg [dreg:$0x12];
	[sflag:s25] =	ssyncadd.s32 $0xFFFFEC00  }
0xb9: {  	[hbm4b:s15+s1] =	stream.linear.scatter [tilespmem:s2], [sflag:$0x6], $0x1400, $0x38;
	[tilespmem:$0x19200] =	vst v63  }
0xba: {  	_ =	swait.ge [sflag:s25], $0x1400  }
0xbb: {  	s18 =	sld [smem:$0x7FB]  }
0xbc: {  	[sflag:s25] =	ssyncset.done $0x0  }
0xbd: {  	[sflag:s25] =	ssyncadd.s32 $0xFFFFEC00  }
0xbe: {  	[tilespmem:s2], [sflag:$0x6] =	stream.linear.gather [spmem:s18], $0x1400, $0x38;
	[tilespmem:$0x19200] =	vst v63  }
0xbf: {  	_ =	swait.ge [sflag:s25], $0x1400  }
0xc0: {  	[sflag:s25] =	ssyncset.done $0x0  }
0xc1: {  	s19 =	rddreg [dreg:$0x13];
	[sflag:s25] =	ssyncadd.s32 $0xFFFFEC00  }
0xc2: {  	[hbm4b:s19+s1] =	stream.linear.scatter [tilespmem:s2], [sflag:$0x6], $0x1400, $0x38;
	[tilespmem:$0x19200] =	vst v63  }
0xc3: {  	_ =	swait.ge [sflag:s25], $0x1400  }
0xc4: {  	s31 =	sld [smem:$0x7FC];
	_ =	sdelay $0x1  }
0xc5: {  	s10 =	sadd.s32 $0x1, s10  }
0xc6: {  	p0 =	sne.s32 s10, s31  }
.Ltmp1:
0xc7: {  	_ = 	snop;
	(pc) =	sbr.rel @!p0 .LBB2_9-.Ltmp1, $3  }
0xc8: {  	_ =	sdelay $0x1  }
0xc9: {  	[sflag:s25] =	ssyncset.done $0x0  }
0xca: {  	[sflag:s25] =	ssyncadd.s32 $0xFFFFEC00  }
.LBB2_1:
0xcb: {  	s12 =	rddreg [dreg:$0x14]  }
0xcc: {  	s11 =	sshrl.u32 s24, $0x3;
	s13 =	rddreg [dreg:$0x15]  }
0xcd: {  	[spmem:s11], [sflag:s13] =	dma.local [hbm:s12], $0x2800  }
0xce: {  	_ =	swait.ge [sflag:s25], $0x2800  }
0xcf: {  	[sflag:s25] =	ssyncset.done $0x0  }
0xd0: {  	[sflag:s25] =	ssyncadd.s32 $0xFFFFD800  }
0xd1: {  	[bflag:$0x0] =	sbarrier.arrive $0xFFFF  }
0xd2: {  	s14 =	rddreg [dreg:$0x17]  }
0xd3: {  	s15 =	sld [smem:$0x7FD]  }
0xd4: {  	[tilespmem:s1], [sflag:$0x4] =	stream.linear.gather [hbm4b:s14+s1], $0x80, $0x38;
	[tilespmem:$0x19200] =	vst v63  }
0xd5: {  	_ = 	snop  }
0xd6: {  	[tilespmem:s26], [sflag:$0x4] =	stream.linear.gather [hbm4b:s15+s1], $0x80, $0x38;
	[tilespmem:$0x19200] =	vst v63  }
0xd7: {  	_ =	swait.ge [sflag:s30], $0x80  }
0xd8: {  	[sflag:s30] =	ssyncset.done $0x0  }
0xd9: {  	[sflag:s30] =	ssyncadd.s32 $0xFFFFFF80  }
0xda: {  	_ =	swait.ge [sflag:s30], $0x80  }
0xdb: {  	[sflag:s30] =	ssyncset.done $0x0  }
0xdc: {  	s18 =	simm.s32 $0x200;
	[sflag:s30] =	ssyncadd.s32 $0xFFFFFF80  }
0xdd: {  	[tilespmem:s18], [sflag:$0x1] =	stream.indirect.gather [hbm4b:s17+s16], $0x80, s1, s16, $0xb8;
	[tilespmem:$0x19200] =	vst v63  }
0xde: {  	_ = 	snop  }
0xdf: {  	[tilespmem:s0], [sflag:$0x1] =	stream.indirect.gather [hbm4b:s17+s16], $0x80, s26, s16, $0xb8;
	[tilespmem:$0x19200] =	vst v63  }
0xe0: {  	s19 =	rddreg [dreg:$0x16]  }
0xe1: {  	[tilespmem:s2], [sflag:$0x2] =	stream.linear.gather [hbm4b:s19+s1], $0x1400, $0x38;
	[tilespmem:$0x19200] =	vst v63  }
0xe2: {  	s11 =	simm.s32 $0x0;
	s31 =	rddreg [dreg:$0x18]  }
0xe3: {  	[tilespmem:s3], [sflag:$0x3] =	stream.linear.gather [hbm4b:s31+s1], $0x80, $0x38;
	[tilespmem:$0x19200] =	vst v63  }
.LBB2_2:
0xe4: {  	s13 =	sshll.u32 s11, $0x1  }
0xe5: {  	s12 =	sor.u32 $0x1, s13  }
0xe6: {  	p0 =	seq.s32 s11, $0x0;
	s14 =	smul.u32 $0x28, s12  }
0xe7: {  	s15 =	simm.s32 @!p0 $0x5  }
0xe8: {  	_ =	swait.ge @!p0 [sflag:s15], $0x1400;
	s14 =	sadd.s32 s29, s14  }
0xe9: {  	s18 =	sshll.u32 s12, $0x7;
	[sflag:s15] =	ssyncset.done @!p0 $0x0;
	s14 =	sshll.u32 s14, $0x4  }
0xea: {  	s12 =	sshll.u32 s11, $0x8;
	[sflag:s15] =	ssyncadd.s32 @!p0 $0xFFFFEC00;
	s14 =	sadd.s32 s21, s14  }
0xeb: {  	[tilespmem:s4], [sflag:$0x2] =	stream.linear.gather [hbm4b:s14+s1], $0x1400, $0x38;
	[tilespmem:$0x19200] =	vst v63  }
0xec: {  	s19 =	sand.u32 $0x7C00, s12;
	s14 =	sand.u32 $0x380, s18  }
0xed: {  	s14 =	sor.u32 s14, s19  }
0xee: {  	s14 =	sor.u32 s28, s14  }
0xef: {  	s14 =	sshrl.u32 s14, $0x3  }
0xf0: {  	s13 =	sadd.s32 $0x2, s13;
	p0 =	seq.s32 s11, $0x7C;
	s14 =	sadd.s32 s23, s14  }
0xf1: {  	[tilespmem:s5], [sflag:$0x3] =	stream.linear.gather [hbm4b:s14+s1], $0x80, $0x38;
	[tilespmem:$0x19200] =	vst v63  }
0xf2: {  	s14 =	sshll.u32 @!p0 s13, $0x7  }
0xf3: {  	s15 =	sand.u32 @!p0 $0xFC00, s14  }
0xf4: {  	s14 =	sand.u32 @!p0 $0x300, s14;
	s15 =	sadd.s32 @!p0 s28, s15  }
0xf5: {  	_ =	swait.ge [sflag:s6], $0x1400;
	s14 =	sor.u32 @!p0 s14, s15  }
0xf6: {  	[sflag:s6] =	ssyncset.done $0x0;
	s14 =	sshrl.u32 @!p0 s14, $0x3  }
0xf7: {  	[sflag:s6] =	ssyncadd.s32 $0xFFFFEC00;
	s15 =	simm.s32 @!p0 $0x0;
	s14 =	sadd.s32 @!p0 s22, s14  }
0xf8: {  	[tilespmem:s15], [sflag:$0x4] =	stream.linear.gather @!p0 [hbm4b:s14+s15], $0x80, $0x38;
	[tilespmem:$0x19200] =	vst v63  }
0xf9: {  	_ =	swait.ge [sflag:s7], $0x1400  }
0xfa: {  	[sflag:s7] =	ssyncset.done $0x0  }
0xfb: {  	[sflag:s7] =	ssyncadd.s32 $0xFFFFEC00  }
0xfc: {  	_ =	swait.ge [sflag:s8], $0x80  }
0xfd: {  	[sflag:s8] =	ssyncset.done $0x0  }
0xfe: {  	s14 =	simm.s32 $0x300;
	[sflag:s8] =	ssyncadd.s32 $0xFFFFFF80  }
0xff: {  	s15 =	simm.s32 $0x2B00;
	v0 =	vld [tilespmem:s14+$0x80]  }
0x100: {  	v1 =	vld [tilespmem:s15+$0x80]  }
0x101: {  	v2 =	vld [tilespmem:s15+$0xFFFFFF00]  }
0x102: {  	v3 =	vld [tilespmem:s14+$0xFFFFFF80]  }
0x103: {  	v4 =	vld [tilespmem:s15+$0xFFFFFF80]  }
0x104: {  	v5 =	vld [tilespmem:s15+$0x0]  }
0x105: {  	v0 =	vadd.f32 v1, v0;
	v1 =	vld [tilespmem:s14+$0x0]  }
0x106: {  	v6 =	vld [tilespmem:s14+$0xFFFFFF00]  }
0x107: {  	v0 =	vmax.f32 v0, $0.0e+00  }
0x108: {  	v3 =	vadd.f32 v4, v3;
	[tilespmem:s15+$0x80] =	vst v0;
	v0 =	vld [tilespmem:s15+$0x90]  }
0x109: {  	v7 =	vld [tilespmem:s14+$0x90]  }
0x10a: {  	v8 =	vld [tilespmem:s15+$0xFFFFFF90];
	v3 =	vmax.f32 v3, $0.0e+00;
	v1 =	vadd.f32 v5, v1  }
0x10b: {  	v4 =	vld [tilespmem:s15+$0xFFFFFF10];
	v2 =	vadd.f32 v2, v6;
	[tilespmem:s15+$0xFFFFFF80] =	vst v3  }
0x10c: {  	v5 =	vld [tilespmem:s14+$0xFFFFFF90];
	v1 =	vmax.f32 v1, $0.0e+00  }
0x10d: {  	v2 =	vmax.f32 v2, $0.0e+00;
	v3 =	vld [tilespmem:s15+$0x10];
	[tilespmem:s15+$0x0] =	vst v1  }
0x10e: {  	[tilespmem:s15+$0xFFFFFF00] =	vst v2;
	v0 =	vadd.f32 v0, v7;
	v1 =	vld [tilespmem:s14+$0x10]  }
0x10f: {  	v2 =	vld [tilespmem:s14+$0xFFFFFF10]  }
0x110: {  	v0 =	vmax.f32 v0, $0.0e+00  }
0x111: {  	v5 =	vadd.f32 v8, v5;
	[tilespmem:s15+$0x90] =	vst v0;
	v0 =	vld [tilespmem:s15+$0xA0]  }
0x112: {  	v7 =	vld [tilespmem:s14+$0xA0]  }
0x113: {  	v6 =	vld [tilespmem:s15+$0xFFFFFF20];
	v5 =	vmax.f32 v5, $0.0e+00;
	v1 =	vadd.f32 v3, v1  }
0x114: {  	v2 =	vadd.f32 v4, v2;
	v8 =	vld [tilespmem:s15+$0xFFFFFFA0];
	[tilespmem:s15+$0xFFFFFF90] =	vst v5  }
0x115: {  	v4 =	vld [tilespmem:s14+$0xFFFFFFA0];
	v1 =	vmax.f32 v1, $0.0e+00  }
0x116: {  	v2 =	vmax.f32 v2, $0.0e+00;
	v3 =	vld [tilespmem:s15+$0x20];
	[tilespmem:s15+$0x10] =	vst v1  }
0x117: {  	[tilespmem:s15+$0xFFFFFF10] =	vst v2;
	v0 =	vadd.f32 v0, v7;
	v1 =	vld [tilespmem:s14+$0x20]  }
0x118: {  	v2 =	vld [tilespmem:s14+$0xFFFFFF20]  }
0x119: {  	v0 =	vmax.f32 v0, $0.0e+00  }
0x11a: {  	v4 =	vadd.f32 v8, v4;
	[tilespmem:s15+$0xA0] =	vst v0;
	v0 =	vld [tilespmem:s15+$0xB0]  }
0x11b: {  	v7 =	vld [tilespmem:s14+$0xB0]  }
0x11c: {  	v9 =	vld [tilespmem:s15+$0x30];
	v4 =	vmax.f32 v4, $0.0e+00;
	v1 =	vadd.f32 v3, v1  }
0x11d: {  	v2 =	vadd.f32 v6, v2;
	v8 =	vld [tilespmem:s15+$0xFFFFFFB0];
	[tilespmem:s15+$0xFFFFFFA0] =	vst v4  }
0x11e: {  	v3 =	vld [tilespmem:s14+$0xFFFFFFB0];
	v1 =	vmax.f32 v1, $0.0e+00  }
0x11f: {  	v5 =	vld [tilespmem:s15+$0xFFFFFF30];
	[tilespmem:s15+$0x20] =	vst v1;
	v1 =	vmax.f32 v2, $0.0e+00  }
0x120: {  	v0 =	vadd.f32 v0, v7;
	[tilespmem:s15+$0xFFFFFF20] =	vst v1;
	v1 =	vld [tilespmem:s14+$0x30]  }
0x121: {  	v6 =	vld [tilespmem:s14+$0xFFFFFF30]  }
0x122: {  	v10 =	vld [tilespmem:s15+$0xFFFFFF40];
	v0 =	vmax.f32 v0, $0.0e+00  }
0x123: {  	v3 =	vadd.f32 v8, v3;
	[tilespmem:s15+$0xB0] =	vst v0;
	v0 =	vld [tilespmem:s15+$0xC0]  }
0x124: {  	v7 =	vld [tilespmem:s14+$0xC0]  }
0x125: {  	v11 =	vld [tilespmem:s15+$0xFFFFFFD0];
	v3 =	vmax.f32 v3, $0.0e+00;
	v1 =	vadd.f32 v9, v1  }
0x126: {  	v4 =	vld [tilespmem:s15+$0xFFFFFFC0];
	[tilespmem:s15+$0xFFFFFFB0] =	vst v3;
	v5 =	vadd.f32 v5, v6  }
0x127: {  	v6 =	vld [tilespmem:s14+$0xFFFFFFC0];
	v1 =	vmax.f32 v1, $0.0e+00  }
0x128: {  	v2 =	vld [tilespmem:s15+$0x40];
	[tilespmem:s15+$0x30] =	vst v1;
	v1 =	vmax.f32 v5, $0.0e+00  }
0x129: {  	v0 =	vadd.f32 v0, v7;
	v5 =	vld [tilespmem:s14+$0x40];
	[tilespmem:s15+$0xFFFFFF30] =	vst v1  }
0x12a: {  	v1 =	vld [tilespmem:s14+$0xFFFFFF40]  }
0x12b: {  	v8 =	vld [tilespmem:s15+$0xFFFFFF50];
	v0 =	vmax.f32 v0, $0.0e+00  }
0x12c: {  	[tilespmem:s15+$0xC0] =	vst v0;
	v0 =	vadd.f32 v4, v6;
	v6 =	vld [tilespmem:s15+$0xD0]  }
0x12d: {  	v7 =	vld [tilespmem:s14+$0xD0]  }
0x12e: {  	v3 =	vld [tilespmem:s15+$0xFFFFFF60];
	v0 =	vmax.f32 v0, $0.0e+00;
	v2 =	vadd.f32 v2, v5  }
0x12f: {  	v9 =	vld [tilespmem:s15+$0x50];
	[tilespmem:s15+$0xFFFFFFC0] =	vst v0;
	v0 =	vadd.f32 v10, v1  }
0x130: {  	v1 =	vld [tilespmem:s14+$0xFFFFFFD0];
	v2 =	vmax.f32 v2, $0.0e+00  }
0x131: {  	v4 =	vld [tilespmem:s15+$0xFFFFFFE0];
	[tilespmem:s15+$0x40] =	vst v2;
	v0 =	vmax.f32 v0, $0.0e+00  }
0x132: {  	v2 =	vld [tilespmem:s14+$0x50];
	v6 =	vadd.f32 v6, v7;
	[tilespmem:s15+$0xFFFFFF40] =	vst v0  }
0x133: {  	v0 =	vld [tilespmem:s14+$0xFFFFFF50]  }
0x134: {  	v5 =	vld [tilespmem:s15+$0x60];
	v6 =	vmax.f32 v6, $0.0e+00  }
0x135: {  	v1 =	vadd.f32 v11, v1;
	[tilespmem:s15+$0xD0] =	vst v6;
	v6 =	vld [tilespmem:s15+$0xE0]  }
0x136: {  	v10 =	vld [tilespmem:s14+$0xE0]  }
0x137: {  	v1 =	vmax.f32 v1, $0.0e+00;
	v7 =	vadd.f32 v9, v2;
	v2 =	vld [tilespmem:s15+$0xFFFFFF70]  }
0x138: {  	[tilespmem:s15+$0xFFFFFFD0] =	vst v1;
	v0 =	vadd.f32 v8, v0;
	v1 =	vld [tilespmem:s15+$0xFFFFFFF0]  }
0x139: {  	v8 =	vmax.f32 v7, $0.0e+00;
	v7 =	vld [tilespmem:s14+$0xFFFFFFE0]  }
0x13a: {  	[tilespmem:s15+$0x50] =	vst v8;
	v8 =	vmax.f32 v0, $0.0e+00;
	v0 =	vld [tilespmem:s15+$0x70]  }
0x13b: {  	[tilespmem:s15+$0xFFFFFF50] =	vst v8;
	v8 =	vld [tilespmem:s14+$0x60];
	v6 =	vadd.f32 v6, v10  }
0x13c: {  	v9 =	vld [tilespmem:s14+$0xFFFFFF60]  }
0x13d: {  	s31 =	simm.s32 $0x500;
	s18 =	simm.s32 $0x2B00;
	s19 =	simm.s32 $0x0;
	v10 =	vmax.f32 v6, $0.0e+00;
	v6 =	vld [tilespmem:s15+$0xF0]  }
.LBB2_3:
0x13e: {  	v11 =	vld [tilespmem:s31+$0x80];
	v4 =	vadd.f32 v4, v7;
	[tilespmem:s15+$0xE0] =	vst v10  }
0x13f: {  	s15 =	sadd.s32 $0x200, s15;
	v7 =	vld [tilespmem:s14+$0xF0]  }
0x140: {  	s19 =	sadd.s32 $0x4, s19;
	v10 =	vld [tilespmem:s15+$0x80];
	v4 =	vmax.f32 v4, $0.0e+00;
	v5 =	vadd.f32 v5, v8  }
0x141: {  	p1 =	slt.u32 s19, $0x24;
	v8 =	vld [tilespmem:s15+$0xFFFFFF00];
	v3 =	vadd.f32 v3, v9;
	[tilespmem:s18+$0xFFFFFFE0] =	vst v4  }
0x142: {  	v4 =	vld [tilespmem:s31+$0xFFFFFF80];
	v5 =	vmax.f32 v5, $0.0e+00  }
0x143: {  	v9 =	vld [tilespmem:s15+$0xFFFFFF80];
	v3 =	vmax.f32 v3, $0.0e+00;
	[tilespmem:s18+$0x60] =	vst v5  }
0x144: {  	v5 =	vld [tilespmem:s31+$0x0];
	[tilespmem:s18+$0xFFFFFF60] =	vst v3;
	v3 =	vadd.f32 v6, v7  }
0x145: {  	v6 =	vld [tilespmem:s15+$0x0];
	v7 =	vadd.f32 v10, v11  }
0x146: {  	v10 =	vld [tilespmem:s31+$0xFFFFFF00];
	v3 =	vmax.f32 v3, $0.0e+00  }
0x147: {  	v11 =	vld [tilespmem:s15+$0xFFFFFF10];
	v7 =	vmax.f32 v7, $0.0e+00;
	[tilespmem:s18+$0xF0] =	vst v3  }
0x148: {  	v3 =	vadd.f32 v9, v4;
	[tilespmem:s15+$0x80] =	vst v7;
	v4 =	vld [tilespmem:s15+$0x90]  }
0x149: {  	v7 =	vld [tilespmem:s31+$0x90]  }
0x14a: {  	v3 =	vmax.f32 v3, $0.0e+00;
	v9 =	vld [tilespmem:s15+$0xFFFFFF90];
	v5 =	vadd.f32 v6, v5  }
0x14b: {  	v6 =	vadd.f32 v8, v10;
	[tilespmem:s15+$0xFFFFFF80] =	vst v3;
	v3 =	vld [tilespmem:s15+$0x10]  }
0x14c: {  	v8 =	vld [tilespmem:s31+$0xFFFFFF90];
	v5 =	vmax.f32 v5, $0.0e+00  }
0x14d: {  	v6 =	vmax.f32 v6, $0.0e+00;
	v10 =	vld [tilespmem:s15+$0xFFFFFF20];
	[tilespmem:s15+$0x0] =	vst v5  }
0x14e: {  	[tilespmem:s15+$0xFFFFFF00] =	vst v6;
	v5 =	vld [tilespmem:s31+$0x10];
	v4 =	vadd.f32 v4, v7  }
0x14f: {  	v6 =	vld [tilespmem:s31+$0xFFFFFF10]  }
0x150: {  	v7 =	vld [tilespmem:s15+$0xFFFFFFA0];
	v4 =	vmax.f32 v4, $0.0e+00  }
0x151: {  	v8 =	vadd.f32 v9, v8;
	[tilespmem:s15+$0x90] =	vst v4;
	v4 =	vld [tilespmem:s15+$0xA0]  }
0x152: {  	v9 =	vld [tilespmem:s31+$0xA0]  }
0x153: {  	v8 =	vmax.f32 v8, $0.0e+00;
	v3 =	vadd.f32 v3, v5;
	v5 =	vld [tilespmem:s15+$0x20]  }
0x154: {  	v6 =	vadd.f32 v11, v6;
	v11 =	vld [tilespmem:s15+$0xFFFFFF30];
	[tilespmem:s15+$0xFFFFFF90] =	vst v8  }
0x155: {  	v8 =	vld [tilespmem:s31+$0xFFFFFFA0];
	v3 =	vmax.f32 v3, $0.0e+00  }
0x156: {  	v6 =	vmax.f32 v6, $0.0e+00;
	v12 =	vld [tilespmem:s15+$0xFFFFFFB0];
	[tilespmem:s15+$0x10] =	vst v3  }
0x157: {  	[tilespmem:s15+$0xFFFFFF10] =	vst v6;
	v3 =	vld [tilespmem:s31+$0x20];
	v4 =	vadd.f32 v4, v9  }
0x158: {  	v6 =	vld [tilespmem:s31+$0xFFFFFF20]  }
0x159: {  	v9 =	vld [tilespmem:s15+$0x30];
	v4 =	vmax.f32 v4, $0.0e+00  }
0x15a: {  	v7 =	vadd.f32 v7, v8;
	[tilespmem:s15+$0xA0] =	vst v4;
	v4 =	vld [tilespmem:s15+$0xB0]  }
0x15b: {  	v8 =	vld [tilespmem:s31+$0xB0]  }
0x15c: {  	v13 =	vld [tilespmem:s15+$0xFFFFFF40];
	v7 =	vmax.f32 v7, $0.0e+00;
	v3 =	vadd.f32 v5, v3  }
0x15d: {  	v5 =	vadd.f32 v10, v6;
	[tilespmem:s15+$0xFFFFFFA0] =	vst v7;
	v6 =	vld [tilespmem:s15+$0xFFFFFFC0]  }
0x15e: {  	v7 =	vld [tilespmem:s31+$0xFFFFFFB0];
	v3 =	vmax.f32 v3, $0.0e+00  }
0x15f: {  	v5 =	vmax.f32 v5, $0.0e+00;
	[tilespmem:s15+$0x20] =	vst v3;
	v10 =	vld [tilespmem:s15+$0x40]  }
0x160: {  	[tilespmem:s15+$0xFFFFFF20] =	vst v5;
	v3 =	vld [tilespmem:s31+$0x30];
	v4 =	vadd.f32 v4, v8  }
0x161: {  	v5 =	vld [tilespmem:s31+$0xFFFFFF30]  }
0x162: {  	v8 =	vld [tilespmem:s15+$0xFFFFFF50];
	v4 =	vmax.f32 v4, $0.0e+00  }
0x163: {  	v7 =	vadd.f32 v12, v7;
	[tilespmem:s15+$0xB0] =	vst v4;
	v4 =	vld [tilespmem:s15+$0xC0]  }
0x164: {  	v12 =	vld [tilespmem:s31+$0xC0]  }
0x165: {  	v7 =	vmax.f32 v7, $0.0e+00;
	v14 =	vld [tilespmem:s15+$0xFFFFFFD0];
	v3 =	vadd.f32 v9, v3  }
0x166: {  	v5 =	vadd.f32 v11, v5;
	[tilespmem:s15+$0xFFFFFFB0] =	vst v7;
	v7 =	vld [tilespmem:s15+$0x50]  }
0x167: {  	v9 =	vld [tilespmem:s31+$0xFFFFFFC0];
	v11 =	vmax.f32 v3, $0.0e+00  }
0x168: {  	v5 =	vmax.f32 v5, $0.0e+00;
	v3 =	vld [tilespmem:s15+$0xFFFFFF60];
	[tilespmem:s15+$0x30] =	vst v11  }
0x169: {  	[tilespmem:s15+$0xFFFFFF30] =	vst v5;
	v5 =	vld [tilespmem:s31+$0x40];
	v11 =	vadd.f32 v4, v12  }
0x16a: {  	v12 =	vld [tilespmem:s31+$0xFFFFFF40]  }
0x16b: {  	v4 =	vld [tilespmem:s15+$0xFFFFFFE0];
	v11 =	vmax.f32 v11, $0.0e+00  }
0x16c: {  	v6 =	vadd.f32 v6, v9;
	[tilespmem:s15+$0xC0] =	vst v11;
	v9 =	vld [tilespmem:s15+$0xD0]  }
0x16d: {  	v11 =	vld [tilespmem:s31+$0xD0]  }
0x16e: {  	v6 =	vmax.f32 v6, $0.0e+00;
	v10 =	vadd.f32 v10, v5;
	v5 =	vld [tilespmem:s15+$0x60]  }
0x16f: {  	v12 =	vadd.f32 v13, v12;
	[tilespmem:s15+$0xFFFFFFC0] =	vst v6;
	v6 =	vld [tilespmem:s14+$0xFFFFFF70]  }
0x170: {  	v13 =	vld [tilespmem:s31+$0xFFFFFFD0];
	v10 =	vmax.f32 v10, $0.0e+00  }
0x171: {  	v12 =	vmax.f32 v12, $0.0e+00;
	[tilespmem:s15+$0x40] =	vst v10;
	v10 =	vld [tilespmem:s14+$0xFFFFFFF0]  }
0x172: {  	[tilespmem:s15+$0xFFFFFF40] =	vst v12;
	v12 =	vld [tilespmem:s31+$0x50];
	v9 =	vadd.f32 v9, v11  }
0x173: {  	v11 =	vld [tilespmem:s31+$0xFFFFFF50]  }
0x174: {  	v9 =	vmax.f32 v9, $0.0e+00;
	v2 =	vadd.f32 v2, v6;
	v6 =	vld [tilespmem:s14+$0x70];
	s14 =	smov.u32 s31  }
0x175: {  	v13 =	vadd.f32 v14, v13;
	[tilespmem:s15+$0xD0] =	vst v9;
	v9 =	vld [tilespmem:s15+$0xE0]  }
0x176: {  	v14 =	vld [tilespmem:s31+$0xE0];
	v15 =	vmax.f32 v2, $0.0e+00;
	v10 =	vadd.f32 v1, v10  }
0x177: {  	v2 =	vld [tilespmem:s15+$0xFFFFFF70];
	v1 =	vmax.f32 v13, $0.0e+00;
	v12 =	vadd.f32 v7, v12;
	[tilespmem:s18+$0xFFFFFF70] =	vst v15  }
0x178: {  	v8 =	vadd.f32 v8, v11;
	[tilespmem:s15+$0xFFFFFFD0] =	vst v1;
	v1 =	vld [tilespmem:s15+$0xFFFFFFF0];
	v10 =	vmax.f32 v10, $0.0e+00  }
.Ltmp2:
0x179: {  	v7 =	vld [tilespmem:s31+$0xFFFFFFE0];
	v11 =	vmax.f32 v12, $0.0e+00;
	[tilespmem:s18+$0xFFFFFFF0] =	vst v10;
	v6 =	vadd.f32 v0, v6;
	(pc) =	sbr.rel @p1 .LBB2_3-.Ltmp2, $4  }
0x17a: {  	v8 =	vmax.f32 v8, $0.0e+00;
	[tilespmem:s15+$0x50] =	vst v11;
	v0 =	vld [tilespmem:s15+$0x70]  }
0x17b: {  	[tilespmem:s15+$0xFFFFFF50] =	vst v8;
	v8 =	vld [tilespmem:s31+$0x60];
	v10 =	vadd.f32 v9, v14;
	v6 =	vmax.f32 v6, $0.0e+00  }
0x17c: {  	v9 =	vld [tilespmem:s31+$0xFFFFFF60];
	[tilespmem:s18+$0x70] =	vst v6;
	s18 =	smov.u32 s15  }
0x17d: {  	s31 =	sadd.s32 $0x200, s31;
	v10 =	vmax.f32 v10, $0.0e+00;
	v6 =	vld [tilespmem:s15+$0xF0]  }
0x17e: {  	_ =	sdelay $0x2  }
0x17f: {  	v3 =	vadd.f32 v3, v9  }
0x180: {  	v4 =	vadd.f32 v4, v7  }
0x181: {  	[tilespmem:s15+$0xE0] =	vst v10;
	v5 =	vadd.f32 v5, v8;
	v3 =	vmax.f32 v3, $0.0e+00  }
0x182: {  	v7 =	vld [tilespmem:s14+$0xF0];
	v4 =	vmax.f32 v4, $0.0e+00;
	[tilespmem:s18+$0xFFFFFF60] =	vst v3  }
0x183: {  	[tilespmem:s18+$0xFFFFFFE0] =	vst v4;
	v3 =	vmax.f32 v5, $0.0e+00;
	v4 =	vld [tilespmem:s14+$0xFFFFFF70]  }
0x184: {  	[tilespmem:s18+$0x60] =	vst v3;
	v3 =	vld [tilespmem:s14+$0xFFFFFFF0]  }
0x185: {  	v5 =	vld [tilespmem:s14+$0x70];
	_ =	sdelay $0x1  }
0x186: {  	v6 =	vadd.f32 v6, v7  }
0x187: {  	v2 =	vadd.f32 v2, v4  }
0x188: {  	v4 =	vmax.f32 v6, $0.0e+00;
	v1 =	vadd.f32 v1, v3  }
0x189: {  	[tilespmem:s18+$0xF0] =	vst v4;
	v0 =	vadd.f32 v0, v5;
	v2 =	vmax.f32 v2, $0.0e+00  }
0x18a: {  	v1 =	vmax.f32 v1, $0.0e+00;
	[tilespmem:s18+$0xFFFFFF70] =	vst v2  }
0x18b: {  	p1 =	sne.s32 s11, $0x7C;
	[tilespmem:s18+$0xFFFFFFF0] =	vst v1;
	v0 =	vmax.f32 v0, $0.0e+00  }
0x18c: {  	s14 =	simm.s32 @p1 $0x4;
	[tilespmem:s18+$0x70] =	vst v0  }
0x18d: {  	[spmem:s20] =	stream.indirect.scatter.add.f32 [tilespmem:s2], [sflag:$0x5], $0x80, s3, s16, $0xb8;
	[tilespmem:$0x19200] =	vst v63  }
0x18e: {  	_ =	swait.ge @p1 [sflag:s14], $0x80  }
0x18f: {  	s15 =	simm.s32 @p1 $0x0;
	[sflag:s14] =	ssyncset.done @p1 $0x0  }
0x190: {  	s18 =	simm.s32 @p1 $0x200;
	[sflag:s14] =	ssyncadd.s32 @p1 $0xFFFFFF80;
	s14 =	simm.s32 @p1 $0x28  }
0x191: {  	[tilespmem:s18], [sflag:$0x1] =	stream.indirect.gather @p1 [hbm4b:s17+s14], $0x80, s15, s14, $0xb8;
	[tilespmem:$0x19200] =	vst v63  }
0x192: {  	s14 =	smul.u32 @p1 $0x28, s13  }
0x193: {  	s18 =	simm.s32 @p1 $0x5  }
0x194: {  	_ =	swait.ge @p1 [sflag:s18], $0x1400;
	s14 =	sadd.s32 @p1 s29, s14  }
0x195: {  	s13 =	sshll.u32 @p1 s13, $0x7;
	[sflag:s18] =	ssyncset.done @p1 $0x0;
	s14 =	sshll.u32 @p1 s14, $0x4  }
0x196: {  	[sflag:s18] =	ssyncadd.s32 @p1 $0xFFFFEC00;
	s18 =	simm.s32 @p1 $0x2A00;
	s14 =	sadd.s32 @p1 s21, s14  }
0x197: {  	[tilespmem:s18], [sflag:$0x2] =	stream.linear.gather @p1 [hbm4b:s14+s15], $0x1400, $0x38;
	[tilespmem:$0x19200] =	vst v63  }
0x198: {  	s14 =	sand.u32 @p1 $0xFC00, s13  }
0x199: {  	s13 =	sand.u32 @p1 $0x300, s13;
	s14 =	sadd.s32 @p1 s28, s14  }
0x19a: {  	s13 =	sor.u32 @p1 s13, s14  }
0x19b: {  	s13 =	sshrl.u32 @p1 s13, $0x3  }
0x19c: {  	s12 =	sadd.s32 @p1 $0x180, s12;
	s14 =	simm.s32 @p1 $0x100;
	s13 =	sadd.s32 @p1 s23, s13  }
0x19d: {  	[tilespmem:s14], [sflag:$0x3] =	stream.linear.gather @p1 [hbm4b:s13+s15], $0x80, $0x38;
	[tilespmem:$0x19200] =	vst v63  }
0x19e: {  	s13 =	sand.u32 @p1 $0xFC00, s12  }
0x19f: {  	s14 =	simm.s32 @p1 $0x1;
	s12 =	sand.u32 @p1 $0x380, s12;
	s13 =	sadd.s32 @p1 s28, s13  }
0x1a0: {  	_ =	swait.ge @p1 [sflag:s14], $0x1400;
	s12 =	sor.u32 @p1 s12, s13  }
0x1a1: {  	[sflag:s14] =	ssyncset.done @p1 $0x0;
	s12 =	sshrl.u32 @p1 s12, $0x3  }
0x1a2: {  	s13 =	simm.s32 @p1 $0x80;
	[sflag:s14] =	ssyncadd.s32 @p1 $0xFFFFEC00;
	s12 =	sadd.s32 @p1 s22, s12  }
0x1a3: {  	[tilespmem:s13], [sflag:$0x4] =	stream.linear.gather @p1 [hbm4b:s12+s15], $0x80, $0x38;
	[tilespmem:$0x19200] =	vst v63  }
0x1a4: {  	s12 =	simm.s32 @!p1 $0x5  }
0x1a5: {  	_ =	swait.ge @!p1 [sflag:s12], $0x1400  }
0x1a6: {  	[sflag:s12] =	ssyncset.done @!p1 $0x0  }
0x1a7: {  	[sflag:s12] =	ssyncadd.s32 @!p1 $0xFFFFEC00;
	s12 =	simm.s32 @!p1 $0x1  }
0x1a8: {  	_ =	swait.ge @!p1 [sflag:s12], $0x1400  }
0x1a9: {  	[sflag:s12] =	ssyncset.done @!p1 $0x0  }
0x1aa: {  	[sflag:s12] =	ssyncadd.s32 @!p1 $0xFFFFEC00  }
0x1ab: {  	_ =	swait.ge [sflag:s7], $0x1400  }
0x1ac: {  	[sflag:s7] =	ssyncset.done $0x0  }
0x1ad: {  	[sflag:s7] =	ssyncadd.s32 $0xFFFFEC00  }
0x1ae: {  	_ =	swait.ge [sflag:s8], $0x80  }
0x1af: {  	[sflag:s8] =	ssyncset.done $0x0  }
0x1b0: {  	s12 =	simm.s32 $0x17F0;
	[sflag:s8] =	ssyncadd.s32 $0xFFFFFF80  }
0x1b1: {  	s13 =	simm.s32 $0x3FF0;
	v0 =	vld [tilespmem:s12+$0xFFFFFF90]  }
0x1b2: {  	v1 =	vld [tilespmem:s13+$0xFFFFFF90]  }
0x1b3: {  	v2 =	vld [tilespmem:s13+$0xFFFFFE10]  }
0x1b4: {  	v3 =	vld [tilespmem:s12+$0xFFFFFE90]  }
0x1b5: {  	v4 =	vld [tilespmem:s13+$0xFFFFFE90]  }
0x1b6: {  	v5 =	vld [tilespmem:s13+$0xFFFFFF10]  }
0x1b7: {  	v0 =	vadd.f32 v1, v0;
	v1 =	vld [tilespmem:s12+$0xFFFFFF10]  }
0x1b8: {  	v6 =	vld [tilespmem:s12+$0xFFFFFE10]  }
0x1b9: {  	v0 =	vmax.f32 v0, $0.0e+00  }
0x1ba: {  	v3 =	vadd.f32 v4, v3;
	[tilespmem:s13+$0xFFFFFF90] =	vst v0;
	v0 =	vld [tilespmem:s13+$0xFFFFFFA0]  }
0x1bb: {  	v7 =	vld [tilespmem:s12+$0xFFFFFFA0]  }
0x1bc: {  	v8 =	vld [tilespmem:s13+$0xFFFFFEA0];
	v3 =	vmax.f32 v3, $0.0e+00;
	v1 =	vadd.f32 v5, v1  }
0x1bd: {  	v4 =	vld [tilespmem:s13+$0xFFFFFE20];
	v2 =	vadd.f32 v2, v6;
	[tilespmem:s13+$0xFFFFFE90] =	vst v3  }
0x1be: {  	v5 =	vld [tilespmem:s12+$0xFFFFFEA0];
	v1 =	vmax.f32 v1, $0.0e+00  }
0x1bf: {  	v2 =	vmax.f32 v2, $0.0e+00;
	v3 =	vld [tilespmem:s13+$0xFFFFFF20];
	[tilespmem:s13+$0xFFFFFF10] =	vst v1  }
0x1c0: {  	[tilespmem:s13+$0xFFFFFE10] =	vst v2;
	v0 =	vadd.f32 v0, v7;
	v1 =	vld [tilespmem:s12+$0xFFFFFF20]  }
0x1c1: {  	v2 =	vld [tilespmem:s12+$0xFFFFFE20]  }
0x1c2: {  	v0 =	vmax.f32 v0, $0.0e+00  }
0x1c3: {  	v5 =	vadd.f32 v8, v5;
	[tilespmem:s13+$0xFFFFFFA0] =	vst v0;
	v0 =	vld [tilespmem:s13+$0xFFFFFFB0]  }
0x1c4: {  	v7 =	vld [tilespmem:s12+$0xFFFFFFB0]  }
0x1c5: {  	v6 =	vld [tilespmem:s13+$0xFFFFFE30];
	v5 =	vmax.f32 v5, $0.0e+00;
	v1 =	vadd.f32 v3, v1  }
0x1c6: {  	v2 =	vadd.f32 v4, v2;
	v8 =	vld [tilespmem:s13+$0xFFFFFEB0];
	[tilespmem:s13+$0xFFFFFEA0] =	vst v5  }
0x1c7: {  	v4 =	vld [tilespmem:s12+$0xFFFFFEB0];
	v1 =	vmax.f32 v1, $0.0e+00  }
0x1c8: {  	v2 =	vmax.f32 v2, $0.0e+00;
	v3 =	vld [tilespmem:s13+$0xFFFFFF30];
	[tilespmem:s13+$0xFFFFFF20] =	vst v1  }
0x1c9: {  	[tilespmem:s13+$0xFFFFFE20] =	vst v2;
	v0 =	vadd.f32 v0, v7;
	v1 =	vld [tilespmem:s12+$0xFFFFFF30]  }
0x1ca: {  	v2 =	vld [tilespmem:s12+$0xFFFFFE30]  }
0x1cb: {  	v0 =	vmax.f32 v0, $0.0e+00  }
0x1cc: {  	v4 =	vadd.f32 v8, v4;
	[tilespmem:s13+$0xFFFFFFB0] =	vst v0;
	v0 =	vld [tilespmem:s13+$0xFFFFFFC0]  }
0x1cd: {  	v7 =	vld [tilespmem:s12+$0xFFFFFFC0]  }
0x1ce: {  	v9 =	vld [tilespmem:s13+$0xFFFFFF40];
	v4 =	vmax.f32 v4, $0.0e+00;
	v1 =	vadd.f32 v3, v1  }
0x1cf: {  	v2 =	vadd.f32 v6, v2;
	v8 =	vld [tilespmem:s13+$0xFFFFFEC0];
	[tilespmem:s13+$0xFFFFFEB0] =	vst v4  }
0x1d0: {  	v3 =	vld [tilespmem:s12+$0xFFFFFEC0];
	v1 =	vmax.f32 v1, $0.0e+00  }
0x1d1: {  	v5 =	vld [tilespmem:s13+$0xFFFFFE40];
	[tilespmem:s13+$0xFFFFFF30] =	vst v1;
	v1 =	vmax.f32 v2, $0.0e+00  }
0x1d2: {  	v0 =	vadd.f32 v0, v7;
	[tilespmem:s13+$0xFFFFFE30] =	vst v1;
	v1 =	vld [tilespmem:s12+$0xFFFFFF40]  }
0x1d3: {  	v6 =	vld [tilespmem:s12+$0xFFFFFE40]  }
0x1d4: {  	v10 =	vld [tilespmem:s13+$0xFFFFFE50];
	v0 =	vmax.f32 v0, $0.0e+00  }
0x1d5: {  	v3 =	vadd.f32 v8, v3;
	[tilespmem:s13+$0xFFFFFFC0] =	vst v0;
	v0 =	vld [tilespmem:s13+$0xFFFFFFD0]  }
0x1d6: {  	v7 =	vld [tilespmem:s12+$0xFFFFFFD0]  }
0x1d7: {  	v11 =	vld [tilespmem:s13+$0xFFFFFEE0];
	v3 =	vmax.f32 v3, $0.0e+00;
	v1 =	vadd.f32 v9, v1  }
0x1d8: {  	v4 =	vld [tilespmem:s13+$0xFFFFFED0];
	[tilespmem:s13+$0xFFFFFEC0] =	vst v3;
	v5 =	vadd.f32 v5, v6  }
0x1d9: {  	v6 =	vld [tilespmem:s12+$0xFFFFFED0];
	v1 =	vmax.f32 v1, $0.0e+00  }
0x1da: {  	v2 =	vld [tilespmem:s13+$0xFFFFFF50];
	[tilespmem:s13+$0xFFFFFF40] =	vst v1;
	v1 =	vmax.f32 v5, $0.0e+00  }
0x1db: {  	v0 =	vadd.f32 v0, v7;
	v5 =	vld [tilespmem:s12+$0xFFFFFF50];
	[tilespmem:s13+$0xFFFFFE40] =	vst v1  }
0x1dc: {  	v1 =	vld [tilespmem:s12+$0xFFFFFE50]  }
0x1dd: {  	v8 =	vld [tilespmem:s13+$0xFFFFFE60];
	v0 =	vmax.f32 v0, $0.0e+00  }
0x1de: {  	[tilespmem:s13+$0xFFFFFFD0] =	vst v0;
	v0 =	vadd.f32 v4, v6;
	v6 =	vld [tilespmem:s13+$0xFFFFFFE0]  }
0x1df: {  	v7 =	vld [tilespmem:s12+$0xFFFFFFE0]  }
0x1e0: {  	v3 =	vld [tilespmem:s13+$0xFFFFFE70];
	v0 =	vmax.f32 v0, $0.0e+00;
	v2 =	vadd.f32 v2, v5  }
0x1e1: {  	v9 =	vld [tilespmem:s13+$0xFFFFFF60];
	[tilespmem:s13+$0xFFFFFED0] =	vst v0;
	v0 =	vadd.f32 v10, v1  }
0x1e2: {  	v1 =	vld [tilespmem:s12+$0xFFFFFEE0];
	v2 =	vmax.f32 v2, $0.0e+00  }
0x1e3: {  	v4 =	vld [tilespmem:s13+$0xFFFFFEF0];
	[tilespmem:s13+$0xFFFFFF50] =	vst v2;
	v0 =	vmax.f32 v0, $0.0e+00  }
0x1e4: {  	v2 =	vld [tilespmem:s12+$0xFFFFFF60];
	v6 =	vadd.f32 v6, v7;
	[tilespmem:s13+$0xFFFFFE50] =	vst v0  }
0x1e5: {  	v0 =	vld [tilespmem:s12+$0xFFFFFE60]  }
0x1e6: {  	v5 =	vld [tilespmem:s13+$0xFFFFFF70];
	v6 =	vmax.f32 v6, $0.0e+00  }
0x1e7: {  	v1 =	vadd.f32 v11, v1;
	[tilespmem:s13+$0xFFFFFFE0] =	vst v6;
	v6 =	vld [tilespmem:s13+$0xFFFFFFF0]  }
0x1e8: {  	v10 =	vld [tilespmem:s12+$0xFFFFFFF0]  }
0x1e9: {  	v1 =	vmax.f32 v1, $0.0e+00;
	v7 =	vadd.f32 v9, v2;
	v2 =	vld [tilespmem:s13+$0xFFFFFE80]  }
0x1ea: {  	[tilespmem:s13+$0xFFFFFEE0] =	vst v1;
	v0 =	vadd.f32 v8, v0;
	v1 =	vld [tilespmem:s13+$0xFFFFFF00]  }
0x1eb: {  	v8 =	vmax.f32 v7, $0.0e+00;
	v7 =	vld [tilespmem:s12+$0xFFFFFEF0]  }
0x1ec: {  	[tilespmem:s13+$0xFFFFFF60] =	vst v8;
	v8 =	vmax.f32 v0, $0.0e+00;
	v0 =	vld [tilespmem:s13+$0xFFFFFF80]  }
0x1ed: {  	[tilespmem:s13+$0xFFFFFE60] =	vst v8;
	v8 =	vld [tilespmem:s12+$0xFFFFFF70];
	v6 =	vadd.f32 v6, v10  }
0x1ee: {  	v9 =	vld [tilespmem:s12+$0xFFFFFE70]  }
0x1ef: {  	s18 =	simm.s32 $0x19F0;
	s14 =	simm.s32 $0x3FF0;
	s15 =	simm.s32 $0x0;
	v10 =	vmax.f32 v6, $0.0e+00;
	v6 =	vld [tilespmem:s13+$0x0]  }
.LBB2_5:
0x1f0: {  	v11 =	vld [tilespmem:s18+$0xFFFFFF90];
	v4 =	vadd.f32 v4, v7;
	[tilespmem:s13+$0xFFFFFFF0] =	vst v10  }
0x1f1: {  	s13 =	sadd.s32 $0x200, s13;
	v7 =	vld [tilespmem:s12+$0x0]  }
0x1f2: {  	s15 =	sadd.s32 $0x4, s15;
	v10 =	vld [tilespmem:s13+$0xFFFFFF90];
	v4 =	vmax.f32 v4, $0.0e+00;
	v5 =	vadd.f32 v5, v8  }
0x1f3: {  	p1 =	slt.u32 s15, $0x24;
	v8 =	vld [tilespmem:s13+$0xFFFFFE10];
	v3 =	vadd.f32 v3, v9;
	[tilespmem:s14+$0xFFFFFEF0] =	vst v4  }
0x1f4: {  	v4 =	vld [tilespmem:s18+$0xFFFFFE90];
	v5 =	vmax.f32 v5, $0.0e+00  }
0x1f5: {  	v9 =	vld [tilespmem:s13+$0xFFFFFE90];
	v3 =	vmax.f32 v3, $0.0e+00;
	[tilespmem:s14+$0xFFFFFF70] =	vst v5  }
0x1f6: {  	v5 =	vld [tilespmem:s18+$0xFFFFFF10];
	[tilespmem:s14+$0xFFFFFE70] =	vst v3;
	v3 =	vadd.f32 v6, v7  }
0x1f7: {  	v6 =	vld [tilespmem:s13+$0xFFFFFF10];
	v7 =	vadd.f32 v10, v11  }
0x1f8: {  	v10 =	vld [tilespmem:s18+$0xFFFFFE10];
	v3 =	vmax.f32 v3, $0.0e+00  }
0x1f9: {  	v11 =	vld [tilespmem:s13+$0xFFFFFE20];
	v7 =	vmax.f32 v7, $0.0e+00;
	[tilespmem:s14+$0x0] =	vst v3  }
0x1fa: {  	v3 =	vadd.f32 v9, v4;
	[tilespmem:s13+$0xFFFFFF90] =	vst v7;
	v4 =	vld [tilespmem:s13+$0xFFFFFFA0]  }
0x1fb: {  	v7 =	vld [tilespmem:s18+$0xFFFFFFA0]  }
0x1fc: {  	v3 =	vmax.f32 v3, $0.0e+00;
	v9 =	vld [tilespmem:s13+$0xFFFFFEA0];
	v5 =	vadd.f32 v6, v5  }
0x1fd: {  	v6 =	vadd.f32 v8, v10;
	[tilespmem:s13+$0xFFFFFE90] =	vst v3;
	v3 =	vld [tilespmem:s13+$0xFFFFFF20]  }
0x1fe: {  	v8 =	vld [tilespmem:s18+$0xFFFFFEA0];
	v5 =	vmax.f32 v5, $0.0e+00  }
0x1ff: {  	v6 =	vmax.f32 v6, $0.0e+00;
	v10 =	vld [tilespmem:s13+$0xFFFFFE30];
	[tilespmem:s13+$0xFFFFFF10] =	vst v5  }
0x200: {  	[tilespmem:s13+$0xFFFFFE10] =	vst v6;
	v5 =	vld [tilespmem:s18+$0xFFFFFF20];
	v4 =	vadd.f32 v4, v7  }
0x201: {  	v6 =	vld [tilespmem:s18+$0xFFFFFE20]  }
0x202: {  	v7 =	vld [tilespmem:s13+$0xFFFFFEB0];
	v4 =	vmax.f32 v4, $0.0e+00  }
0x203: {  	v8 =	vadd.f32 v9, v8;
	[tilespmem:s13+$0xFFFFFFA0] =	vst v4;
	v4 =	vld [tilespmem:s13+$0xFFFFFFB0]  }
0x204: {  	v9 =	vld [tilespmem:s18+$0xFFFFFFB0]  }
0x205: {  	v8 =	vmax.f32 v8, $0.0e+00;
	v3 =	vadd.f32 v3, v5;
	v5 =	vld [tilespmem:s13+$0xFFFFFF30]  }
0x206: {  	v6 =	vadd.f32 v11, v6;
	v11 =	vld [tilespmem:s13+$0xFFFFFE40];
	[tilespmem:s13+$0xFFFFFEA0] =	vst v8  }
0x207: {  	v8 =	vld [tilespmem:s18+$0xFFFFFEB0];
	v3 =	vmax.f32 v3, $0.0e+00  }
0x208: {  	v6 =	vmax.f32 v6, $0.0e+00;
	v12 =	vld [tilespmem:s13+$0xFFFFFEC0];
	[tilespmem:s13+$0xFFFFFF20] =	vst v3  }
0x209: {  	[tilespmem:s13+$0xFFFFFE20] =	vst v6;
	v3 =	vld [tilespmem:s18+$0xFFFFFF30];
	v4 =	vadd.f32 v4, v9  }
0x20a: {  	v6 =	vld [tilespmem:s18+$0xFFFFFE30]  }
0x20b: {  	v9 =	vld [tilespmem:s13+$0xFFFFFF40];
	v4 =	vmax.f32 v4, $0.0e+00  }
0x20c: {  	v7 =	vadd.f32 v7, v8;
	[tilespmem:s13+$0xFFFFFFB0] =	vst v4;
	v4 =	vld [tilespmem:s13+$0xFFFFFFC0]  }
0x20d: {  	v8 =	vld [tilespmem:s18+$0xFFFFFFC0]  }
0x20e: {  	v13 =	vld [tilespmem:s13+$0xFFFFFE50];
	v7 =	vmax.f32 v7, $0.0e+00;
	v3 =	vadd.f32 v5, v3  }
0x20f: {  	v5 =	vadd.f32 v10, v6;
	[tilespmem:s13+$0xFFFFFEB0] =	vst v7;
	v6 =	vld [tilespmem:s13+$0xFFFFFED0]  }
0x210: {  	v7 =	vld [tilespmem:s18+$0xFFFFFEC0];
	v3 =	vmax.f32 v3, $0.0e+00  }
0x211: {  	v5 =	vmax.f32 v5, $0.0e+00;
	[tilespmem:s13+$0xFFFFFF30] =	vst v3;
	v10 =	vld [tilespmem:s13+$0xFFFFFF50]  }
0x212: {  	[tilespmem:s13+$0xFFFFFE30] =	vst v5;
	v3 =	vld [tilespmem:s18+$0xFFFFFF40];
	v4 =	vadd.f32 v4, v8  }
0x213: {  	v5 =	vld [tilespmem:s18+$0xFFFFFE40]  }
0x214: {  	v8 =	vld [tilespmem:s13+$0xFFFFFE60];
	v4 =	vmax.f32 v4, $0.0e+00  }
0x215: {  	v7 =	vadd.f32 v12, v7;
	[tilespmem:s13+$0xFFFFFFC0] =	vst v4;
	v4 =	vld [tilespmem:s13+$0xFFFFFFD0]  }
0x216: {  	v12 =	vld [tilespmem:s18+$0xFFFFFFD0]  }
0x217: {  	v7 =	vmax.f32 v7, $0.0e+00;
	v14 =	vld [tilespmem:s13+$0xFFFFFEE0];
	v3 =	vadd.f32 v9, v3  }
0x218: {  	v5 =	vadd.f32 v11, v5;
	[tilespmem:s13+$0xFFFFFEC0] =	vst v7;
	v7 =	vld [tilespmem:s13+$0xFFFFFF60]  }
0x219: {  	v9 =	vld [tilespmem:s18+$0xFFFFFED0];
	v11 =	vmax.f32 v3, $0.0e+00  }
0x21a: {  	v5 =	vmax.f32 v5, $0.0e+00;
	v3 =	vld [tilespmem:s13+$0xFFFFFE70];
	[tilespmem:s13+$0xFFFFFF40] =	vst v11  }
0x21b: {  	[tilespmem:s13+$0xFFFFFE40] =	vst v5;
	v5 =	vld [tilespmem:s18+$0xFFFFFF50];
	v11 =	vadd.f32 v4, v12  }
0x21c: {  	v12 =	vld [tilespmem:s18+$0xFFFFFE50]  }
0x21d: {  	v4 =	vld [tilespmem:s13+$0xFFFFFEF0];
	v11 =	vmax.f32 v11, $0.0e+00  }
0x21e: {  	v6 =	vadd.f32 v6, v9;
	[tilespmem:s13+$0xFFFFFFD0] =	vst v11;
	v9 =	vld [tilespmem:s13+$0xFFFFFFE0]  }
0x21f: {  	v11 =	vld [tilespmem:s18+$0xFFFFFFE0]  }
0x220: {  	v6 =	vmax.f32 v6, $0.0e+00;
	v10 =	vadd.f32 v10, v5;
	v5 =	vld [tilespmem:s13+$0xFFFFFF70]  }
0x221: {  	v12 =	vadd.f32 v13, v12;
	[tilespmem:s13+$0xFFFFFED0] =	vst v6;
	v6 =	vld [tilespmem:s12+$0xFFFFFE80]  }
0x222: {  	v13 =	vld [tilespmem:s18+$0xFFFFFEE0];
	v10 =	vmax.f32 v10, $0.0e+00  }
0x223: {  	v12 =	vmax.f32 v12, $0.0e+00;
	[tilespmem:s13+$0xFFFFFF50] =	vst v10;
	v10 =	vld [tilespmem:s12+$0xFFFFFF00]  }
0x224: {  	[tilespmem:s13+$0xFFFFFE50] =	vst v12;
	v12 =	vld [tilespmem:s18+$0xFFFFFF60];
	v9 =	vadd.f32 v9, v11  }
0x225: {  	v11 =	vld [tilespmem:s18+$0xFFFFFE60]  }
0x226: {  	v9 =	vmax.f32 v9, $0.0e+00;
	v2 =	vadd.f32 v2, v6;
	v6 =	vld [tilespmem:s12+$0xFFFFFF80];
	s12 =	smov.u32 s18  }
0x227: {  	v13 =	vadd.f32 v14, v13;
	[tilespmem:s13+$0xFFFFFFE0] =	vst v9;
	v9 =	vld [tilespmem:s13+$0xFFFFFFF0]  }
0x228: {  	v14 =	vld [tilespmem:s18+$0xFFFFFFF0];
	v15 =	vmax.f32 v2, $0.0e+00;
	v10 =	vadd.f32 v1, v10  }
0x229: {  	v2 =	vld [tilespmem:s13+$0xFFFFFE80];
	v1 =	vmax.f32 v13, $0.0e+00;
	v12 =	vadd.f32 v7, v12;
	[tilespmem:s14+$0xFFFFFE80] =	vst v15  }
0x22a: {  	v8 =	vadd.f32 v8, v11;
	[tilespmem:s13+$0xFFFFFEE0] =	vst v1;
	v1 =	vld [tilespmem:s13+$0xFFFFFF00];
	v10 =	vmax.f32 v10, $0.0e+00  }
.Ltmp3:
0x22b: {  	v7 =	vld [tilespmem:s18+$0xFFFFFEF0];
	v11 =	vmax.f32 v12, $0.0e+00;
	[tilespmem:s14+$0xFFFFFF00] =	vst v10;
	v6 =	vadd.f32 v0, v6;
	(pc) =	sbr.rel @p1 .LBB2_5-.Ltmp3, $4  }
0x22c: {  	v8 =	vmax.f32 v8, $0.0e+00;
	[tilespmem:s13+$0xFFFFFF60] =	vst v11;
	v0 =	vld [tilespmem:s13+$0xFFFFFF80]  }
0x22d: {  	[tilespmem:s13+$0xFFFFFE60] =	vst v8;
	v8 =	vld [tilespmem:s18+$0xFFFFFF70];
	v10 =	vadd.f32 v9, v14;
	v6 =	vmax.f32 v6, $0.0e+00  }
0x22e: {  	v9 =	vld [tilespmem:s18+$0xFFFFFE70];
	[tilespmem:s14+$0xFFFFFF80] =	vst v6;
	s14 =	smov.u32 s13  }
0x22f: {  	s18 =	sadd.s32 $0x200, s18;
	v10 =	vmax.f32 v10, $0.0e+00;
	v6 =	vld [tilespmem:s13+$0x0]  }
0x230: {  	_ = 	snop  }
0x231: {  	v4 =	vadd.f32 v4, v7  }
0x232: {  	v5 =	vadd.f32 v5, v8  }
0x233: {  	[tilespmem:s13+$0xFFFFFFF0] =	vst v10;
	v4 =	vmax.f32 v4, $0.0e+00;
	v3 =	vadd.f32 v3, v9  }
0x234: {  	v58 =	vld [tilespmem:s12+$0x0];
	[tilespmem:s14+$0xFFFFFEF0] =	vst v4;
	v59 =	vmax.f32 v5, $0.0e+00  }
0x235: {  	v61 =	vld [tilespmem:s12+$0xFFFFFF00];
	v3 =	vmax.f32 v3, $0.0e+00;
	[tilespmem:s14+$0xFFFFFF70] =	vst v59  }
0x236: {  	[tilespmem:s14+$0xFFFFFE70] =	vst v3;
	v62 =	vld [tilespmem:s12+$0xFFFFFF80]  }
0x237: {  	v60 =	vld [tilespmem:s12+$0xFFFFFE80];
	_ =	sdelay $0x1  }
0x238: {  	v6 =	vadd.f32 v6, v58  }
0x239: {  	v1 =	vadd.f32 v1, v61  }
0x23a: {  	v63 =	vmax.f32 v6, $0.0e+00;
	v0 =	vadd.f32 v0, v62  }
.Ltmp4:
0x23b: {  	[tilespmem:s14+$0x0] =	vst v63;
	v1 =	vmax.f32 v1, $0.0e+00;
	v2 =	vadd.f32 v2, v60;
	(pc) =	sbr.rel @p0 .LBB2_8-.Ltmp4, $4  }
0x23c: {  	[tilespmem:s14+$0xFFFFFF00] =	vst v1;
	v0 =	vmax.f32 v0, $0.0e+00  }
0x23d: {  	v2 =	vmax.f32 v2, $0.0e+00;
	[tilespmem:s14+$0xFFFFFF80] =	vst v0  }
0x23e: {  	[tilespmem:s14+$0xFFFFFE80] =	vst v2  }
0x23f: {  	[spmem:s20] =	stream.indirect.scatter.add.f32 [tilespmem:s4], [sflag:$0x5], $0x80, s5, s16, $0xb8;
	[tilespmem:$0x19200] =	vst v63  }
.Ltmp5:
0x240: {  	(pc) =	sbr.rel .LBB2_2-.Ltmp5, $4  }
0x241: {  	_ =	swait.ge [sflag:s30], $0x80  }
0x242: {  	[sflag:s30] =	ssyncset.done $0x0  }
0x243: {  	s11 =	sadd.s32 $0x1, s11;
	[sflag:s30] =	ssyncadd.s32 $0xFFFFFF80  }
0x244: {  	[tilespmem:s0], [sflag:$0x1] =	stream.indirect.gather [hbm4b:s17+s16], $0x80, s26, s16, $0xb8;
	[tilespmem:$0x19200] =	vst v63  }
.LBB2_9:
0x245: {  	_ =	sfence.sel $0x180000  }
0x246: {  	[bflag:$0x0] =	sbarrier.arrive $0xFFFF  }
0x247: {  	_ =	strace $0x90000047  }
0x248: {  	s0 =	stileid.u32;
	[bflag:$0x2] =	sbarrier.arrive $0xFFFF  }
0x249: {  	p0 =	sne.s32 s0, $0x0;
	s0 =	rddreg [dreg:$0x3]  }
0x24a: {  	s0 =	sadd.s32 @!p0 $0x100000, s0  }
0x24b: {  	[sflag:s0] =	ssyncadd.tile.s32 @!p0 $0x1;
	_ =	shalt  }
.Lfunc_end2:
_tile_overlayer_lowered:
.L_overlay_start_2:
0x24c: {  	(tag) =	ssettag $0x2  }
0x24d: {  	s0 =	rddreg [dreg:$0x0];
	s2 =	stileid.u32  }
0x24e: {  	s1 =	rddreg [dreg:$0x1];
	p0 =	sne.s32 s2, $0x0  }
0x24f: {  	s3 =	rddreg [dreg:$0x2];
	[bflag:$0x3] =	sbarrier.arrive $0xFFFF;
	s2 =	simm.s32 @!p0 $0x1C06  }
0x250: {  	[timem:s3], [sflag:s2] =	dma.local @!p0 [hbm:s0], s1  }
0x251: {  	s0 =	simm.s32 @!p0 $0x6  }
0x252: {  	_ =	swait.ge @!p0 [sflag:s0], s1  }
0x253: {  	s1 =	ssub.s32 @!p0 $0x0, s1;
	[sflag:s0] =	ssyncset.done @!p0 $0x0  }
0x254: {  	[sflag:s0] =	ssyncadd.s32 @!p0 s1  }
0x255: {  	[bflag:$0x3] =	sbarrier.arrive $0xFFFF  }
0x256: {  	_ =	shalt  }

</sc_bundles>
